<compile_context>
chip_gen: v7x
topology: tpu7x:2x2x1
jax: 0.10.2.dev20260603
libtpu: 0.0.44.dev20260713+nightly
codegen_flags: <defaults>
</compile_context>

<pallas_src>
import functools

import jax
import jax.numpy as jnp
from jax import lax
from jax.experimental import pallas as pl
from jax.experimental.pallas import tpu as pltpu
from jax.experimental.pallas import tpu_sc as plsc

N_SRC = 10000
N_TGT = 10000
E = 320000
D = 128
H = 128
OUT = 64
HW = 64

NPAD = 10240
DUMMY = 10000
STRIPE = NPAD // 16
CH1 = 157

_f32 = jnp.float32
_i32 = jnp.int32


@functools.cache
def _mesh():
    return plsc.VectorSubcoreMesh(core_axis_name="c", subcore_axis_name="s")


def _zero_vec_loop(ref, n16):
    def body(i, _):
        ref[pl.ds(i * 16, 16)] = jnp.zeros((16,), _f32)
        return 0
    lax.fori_loop(0, n16, body, 0)


def _zero_rows(rows_v):
    n = 128 * HW // 16

    def body(i, _):
        r = i // (HW // 16)
        k = i % (HW // 16)
        rows_v[r, pl.ds(k * 16, 16)] = jnp.zeros((16,), _f32)
        return 0
    lax.fori_loop(0, n, body, 0)


def _fill_ones(ones_v):
    def body(i, _):
        ones_v[pl.ds(i * 16, 16)] = jnp.ones((16,), _f32)
        return 0
    lax.fori_loop(0, 8, body, 0)


def _accumulate(x_hbm, si_hbm, di_hbm, tile, nch, si_v, di_v, rows_a, rows_b,
                ones_v, acc_sh, cnt_sh, sem_a, sem_b):
    pltpu.sync_copy(si_hbm.at[tile], si_v)
    pltpu.sync_copy(di_hbm.at[tile], di_v)

    def start(j, buf, sem):
        pltpu.async_copy(x_hbm.at[si_v.at[j]], buf, sem)

    def wait(j, buf, sem):
        pltpu.make_async_copy(x_hbm.at[si_v.at[j]], buf, sem).wait()

    def scatter(j, buf):
        pltpu.sync_copy(buf, acc_sh.at[di_v.at[j]], add=True)
        if cnt_sh is not None:
            pltpu.sync_copy(ones_v, cnt_sh.at[di_v.at[j]], add=True)

    start(0, rows_a, sem_a)

    @pl.when(1 < nch)
    def _():
        start(1, rows_b, sem_b)

    def body(p, _):
        j = 2 * p
        wait(j, rows_a, sem_a)
        scatter(j, rows_a)

        @pl.when(j + 2 < nch)
        def _():
            start(j + 2, rows_a, sem_a)

        @pl.when(j + 1 < nch)
        def _():
            wait(j + 1, rows_b, sem_b)
            scatter(j + 1, rows_b)

        @pl.when(j + 3 < nch)
        def _():
            start(j + 3, rows_b, sem_b)
        return 0
    lax.fori_loop(0, (nch + 1) // 2, body, 0)


def _zero_acc_stripe(rows_v, acc_sh, t):
    for b in range(STRIPE // 128):
        pltpu.sync_copy(rows_v, acc_sh.at[pl.ds(t * STRIPE + b * 128, 128)])


def _conv_body_counts(xa_hbm, xb_hbm, e_si, e_di,
                      sum_a, sum_b, cnt,
                      si_v, di_v, rows_v, rows_w, ones_v, zc_v, acc_sh,
                      cnt_sh, sem_a, sem_b):
    c = lax.axis_index("c")
    t = lax.axis_index("s")

    _zero_rows(rows_v)
    _fill_ones(ones_v)
    _zero_vec_loop(zc_v, STRIPE // 16)
    _zero_acc_stripe(rows_v, acc_sh, t)

    @pl.when(c == 0)
    def _():
        pltpu.sync_copy(zc_v, cnt_sh.at[pl.ds(t * STRIPE, STRIPE)])

    plsc.subcore_barrier()

    @pl.when(c == 0)
    def _():
        _accumulate(xa_hbm, e_si, e_di, t, CH1, si_v, di_v, rows_v, rows_w,
                    ones_v, acc_sh, cnt_sh, sem_a, sem_b)

    @pl.when(c == 1)
    def _():
        _accumulate(xb_hbm, e_si, e_di, t, CH1, si_v, di_v, rows_v, rows_w,
                    None, acc_sh, None, sem_a, sem_b)

    plsc.subcore_barrier()

    @pl.when(c == 0)
    def _():
        pltpu.sync_copy(acc_sh.at[pl.ds(t * STRIPE, STRIPE)],
                        sum_a.at[pl.ds(t * STRIPE, STRIPE)])
        pltpu.sync_copy(cnt_sh.at[pl.ds(t * STRIPE, STRIPE)],
                        cnt.at[pl.ds(t * STRIPE, STRIPE)])

    @pl.when(c == 1)
    def _():
        pltpu.sync_copy(acc_sh.at[pl.ds(t * STRIPE, STRIPE)],
                        sum_b.at[pl.ds(t * STRIPE, STRIPE)])


def _p1_body_nocounts(xs_hbm, xt_hbm, st_si, st_di, ts_si, ts_di,
                      sum_st, sum_ts,
                      si_v, di_v, rows_v, rows_w, acc_sh, sem_a, sem_b):
    c = lax.axis_index("c")
    t = lax.axis_index("s")

    _zero_rows(rows_v)
    _zero_acc_stripe(rows_v, acc_sh, t)
    plsc.subcore_barrier()

    @pl.when(c == 0)
    def _():
        _accumulate(xs_hbm, st_si, st_di, t, CH1, si_v, di_v, rows_v, rows_w,
                    None, acc_sh, None, sem_a, sem_b)

    @pl.when(c == 1)
    def _():
        _accumulate(xt_hbm, ts_si, ts_di, t, CH1, si_v, di_v, rows_v, rows_w,
                    None, acc_sh, None, sem_a, sem_b)

    plsc.subcore_barrier()

    @pl.when(c == 0)
    def _():
        pltpu.sync_copy(acc_sh.at[pl.ds(t * STRIPE, STRIPE)],
                        sum_st.at[pl.ds(t * STRIPE, STRIPE)])

    @pl.when(c == 1)
    def _():
        pltpu.sync_copy(acc_sh.at[pl.ds(t * STRIPE, STRIPE)],
                        sum_ts.at[pl.ds(t * STRIPE, STRIPE)])


@functools.cache
def _sc_conv_counts():
    return pl.kernel(
        _conv_body_counts,
        out_type=(
            jax.ShapeDtypeStruct((NPAD, HW), _f32),
            jax.ShapeDtypeStruct((NPAD, HW), _f32),
            jax.ShapeDtypeStruct((NPAD,), _f32),
        ),
        mesh=_mesh(),
        compiler_params=pltpu.CompilerParams(use_tc_tiling_on_sc=False),
        scratch_types=[
            pltpu.VMEM((CH1, 128), _i32),
            pltpu.VMEM((CH1, 128), _i32),
            pltpu.VMEM((128, HW), _f32),
            pltpu.VMEM((128, HW), _f32),
            pltpu.VMEM((128,), _f32),
            pltpu.VMEM((STRIPE,), _f32),
            pltpu.VMEM_SHARED((NPAD, HW), _f32),
            pltpu.VMEM_SHARED((NPAD,), _f32),
            pltpu.SemaphoreType.DMA,
            pltpu.SemaphoreType.DMA,
        ],
    )


@functools.cache
def _sc_pass1_nocounts():
    return pl.kernel(
        _p1_body_nocounts,
        out_type=(
            jax.ShapeDtypeStruct((NPAD, HW), _f32),
            jax.ShapeDtypeStruct((NPAD, HW), _f32),
        ),
        mesh=_mesh(),
        compiler_params=pltpu.CompilerParams(use_tc_tiling_on_sc=False),
        scratch_types=[
            pltpu.VMEM((CH1, 128), _i32),
            pltpu.VMEM((CH1, 128), _i32),
            pltpu.VMEM((128, HW), _f32),
            pltpu.VMEM((128, HW), _f32),
            pltpu.VMEM_SHARED((NPAD, HW), _f32),
            pltpu.SemaphoreType.DMA,
            pltpu.SemaphoreType.DMA,
        ],
    )


def _lrelu(x):
    return jnp.where(x >= 0, x, 0.01 * x)


_BLK = 2048


def _tc_conv_split_body(sum_a, sum_b, cnt, x, wl, bl, wr, outa, outb):
    r = 1.0 / jnp.maximum(cnt[...], 1.0)
    mean = jnp.concatenate([sum_a[...], sum_b[...]], axis=1) * r[:, None]
    h = (jnp.dot(mean, wl[...].T, preferred_element_type=_f32)
         + bl[...][None, :]
         + jnp.dot(x[...], wr[...].T, preferred_element_type=_f32))
    a = _lrelu(h)
    outa[...] = a[:, :HW]
    outb[...] = a[:, HW:]


def _tc_conv_body(sum_a, sum_b, cnt, x, wl, bl, wr, out):
    r = 1.0 / jnp.maximum(cnt[...], 1.0)
    mean = jnp.concatenate([sum_a[...], sum_b[...]], axis=1) * r[:, None]
    h = (jnp.dot(mean, wl[...].T, preferred_element_type=_f32)
         + bl[...][None, :]
         + jnp.dot(x[...], wr[...].T, preferred_element_type=_f32))
    out[...] = _lrelu(h)


def _tc_layer1_body(sa, sb, cnt, xs0, wl, bl, wr, wo, bo, out):
    r = 1.0 / jnp.maximum(cnt[...], 1.0)
    mean = jnp.concatenate([sa[...], sb[...]], axis=1) * r[:, None]
    h = (jnp.dot(mean, wl[...].T, preferred_element_type=_f32)
         + bl[...][None, :]
         + jnp.dot(xs0[...], wr[...].T, preferred_element_type=_f32))
    xs1 = _lrelu(h)
    out[...] = (jnp.dot(xs1, wo[...].T, preferred_element_type=_f32)
                + bo[...][None, :])


def _row_blk(shape_minor):
    return pl.BlockSpec((_BLK,) + shape_minor,
                        lambda i: (i,) + (0,) * len(shape_minor))


def _full(shape):
    return pl.BlockSpec(shape, lambda i: (0,) * len(shape))


def _prep_edges(ei, ntiles, nch):
    epad = ntiles * nch * 128
    src = jnp.zeros((epad,), _i32).at[:E].set(ei[0].astype(_i32))
    dst = jnp.full((epad,), DUMMY, _i32).at[:E].set(ei[1].astype(_i32))
    return src.reshape(ntiles, nch, 128), dst.reshape(ntiles, nch, 128)


def kernel(x_source, x_target, edge_index_st, edge_index_ts,
           l0_st_Wl, l0_st_bl, l0_st_Wr, l0_ts_Wl, l0_ts_bl, l0_ts_Wr,
           l1_st_Wl, l1_st_bl, l1_st_Wr, l1_ts_Wl, l1_ts_bl, l1_ts_Wr,
           W_out, b_out):
    st_si, st_di = _prep_edges(edge_index_st, 16, CH1)
    ts_si, ts_di = _prep_edges(edge_index_ts, 16, CH1)

    xs_a, xs_b = x_source[:, :HW], x_source[:, HW:]
    xt_a, xt_b = x_target[:, :HW], x_target[:, HW:]
    xs_pad = jnp.pad(x_source, ((0, NPAD - N_SRC), (0, 0)))
    xt_pad = jnp.pad(x_target, ((0, NPAD - N_TGT), (0, 0)))

    sum_st_a, sum_st_b, cnt_st = _sc_conv_counts()(
        xs_a, xs_b, st_si, st_di)
    sum_ts_a, sum_ts_b, cnt_ts = _sc_conv_counts()(
        xt_a, xt_b, ts_si, ts_di)

    conv_specs = [
        _row_blk((HW,)), _row_blk((HW,)), _row_blk(()), _row_blk((D,)),
        _full((H, D)), _full((H,)), _full((H, D)),
    ]
    xt0a, xt0b = pl.pallas_call(
        _tc_conv_split_body,
        grid=(NPAD // _BLK,),
        in_specs=conv_specs,
        out_specs=[_row_blk((HW,)), _row_blk((HW,))],
        out_shape=[jax.ShapeDtypeStruct((NPAD, HW), _f32),
                   jax.ShapeDtypeStruct((NPAD, HW), _f32)],
    )(sum_st_a, sum_st_b, cnt_st, xt_pad, l0_st_Wl, l0_st_bl, l0_st_Wr)

    xs0 = pl.pallas_call(
        _tc_conv_body,
        grid=(NPAD // _BLK,),
        in_specs=conv_specs,
        out_specs=_row_blk((H,)),
        out_shape=jax.ShapeDtypeStruct((NPAD, H), _f32),
    )(sum_ts_a, sum_ts_b, cnt_ts, xs_pad, l0_ts_Wl, l0_ts_bl, l0_ts_Wr)

    sum_l1_a, sum_l1_b = _sc_pass1_nocounts()(
        xt0a, xt0b, ts_si, ts_di, ts_si, ts_di)

    out = pl.pallas_call(
        _tc_layer1_body,
        grid=(NPAD // _BLK,),
        in_specs=[
            _row_blk((HW,)), _row_blk((HW,)),
            _row_blk(()), _row_blk((H,)),
            _full((H, H)), _full((H,)), _full((H, H)),
            _full((OUT, H)), _full((OUT,)),
        ],
        out_specs=_row_blk((OUT,)),
        out_shape=jax.ShapeDtypeStruct((NPAD, OUT), _f32),
    )(sum_l1_a, sum_l1_b, cnt_ts, xs0,
      l1_ts_Wl, l1_ts_bl, l1_ts_Wr, W_out, b_out)

    return out[:N_SRC]

# --- scband reference (transcript-rebuilt; emitter-appended) ---
"""Pipeline reference for scband-hetero-gnn-9706626089208 (READ-ONLY COPY).

The authoritative reference and input builder live on the scoring server;
editing this copy changes nothing except your own understanding.
"""

import jax, jax.numpy as jnp
import numpy as np

N_SRC = 10000
N_TGT = 10000
E = 320000
D = 128
H = 128
OUT = 64


def setup_inputs(seed: int = 0) -> dict:
    key = jax.random.key(seed)
    ks = jax.random.split(key, 24)
    inp = {}
    inp["x_source"] = jax.random.normal(ks[0], (N_SRC, D), dtype=jnp.float32)
    inp["x_target"] = jax.random.normal(ks[1], (N_TGT, D), dtype=jnp.float32)
    inp["edge_index_st"] = jax.random.randint(ks[2], (2, E), 0, N_TGT, dtype=jnp.int32).astype(jnp.int64)
    inp["edge_index_ts"] = jax.random.randint(ks[3], (2, E), 0, N_SRC, dtype=jnp.int32).astype(jnp.int64)
    i = 4
    for l in range(2):
        in_dim = D if l == 0 else H
        for et in ("st", "ts"):
            inp[f"l{l}_{et}_Wl"] = 0.02 * jax.random.normal(ks[i], (H, in_dim), dtype=jnp.float32); i += 1
            inp[f"l{l}_{et}_bl"] = jnp.zeros((H,), dtype=jnp.float32)
            inp[f"l{l}_{et}_Wr"] = 0.02 * jax.random.normal(ks[i], (H, in_dim), dtype=jnp.float32); i += 1
    inp["W_out"] = 0.02 * jax.random.normal(ks[i], (OUT, H), dtype=jnp.float32); i += 1
    inp["b_out"] = jnp.zeros((OUT,), dtype=jnp.float32)
    return inp


def _sage(x_src, x_dst, ei, Wl, bl, Wr, n_dst):
    # PyG SAGEConv (mean aggr): out = lin_l(mean_{j->i} x_j) + lin_r(x_i)
    msg = jnp.take(x_src, ei[0], axis=0)
    s = jax.ops.segment_sum(msg, ei[1], num_segments=n_dst)
    c = jax.ops.segment_sum(jnp.ones((ei.shape[1],), jnp.float32), ei[1], num_segments=n_dst)
    mean = s / jnp.clip(c, 1.0)[:, None]
    return mean @ Wl.T + bl + x_dst @ Wr.T


def reference(x_source, x_target, edge_index_st, edge_index_ts,
              l0_st_Wl, l0_st_bl, l0_st_Wr, l0_ts_Wl, l0_ts_bl, l0_ts_Wr,
              l1_st_Wl, l1_st_bl, l1_st_Wr, l1_ts_Wl, l1_ts_bl, l1_ts_Wr,
              W_out, b_out):
    xs, xt = x_source, x_target
    # layer 0: HeteroConv with aggr='sum' (each node type has exactly one incoming edge type)
    new_t = _sage(xs, xt, edge_index_st, l0_st_Wl, l0_st_bl, l0_st_Wr, N_TGT)
    new_s = _sage(xt, xs, edge_index_ts, l0_ts_Wl, l0_ts_bl, l0_ts_Wr, N_SRC)
    xs = jax.nn.leaky_relu(new_s, negative_slope=0.01)
    xt = jax.nn.leaky_relu(new_t, negative_slope=0.01)
    # dropout p=0.0 -> identity
    # layer 1
    new_t = _sage(xs, xt, edge_index_st, l1_st_Wl, l1_st_bl, l1_st_Wr, N_TGT)
    new_s = _sage(xt, xs, edge_index_ts, l1_ts_Wl, l1_ts_bl, l1_ts_Wr, N_SRC)
    xs = jax.nn.leaky_relu(new_s, negative_slope=0.01)
    xt = jax.nn.leaky_relu(new_t, negative_slope=0.01)
    return xs @ W_out.T + b_out

if __name__ == "__main__":
    import jax
    _d = setup_inputs()
    print(jax.jit(kernel)(*tuple(_d.values())))

</pallas_src>

<mosaic_0001>
#map = affine_map<(d0, d1) -> (0, 0)>
#map1 = affine_map<(d0, d1) -> (0, 0, 0)>
#map2 = affine_map<(d0, d1) -> (0)>
module attributes {stable_mosaic.version = 14 : i64} {
  func.func @_conv_body_counts(%arg0: i32, %arg1: i32, %arg2: memref<10000x64xf32, #tpu.memory_space<hbm>>, %arg3: memref<10000x64xf32, #tpu.memory_space<hbm>>, %arg4: memref<16x157x128xi32, #tpu.memory_space<hbm>>, %arg5: memref<16x157x128xi32, #tpu.memory_space<hbm>>, %arg6: memref<10240x64xf32, #tpu.memory_space<hbm>>, %arg7: memref<10240x64xf32, #tpu.memory_space<hbm>>, %arg8: memref<10240xf32, #tpu.memory_space<hbm>>, %arg9: memref<157x128xi32, #tpu.memory_space<vmem>>, %arg10: memref<157x128xi32, #tpu.memory_space<vmem>>, %arg11: memref<128x64xf32, #tpu.memory_space<vmem>>, %arg12: memref<128x64xf32, #tpu.memory_space<vmem>>, %arg13: memref<128xf32, #tpu.memory_space<vmem>>, %arg14: memref<640xf32, #tpu.memory_space<vmem>>, %arg15: memref<10240x64xf32, #tpu.memory_space<vmem_shared>>, %arg16: memref<10240xf32, #tpu.memory_space<vmem_shared>>, %arg17: memref<!tpu.dma_semaphore, #tpu.memory_space<semaphore_mem>>, %arg18: memref<!tpu.dma_semaphore, #tpu.memory_space<semaphore_mem>>) attributes {dimension_semantics = [#tpu.dimension_semantics<core_parallel>, #tpu.dimension_semantics<subcore_parallel>], iteration_bounds = array<i64: 2, 16>, scalar_prefetch = 0 : i64, scratch_operands = 10 : i64, tpu.core_type = #tpu.core_type<sc_vector_subcore>, window_params = [{transform_indices = #map}, {transform_indices = #map}, {transform_indices = #map1}, {transform_indices = #map1}, {transform_indices = #map}, {transform_indices = #map}, {transform_indices = #map2}]} {
    %scan3A = arith.constant 0 : i32
    %scan3A_0 = arith.constant 0 : i32
    %scan3A_1 = arith.constant 512 : i32
    %scan3A_2 = arith.addi %scan3A_0, %scan3A_1 : i32
    %scan3A_3 = arith.constant 1 : i32
    %scan3A_4 = scf.for %scan3A_61 = %scan3A_0 to %scan3A_2 step %scan3A_3 iter_args(%scan3A_62 = %scan3A) -> (i32)  : i32 {
      %jit3A = arith.constant 4 : i32
      %div3A = arith.divsi %scan3A_61, %jit3A : i32
      %sign3A = arith.constant 0 : i32
      %sign3A_63 = arith.cmpi sgt, %scan3A_61, %sign3A : i32
      %sign3A_64 = arith.extui %sign3A_63 : i1 to i32
      %sign3A_65 = arith.constant 0 : i32
      %sign3A_66 = arith.cmpi slt, %scan3A_61, %sign3A_65 : i32
      %sign3A_67 = arith.extui %sign3A_66 : i1 to i32
      %sign3A_68 = arith.subi %sign3A_64, %sign3A_67 : i32
      %sign3A_69 = arith.constant 0 : i32
      %sign3A_70 = arith.cmpi sgt, %jit3A, %sign3A_69 : i32
      %sign3A_71 = arith.extui %sign3A_70 : i1 to i32
      %sign3A_72 = arith.constant 0 : i32
      %sign3A_73 = arith.cmpi slt, %jit3A, %sign3A_72 : i32
      %sign3A_74 = arith.extui %sign3A_73 : i1 to i32
      %sign3A_75 = arith.subi %sign3A_71, %sign3A_74 : i32
      %ne3A = arith.cmpi ne, %sign3A_68, %sign3A_75 : i32
      %rem3A = arith.remsi %scan3A_61, %jit3A : i32
      %ne3A_76 = arith.constant 0 : i32
      %ne3A_77 = arith.cmpi ne, %rem3A, %ne3A_76 : i32
      %and3A = arith.andi %ne3A, %ne3A_77 : i1
      %sub3A = arith.constant 1 : i32
      %sub3A_78 = arith.subi %div3A, %sub3A : i32
      %select_n3A = arith.select %and3A, %sub3A_78, %div3A : i32
      %jit3A_79 = arith.constant 4 : i32
      %eq3A_80 = arith.constant 0 : i32
      %eq3A_81 = arith.cmpi eq, %jit3A_79, %eq3A_80 : i32
      %jit3A_82 = arith.constant 1 : i32
      %select_n3A_83 = arith.select %eq3A_81, %jit3A_82, %jit3A_79 : i32
      %rem3A_84 = arith.remsi %scan3A_61, %select_n3A_83 : i32
      %ne3A_85 = arith.constant 0 : i32
      %ne3A_86 = arith.cmpi ne, %rem3A_84, %ne3A_85 : i32
      %lt3A = arith.constant 0 : i32
      %lt3A_87 = arith.cmpi slt, %rem3A_84, %lt3A : i32
      %lt3A_88 = arith.constant 0 : i32
      %lt3A_89 = arith.cmpi slt, %select_n3A_83, %lt3A_88 : i32
      %ne3A_90 = arith.xori %lt3A_87, %lt3A_89 : i1
      %and3A_91 = arith.andi %ne3A_90, %ne3A_86 : i1
      %add3A_92 = arith.addi %rem3A_84, %select_n3A_83 : i32
      %select_n3A_93 = arith.select %and3A_91, %add3A_92, %rem3A_84 : i32
      %broadcast_in_dim3A = arith.constant 0.000000e+00 : f32
      %broadcast_in_dim3A_94 = vector.broadcast %broadcast_in_dim3A : f32 to vector<16xf32>
      %mul3A_95 = arith.constant 16 : i32
      %mul3A_96 = arith.muli %select_n3A_93, %mul3A_95 : i32
      %swap3A = arith.index_cast %select_n3A : i32 to index
      %swap3A_97 = arith.index_cast %mul3A_96 : i32 to index
      %swap3A_98 = tpu.vector_load %arg11[%swap3A, %swap3A_97] {strides = array<i32>} : memref<128x64xf32, #tpu.memory_space<vmem>>, vector<1x16xf32>,
      %swap3A_99 = vector.shape_cast %swap3A_98 : vector<1x16xf32> to vector<16xf32>
      %swap3A_100 = vector.shape_cast %broadcast_in_dim3A_94 : vector<16xf32> to vector<1x16xf32>
      tpu.vector_store %arg11[%swap3A, %swap3A_97], %swap3A_100 {strides = array<i32>} : memref<128x64xf32, #tpu.memory_space<vmem>>, vector<1x16xf32>,
      %scan3A_101 = arith.constant 0 : i32
      scf.yield %scan3A_101 : i32
    }
    %scan3A_5 = arith.constant 512 : i32
    %scan3A_6 = arith.constant 0 : i32
    %scan3A_7 = arith.constant 0 : i32
    %scan3A_8 = arith.constant 8 : i32
    %scan3A_9 = arith.addi %scan3A_7, %scan3A_8 : i32
    %scan3A_10 = arith.constant 1 : i32
    %scan3A_11 = scf.for %scan3A_61 = %scan3A_7 to %scan3A_9 step %scan3A_10 iter_args(%scan3A_62 = %scan3A_6) -> (i32)  : i32 {
      %broadcast_in_dim3A = arith.constant 1.000000e+00 : f32
      %broadcast_in_dim3A_63 = vector.broadcast %broadcast_in_dim3A : f32 to vector<16xf32>
      %mul3A_64 = arith.constant 16 : i32
      %mul3A_65 = arith.muli %scan3A_61, %mul3A_64 : i32
      %swap3A = arith.index_cast %mul3A_65 : i32 to index
      %swap3A_66 = tpu.vector_load %arg13[%swap3A] {strides = array<i32>} : memref<128xf32, #tpu.memory_space<vmem>>, vector<16xf32>,
      %swap3A_67 = vector.shape_cast %swap3A_66 : vector<16xf32> to vector<16xf32>
      %swap3A_68 = vector.shape_cast %broadcast_in_dim3A_63 : vector<16xf32> to vector<16xf32>
      tpu.vector_store %arg13[%swap3A], %swap3A_68 {strides = array<i32>} : memref<128xf32, #tpu.memory_space<vmem>>, vector<16xf32>,
      %scan3A_69 = arith.constant 0 : i32
      scf.yield %scan3A_69 : i32
    }
    %scan3A_12 = arith.constant 8 : i32
    %scan3A_13 = arith.constant 0 : i32
    %scan3A_14 = arith.constant 0 : i32
    %scan3A_15 = arith.constant 40 : i32
    %scan3A_16 = arith.addi %scan3A_14, %scan3A_15 : i32
    %scan3A_17 = arith.constant 1 : i32
    %scan3A_18 = scf.for %scan3A_61 = %scan3A_14 to %scan3A_16 step %scan3A_17 iter_args(%scan3A_62 = %scan3A_13) -> (i32)  : i32 {
      %broadcast_in_dim3A = arith.constant 0.000000e+00 : f32
      %broadcast_in_dim3A_63 = vector.broadcast %broadcast_in_dim3A : f32 to vector<16xf32>
      %mul3A_64 = arith.constant 16 : i32
      %mul3A_65 = arith.muli %scan3A_61, %mul3A_64 : i32
      %swap3A = arith.index_cast %mul3A_65 : i32 to index
      %swap3A_66 = tpu.vector_load %arg14[%swap3A] {strides = array<i32>} : memref<640xf32, #tpu.memory_space<vmem>>, vector<16xf32>,
      %swap3A_67 = vector.shape_cast %swap3A_66 : vector<16xf32> to vector<16xf32>
      %swap3A_68 = vector.shape_cast %broadcast_in_dim3A_63 : vector<16xf32> to vector<16xf32>
      tpu.vector_store %arg14[%swap3A], %swap3A_68 {strides = array<i32>} : memref<640xf32, #tpu.memory_space<vmem>>, vector<16xf32>,
      %scan3A_69 = arith.constant 0 : i32
      scf.yield %scan3A_69 : i32
    }
    %scan3A_19 = arith.constant 40 : i32
    %mul3A = arith.constant 640 : i32
    %mul3A_20 = arith.muli %arg1, %mul3A : i32
    %add3A = arith.constant 0 : i32
    %add3A_21 = arith.addi %mul3A_20, %add3A : i32
    "tpu.region"() ({
      %run_scoped3A = tpu.sem_alloc : memref<!tpu.dma_semaphore, #tpu.memory_space<semaphore_mem>>
      %dma_start3A = arith.constant 0 : i32
      %dma_start3A_61 = tpu.memref_slice %arg15[%add3A_21, %dma_start3A] : memref<10240x64xf32, #tpu.memory_space<vmem_shared>> -> memref<128x64xf32, #tpu.memory_space<vmem_shared>>
      %dma_start3A_62 = arith.constant 0 : i32
      %dma_start3A_63 = tpu.memref_slice %arg15[%add3A_21, %dma_start3A_62] : memref<10240x64xf32, #tpu.memory_space<vmem_shared>> -> memref<128x64xf32, #tpu.memory_space<vmem_shared>>
      tpu.enqueue_dma source(%arg11 : memref<128x64xf32, #tpu.memory_space<vmem>>) target(%dma_start3A_63 : memref<128x64xf32, #tpu.memory_space<vmem_shared>>) target_semaphore(%run_scoped3A : memref<!tpu.dma_semaphore, #tpu.memory_space<semaphore_mem>>)
      %dma_wait3A = arith.constant 0 : i32
      %dma_wait3A_64 = tpu.memref_slice %arg15[%add3A_21, %dma_wait3A] : memref<10240x64xf32, #tpu.memory_space<vmem_shared>> -> memref<128x64xf32, #tpu.memory_space<vmem_shared>>
      %dma_wait3A_65 = arith.constant 0 : i32
      %dma_wait3A_66 = tpu.memref_slice %arg15[%add3A_21, %dma_wait3A_65] : memref<10240x64xf32, #tpu.memory_space<vmem_shared>> -> memref<128x64xf32, #tpu.memory_space<vmem_shared>>
      tpu.wait_dma2 semaphore(%run_scoped3A : memref<!tpu.dma_semaphore, #tpu.memory_space<semaphore_mem>>) src(%arg11 : memref<128x64xf32, #tpu.memory_space<vmem>>) dst(%dma_wait3A_66 : memref<128x64xf32, #tpu.memory_space<vmem_shared>>)
      tpu.yield
    }) : () -> ()
    %mul3A_22 = arith.constant 640 : i32
    %mul3A_23 = arith.muli %arg1, %mul3A_22 : i32
    %add3A_24 = arith.constant 128 : i32
    %add3A_25 = arith.addi %mul3A_23, %add3A_24 : i32
    "tpu.region"() ({
      %run_scoped3A = tpu.sem_alloc : memref<!tpu.dma_semaphore, #tpu.memory_space<semaphore_mem>>
      %dma_start3A = arith.constant 0 : i32
      %dma_start3A_61 = tpu.memref_slice %arg15[%add3A_25, %dma_start3A] : memref<10240x64xf32, #tpu.memory_space<vmem_shared>> -> memref<128x64xf32, #tpu.memory_space<vmem_shared>>
      %dma_start3A_62 = arith.constant 0 : i32
      %dma_start3A_63 = tpu.memref_slice %arg15[%add3A_25, %dma_start3A_62] : memref<10240x64xf32, #tpu.memory_space<vmem_shared>> -> memref<128x64xf32, #tpu.memory_space<vmem_shared>>
      tpu.enqueue_dma source(%arg11 : memref<128x64xf32, #tpu.memory_space<vmem>>) target(%dma_start3A_63 : memref<128x64xf32, #tpu.memory_space<vmem_shared>>) target_semaphore(%run_scoped3A : memref<!tpu.dma_semaphore, #tpu.memory_space<semaphore_mem>>)
      %dma_wait3A = arith.constant 0 : i32
      %dma_wait3A_64 = tpu.memref_slice %arg15[%add3A_25, %dma_wait3A] : memref<10240x64xf32, #tpu.memory_space<vmem_shared>> -> memref<128x64xf32, #tpu.memory_space<vmem_shared>>
      %dma_wait3A_65 = arith.constant 0 : i32
      %dma_wait3A_66 = tpu.memref_slice %arg15[%add3A_25, %dma_wait3A_65] : memref<10240x64xf32, #tpu.memory_space<vmem_shared>> -> memref<128x64xf32, #tpu.memory_space<vmem_shared>>
      tpu.wait_dma2 semaphore(%run_scoped3A : memref<!tpu.dma_semaphore, #tpu.memory_space<semaphore_mem>>) src(%arg11 : memref<128x64xf32, #tpu.memory_space<vmem>>) dst(%dma_wait3A_66 : memref<128x64xf32, #tpu.memory_space<vmem_shared>>)
      tpu.yield
    }) : () -> ()
    %mul3A_26 = arith.constant 640 : i32
    %mul3A_27 = arith.muli %arg1, %mul3A_26 : i32
    %add3A_28 = arith.constant 256 : i32
    %add3A_29 = arith.addi %mul3A_27, %add3A_28 : i32
    "tpu.region"() ({
      %run_scoped3A = tpu.sem_alloc : memref<!tpu.dma_semaphore, #tpu.memory_space<semaphore_mem>>
      %dma_start3A = arith.constant 0 : i32
      %dma_start3A_61 = tpu.memref_slice %arg15[%add3A_29, %dma_start3A] : memref<10240x64xf32, #tpu.memory_space<vmem_shared>> -> memref<128x64xf32, #tpu.memory_space<vmem_shared>>
      %dma_start3A_62 = arith.constant 0 : i32
      %dma_start3A_63 = tpu.memref_slice %arg15[%add3A_29, %dma_start3A_62] : memref<10240x64xf32, #tpu.memory_space<vmem_shared>> -> memref<128x64xf32, #tpu.memory_space<vmem_shared>>
      tpu.enqueue_dma source(%arg11 : memref<128x64xf32, #tpu.memory_space<vmem>>) target(%dma_start3A_63 : memref<128x64xf32, #tpu.memory_space<vmem_shared>>) target_semaphore(%run_scoped3A : memref<!tpu.dma_semaphore, #tpu.memory_space<semaphore_mem>>)
      %dma_wait3A = arith.constant 0 : i32
      %dma_wait3A_64 = tpu.memref_slice %arg15[%add3A_29, %dma_wait3A] : memref<10240x64xf32, #tpu.memory_space<vmem_shared>> -> memref<128x64xf32, #tpu.memory_space<vmem_shared>>
      %dma_wait3A_65 = arith.constant 0 : i32
      %dma_wait3A_66 = tpu.memref_slice %arg15[%add3A_29, %dma_wait3A_65] : memref<10240x64xf32, #tpu.memory_space<vmem_shared>> -> memref<128x64xf32, #tpu.memory_space<vmem_shared>>
      tpu.wait_dma2 semaphore(%run_scoped3A : memref<!tpu.dma_semaphore, #tpu.memory_space<semaphore_mem>>) src(%arg11 : memref<128x64xf32, #tpu.memory_space<vmem>>) dst(%dma_wait3A_66 : memref<128x64xf32, #tpu.memory_space<vmem_shared>>)
      tpu.yield
    }) : () -> ()
    %mul3A_30 = arith.constant 640 : i32
    %mul3A_31 = arith.muli %arg1, %mul3A_30 : i32
    %add3A_32 = arith.constant 384 : i32
    %add3A_33 = arith.addi %mul3A_31, %add3A_32 : i32
    "tpu.region"() ({
      %run_scoped3A = tpu.sem_alloc : memref<!tpu.dma_semaphore, #tpu.memory_space<semaphore_mem>>
      %dma_start3A = arith.constant 0 : i32
      %dma_start3A_61 = tpu.memref_slice %arg15[%add3A_33, %dma_start3A] : memref<10240x64xf32, #tpu.memory_space<vmem_shared>> -> memref<128x64xf32, #tpu.memory_space<vmem_shared>>
      %dma_start3A_62 = arith.constant 0 : i32
      %dma_start3A_63 = tpu.memref_slice %arg15[%add3A_33, %dma_start3A_62] : memref<10240x64xf32, #tpu.memory_space<vmem_shared>> -> memref<128x64xf32, #tpu.memory_space<vmem_shared>>
      tpu.enqueue_dma source(%arg11 : memref<128x64xf32, #tpu.memory_space<vmem>>) target(%dma_start3A_63 : memref<128x64xf32, #tpu.memory_space<vmem_shared>>) target_semaphore(%run_scoped3A : memref<!tpu.dma_semaphore, #tpu.memory_space<semaphore_mem>>)
      %dma_wait3A = arith.constant 0 : i32
      %dma_wait3A_64 = tpu.memref_slice %arg15[%add3A_33, %dma_wait3A] : memref<10240x64xf32, #tpu.memory_space<vmem_shared>> -> memref<128x64xf32, #tpu.memory_space<vmem_shared>>
      %dma_wait3A_65 = arith.constant 0 : i32
      %dma_wait3A_66 = tpu.memref_slice %arg15[%add3A_33, %dma_wait3A_65] : memref<10240x64xf32, #tpu.memory_space<vmem_shared>> -> memref<128x64xf32, #tpu.memory_space<vmem_shared>>
      tpu.wait_dma2 semaphore(%run_scoped3A : memref<!tpu.dma_semaphore, #tpu.memory_space<semaphore_mem>>) src(%arg11 : memref<128x64xf32, #tpu.memory_space<vmem>>) dst(%dma_wait3A_66 : memref<128x64xf32, #tpu.memory_space<vmem_shared>>)
      tpu.yield
    }) : () -> ()
    %mul3A_34 = arith.constant 640 : i32
    %mul3A_35 = arith.muli %arg1, %mul3A_34 : i32
    %add3A_36 = arith.constant 512 : i32
    %add3A_37 = arith.addi %mul3A_35, %add3A_36 : i32
    "tpu.region"() ({
      %run_scoped3A = tpu.sem_alloc : memref<!tpu.dma_semaphore, #tpu.memory_space<semaphore_mem>>
      %dma_start3A = arith.constant 0 : i32
      %dma_start3A_61 = tpu.memref_slice %arg15[%add3A_37, %dma_start3A] : memref<10240x64xf32, #tpu.memory_space<vmem_shared>> -> memref<128x64xf32, #tpu.memory_space<vmem_shared>>
      %dma_start3A_62 = arith.constant 0 : i32
      %dma_start3A_63 = tpu.memref_slice %arg15[%add3A_37, %dma_start3A_62] : memref<10240x64xf32, #tpu.memory_space<vmem_shared>> -> memref<128x64xf32, #tpu.memory_space<vmem_shared>>
      tpu.enqueue_dma source(%arg11 : memref<128x64xf32, #tpu.memory_space<vmem>>) target(%dma_start3A_63 : memref<128x64xf32, #tpu.memory_space<vmem_shared>>) target_semaphore(%run_scoped3A : memref<!tpu.dma_semaphore, #tpu.memory_space<semaphore_mem>>)
      %dma_wait3A = arith.constant 0 : i32
      %dma_wait3A_64 = tpu.memref_slice %arg15[%add3A_37, %dma_wait3A] : memref<10240x64xf32, #tpu.memory_space<vmem_shared>> -> memref<128x64xf32, #tpu.memory_space<vmem_shared>>
      %dma_wait3A_65 = arith.constant 0 : i32
      %dma_wait3A_66 = tpu.memref_slice %arg15[%add3A_37, %dma_wait3A_65] : memref<10240x64xf32, #tpu.memory_space<vmem_shared>> -> memref<128x64xf32, #tpu.memory_space<vmem_shared>>
      tpu.wait_dma2 semaphore(%run_scoped3A : memref<!tpu.dma_semaphore, #tpu.memory_space<semaphore_mem>>) src(%arg11 : memref<128x64xf32, #tpu.memory_space<vmem>>) dst(%dma_wait3A_66 : memref<128x64xf32, #tpu.memory_space<vmem_shared>>)
      tpu.yield
    }) : () -> ()
    %eq3A = arith.constant 0 : i32
    %eq3A_38 = arith.cmpi eq, %arg0, %eq3A : i32
    %convert_element_type3A = arith.extui %eq3A_38 : i1 to i32
    %cond3A = arith.constant 0 : i32
    %cond3A_39 = arith.cmpi ne, %convert_element_type3A, %cond3A : i32
    scf.if %cond3A_39 {
      %mul3A_61 = arith.constant 640 : i32
      %mul3A_62 = arith.muli %arg1, %mul3A_61 : i32
      "tpu.region"() ({
        %run_scoped3A = tpu.sem_alloc : memref<!tpu.dma_semaphore, #tpu.memory_space<semaphore_mem>>
        %dma_start3A = tpu.memref_slice %arg16[%mul3A_62] : memref<10240xf32, #tpu.memory_space<vmem_shared>> -> memref<640xf32, #tpu.memory_space<vmem_shared>>
        %dma_start3A_63 = tpu.memref_slice %arg16[%mul3A_62] : memref<10240xf32, #tpu.memory_space<vmem_shared>> -> memref<640xf32, #tpu.memory_space<vmem_shared>>
        tpu.enqueue_dma source(%arg14 : memref<640xf32, #tpu.memory_space<vmem>>) target(%dma_start3A_63 : memref<640xf32, #tpu.memory_space<vmem_shared>>) target_semaphore(%run_scoped3A : memref<!tpu.dma_semaphore, #tpu.memory_space<semaphore_mem>>)
        %dma_wait3A = tpu.memref_slice %arg16[%mul3A_62] : memref<10240xf32, #tpu.memory_space<vmem_shared>> -> memref<640xf32, #tpu.memory_space<vmem_shared>>
        %dma_wait3A_64 = tpu.memref_slice %arg16[%mul3A_62] : memref<10240xf32, #tpu.memory_space<vmem_shared>> -> memref<640xf32, #tpu.memory_space<vmem_shared>>
        tpu.wait_dma2 semaphore(%run_scoped3A : memref<!tpu.dma_semaphore, #tpu.memory_space<semaphore_mem>>) src(%arg14 : memref<640xf32, #tpu.memory_space<vmem>>) dst(%dma_wait3A_64 : memref<640xf32, #tpu.memory_space<vmem_shared>>)
        tpu.yield
      }) : () -> ()
    } else {
    }
    %barrier3A = arith.constant 0 : index
    tpu.barrier barrier_id(%barrier3A)
    %eq3A_40 = arith.constant 0 : i32
    %eq3A_41 = arith.cmpi eq, %arg0, %eq3A_40 : i32
    %convert_element_type3A_42 = arith.extui %eq3A_41 : i1 to i32
    %cond3A_43 = arith.constant 0 : i32
    %cond3A_44 = arith.cmpi ne, %convert_element_type3A_42, %cond3A_43 : i32
    scf.if %cond3A_44 {
      "tpu.region"() ({
        %run_scoped3A = tpu.sem_alloc : memref<!tpu.dma_semaphore, #tpu.memory_space<semaphore_mem>>
        %dma_start3A_81 = arith.constant 0 : i32
        %dma_start3A_82 = arith.constant 0 : i32
        %dma_start3A_83 = tpu.memref_slice %arg4[%arg1, %dma_start3A_81, %dma_start3A_82] : memref<16x157x128xi32, #tpu.memory_space<hbm>> -> memref<1x157x128xi32, #tpu.memory_space<hbm>>
        %dma_start3A_84 = tpu.memref_squeeze %dma_start3A_83 : memref<1x157x128xi32, #tpu.memory_space<hbm>> -> memref<157x128xi32, #tpu.memory_space<hbm>>
        %dma_start3A_85 = arith.constant 0 : i32
        %dma_start3A_86 = arith.constant 0 : i32
        %dma_start3A_87 = tpu.memref_slice %arg4[%arg1, %dma_start3A_85, %dma_start3A_86] : memref<16x157x128xi32, #tpu.memory_space<hbm>> -> memref<1x157x128xi32, #tpu.memory_space<hbm>>
        %dma_start3A_88 = tpu.memref_squeeze %dma_start3A_87 : memref<1x157x128xi32, #tpu.memory_space<hbm>> -> memref<157x128xi32, #tpu.memory_space<hbm>>
        tpu.enqueue_dma source(%dma_start3A_88 : memref<157x128xi32, #tpu.memory_space<hbm>>) target(%arg9 : memref<157x128xi32, #tpu.memory_space<vmem>>) target_semaphore(%run_scoped3A : memref<!tpu.dma_semaphore, #tpu.memory_space<semaphore_mem>>)
        %dma_wait3A = arith.constant 0 : i32
        %dma_wait3A_89 = arith.constant 0 : i32
        %dma_wait3A_90 = tpu.memref_slice %arg4[%arg1, %dma_wait3A, %dma_wait3A_89] : memref<16x157x128xi32, #tpu.memory_space<hbm>> -> memref<1x157x128xi32, #tpu.memory_space<hbm>>
        %dma_wait3A_91 = tpu.memref_squeeze %dma_wait3A_90 : memref<1x157x128xi32, #tpu.memory_space<hbm>> -> memref<157x128xi32, #tpu.memory_space<hbm>>
        %dma_wait3A_92 = arith.constant 0 : i32
        %dma_wait3A_93 = arith.constant 0 : i32
        %dma_wait3A_94 = tpu.memref_slice %arg4[%arg1, %dma_wait3A_92, %dma_wait3A_93] : memref<16x157x128xi32, #tpu.memory_space<hbm>> -> memref<1x157x128xi32, #tpu.memory_space<hbm>>
        %dma_wait3A_95 = tpu.memref_squeeze %dma_wait3A_94 : memref<1x157x128xi32, #tpu.memory_space<hbm>> -> memref<157x128xi32, #tpu.memory_space<hbm>>
        tpu.wait_dma2 semaphore(%run_scoped3A : memref<!tpu.dma_semaphore, #tpu.memory_space<semaphore_mem>>) src(%dma_wait3A_95 : memref<157x128xi32, #tpu.memory_space<hbm>>) dst(%arg9 : memref<157x128xi32, #tpu.memory_space<vmem>>)
        tpu.yield
      }) : () -> ()
      "tpu.region"() ({
        %run_scoped3A = tpu.sem_alloc : memref<!tpu.dma_semaphore, #tpu.memory_space<semaphore_mem>>
        %dma_start3A_81 = arith.constant 0 : i32
        %dma_start3A_82 = arith.constant 0 : i32
        %dma_start3A_83 = tpu.memref_slice %arg5[%arg1, %dma_start3A_81, %dma_start3A_82] : memref<16x157x128xi32, #tpu.memory_space<hbm>> -> memref<1x157x128xi32, #tpu.memory_space<hbm>>
        %dma_start3A_84 = tpu.memref_squeeze %dma_start3A_83 : memref<1x157x128xi32, #tpu.memory_space<hbm>> -> memref<157x128xi32, #tpu.memory_space<hbm>>
        %dma_start3A_85 = arith.constant 0 : i32
        %dma_start3A_86 = arith.constant 0 : i32
        %dma_start3A_87 = tpu.memref_slice %arg5[%arg1, %dma_start3A_85, %dma_start3A_86] : memref<16x157x128xi32, #tpu.memory_space<hbm>> -> memref<1x157x128xi32, #tpu.memory_space<hbm>>
        %dma_start3A_88 = tpu.memref_squeeze %dma_start3A_87 : memref<1x157x128xi32, #tpu.memory_space<hbm>> -> memref<157x128xi32, #tpu.memory_space<hbm>>
        tpu.enqueue_dma source(%dma_start3A_88 : memref<157x128xi32, #tpu.memory_space<hbm>>) target(%arg10 : memref<157x128xi32, #tpu.memory_space<vmem>>) target_semaphore(%run_scoped3A : memref<!tpu.dma_semaphore, #tpu.memory_space<semaphore_mem>>)
        %dma_wait3A = arith.constant 0 : i32
        %dma_wait3A_89 = arith.constant 0 : i32
        %dma_wait3A_90 = tpu.memref_slice %arg5[%arg1, %dma_wait3A, %dma_wait3A_89] : memref<16x157x128xi32, #tpu.memory_space<hbm>> -> memref<1x157x128xi32, #tpu.memory_space<hbm>>
        %dma_wait3A_91 = tpu.memref_squeeze %dma_wait3A_90 : memref<1x157x128xi32, #tpu.memory_space<hbm>> -> memref<157x128xi32, #tpu.memory_space<hbm>>
        %dma_wait3A_92 = arith.constant 0 : i32
        %dma_wait3A_93 = arith.constant 0 : i32
        %dma_wait3A_94 = tpu.memref_slice %arg5[%arg1, %dma_wait3A_92, %dma_wait3A_93] : memref<16x157x128xi32, #tpu.memory_space<hbm>> -> memref<1x157x128xi32, #tpu.memory_space<hbm>>
        %dma_wait3A_95 = tpu.memref_squeeze %dma_wait3A_94 : memref<1x157x128xi32, #tpu.memory_space<hbm>> -> memref<157x128xi32, #tpu.memory_space<hbm>>
        tpu.wait_dma2 semaphore(%run_scoped3A : memref<!tpu.dma_semaphore, #tpu.memory_space<semaphore_mem>>) src(%dma_wait3A_95 : memref<157x128xi32, #tpu.memory_space<hbm>>) dst(%arg10 : memref<157x128xi32, #tpu.memory_space<vmem>>)
        tpu.yield
      }) : () -> ()
      %dma_start3A = arith.constant 0 : i32
      %dma_start3A_61 = arith.constant 0 : i32
      %dma_start3A_62 = tpu.memref_slice %arg9[%dma_start3A, %dma_start3A_61] : memref<157x128xi32, #tpu.memory_space<vmem>> -> memref<1x128xi32, #tpu.memory_space<vmem>>
      %dma_start3A_63 = tpu.memref_squeeze %dma_start3A_62 : memref<1x128xi32, #tpu.memory_space<vmem>> -> memref<128xi32, #tpu.memory_space<vmem>>
      %dma_start3A_64 = arith.constant 0 : i32
      %dma_start3A_65 = arith.constant 0 : i32
      %dma_start3A_66 = tpu.memref_slice %arg2[%dma_start3A_64, %dma_start3A_65] : memref<10000x64xf32, #tpu.memory_space<hbm>> -> memref<10000x64xf32, #tpu.memory_space<hbm>>
      tpu.enqueue_indirect_dma source(%dma_start3A_66 : memref<10000x64xf32, #tpu.memory_space<hbm>>) target(%arg11 : memref<128x64xf32, #tpu.memory_space<vmem>>) offsets(%dma_start3A_63 : memref<128xi32, #tpu.memory_space<vmem>>) semaphore(%arg17 : memref<!tpu.dma_semaphore, #tpu.memory_space<semaphore_mem>>)
      %dma_start3A_67 = arith.constant 1 : i32
      %dma_start3A_68 = arith.constant 0 : i32
      %dma_start3A_69 = tpu.memref_slice %arg9[%dma_start3A_67, %dma_start3A_68] : memref<157x128xi32, #tpu.memory_space<vmem>> -> memref<1x128xi32, #tpu.memory_space<vmem>>
      %dma_start3A_70 = tpu.memref_squeeze %dma_start3A_69 : memref<1x128xi32, #tpu.memory_space<vmem>> -> memref<128xi32, #tpu.memory_space<vmem>>
      %dma_start3A_71 = arith.constant 0 : i32
      %dma_start3A_72 = arith.constant 0 : i32
      %dma_start3A_73 = tpu.memref_slice %arg2[%dma_start3A_71, %dma_start3A_72] : memref<10000x64xf32, #tpu.memory_space<hbm>> -> memref<10000x64xf32, #tpu.memory_space<hbm>>
      tpu.enqueue_indirect_dma source(%dma_start3A_73 : memref<10000x64xf32, #tpu.memory_space<hbm>>) target(%arg12 : memref<128x64xf32, #tpu.memory_space<vmem>>) offsets(%dma_start3A_70 : memref<128xi32, #tpu.memory_space<vmem>>) semaphore(%arg18 : memref<!tpu.dma_semaphore, #tpu.memory_space<semaphore_mem>>)
      %scan3A_74 = arith.constant 0 : i32
      %scan3A_75 = arith.constant 0 : i32
      %scan3A_76 = arith.constant 79 : i32
      %scan3A_77 = arith.addi %scan3A_75, %scan3A_76 : i32
      %scan3A_78 = arith.constant 1 : i32
      %scan3A_79 = scf.for %scan3A_81 = %scan3A_75 to %scan3A_77 step %scan3A_78 iter_args(%scan3A_82 = %scan3A_74) -> (i32)  : i32 {
        %mul3A_83 = arith.constant 2 : i32
        %mul3A_84 = arith.muli %mul3A_83, %scan3A_81 : i32
        %dma_wait3A = arith.constant 0 : i32
        %dma_wait3A_85 = tpu.memref_slice %arg9[%mul3A_84, %dma_wait3A] : memref<157x128xi32, #tpu.memory_space<vmem>> -> memref<1x128xi32, #tpu.memory_space<vmem>>
        %dma_wait3A_86 = tpu.memref_squeeze %dma_wait3A_85 : memref<1x128xi32, #tpu.memory_space<vmem>> -> memref<128xi32, #tpu.memory_space<vmem>>
        %dma_wait3A_87 = arith.constant 0 : i32
        %dma_wait3A_88 = arith.constant 0 : i32
        %dma_wait3A_89 = tpu.memref_slice %arg2[%dma_wait3A_87, %dma_wait3A_88] : memref<10000x64xf32, #tpu.memory_space<hbm>> -> memref<10000x64xf32, #tpu.memory_space<hbm>>
        tpu.wait_indirect_dma semaphore(%arg17 : memref<!tpu.dma_semaphore, #tpu.memory_space<semaphore_mem>>) src(%dma_wait3A_89 : memref<10000x64xf32, #tpu.memory_space<hbm>>) dst(%arg11 : memref<128x64xf32, #tpu.memory_space<vmem>>)
        "tpu.region"() ({
          %run_scoped3A = tpu.sem_alloc : memref<!tpu.dma_semaphore, #tpu.memory_space<semaphore_mem>>
          %dma_start3A_111 = arith.constant 0 : i32
          %dma_start3A_112 = tpu.memref_slice %arg10[%mul3A_84, %dma_start3A_111] : memref<157x128xi32, #tpu.memory_space<vmem>> -> memref<1x128xi32, #tpu.memory_space<vmem>>
          %dma_start3A_113 = tpu.memref_squeeze %dma_start3A_112 : memref<1x128xi32, #tpu.memory_space<vmem>> -> memref<128xi32, #tpu.memory_space<vmem>>
          %dma_start3A_114 = arith.constant 0 : i32
          %dma_start3A_115 = arith.constant 0 : i32
          %dma_start3A_116 = tpu.memref_slice %arg15[%dma_start3A_114, %dma_start3A_115] : memref<10240x64xf32, #tpu.memory_space<vmem_shared>> -> memref<10240x64xf32, #tpu.memory_space<vmem_shared>>
          tpu.enqueue_indirect_dma source(%arg11 : memref<128x64xf32, #tpu.memory_space<vmem>>) target(%dma_start3A_116 : memref<10240x64xf32, #tpu.memory_space<vmem_shared>>) offsets(%dma_start3A_113 : memref<128xi32, #tpu.memory_space<vmem>>) semaphore(%run_scoped3A : memref<!tpu.dma_semaphore, #tpu.memory_space<semaphore_mem>>) {add = true}
          %dma_wait3A_117 = arith.constant 0 : i32
          %dma_wait3A_118 = tpu.memref_slice %arg10[%mul3A_84, %dma_wait3A_117] : memref<157x128xi32, #tpu.memory_space<vmem>> -> memref<1x128xi32, #tpu.memory_space<vmem>>
          %dma_wait3A_119 = tpu.memref_squeeze %dma_wait3A_118 : memref<1x128xi32, #tpu.memory_space<vmem>> -> memref<128xi32, #tpu.memory_space<vmem>>
          %dma_wait3A_120 = arith.constant 0 : i32
          %dma_wait3A_121 = arith.constant 0 : i32
          %dma_wait3A_122 = tpu.memref_slice %arg15[%dma_wait3A_120, %dma_wait3A_121] : memref<10240x64xf32, #tpu.memory_space<vmem_shared>> -> memref<10240x64xf32, #tpu.memory_space<vmem_shared>>
          tpu.wait_indirect_dma semaphore(%run_scoped3A : memref<!tpu.dma_semaphore, #tpu.memory_space<semaphore_mem>>) src(%arg11 : memref<128x64xf32, #tpu.memory_space<vmem>>) dst(%dma_wait3A_122 : memref<10240x64xf32, #tpu.memory_space<vmem_shared>>)
          tpu.yield
        }) : () -> ()
        "tpu.region"() ({
          %run_scoped3A = tpu.sem_alloc : memref<!tpu.dma_semaphore, #tpu.memory_space<semaphore_mem>>
          %dma_start3A_111 = arith.constant 0 : i32
          %dma_start3A_112 = tpu.memref_slice %arg10[%mul3A_84, %dma_start3A_111] : memref<157x128xi32, #tpu.memory_space<vmem>> -> memref<1x128xi32, #tpu.memory_space<vmem>>
          %dma_start3A_113 = tpu.memref_squeeze %dma_start3A_112 : memref<1x128xi32, #tpu.memory_space<vmem>> -> memref<128xi32, #tpu.memory_space<vmem>>
          %dma_start3A_114 = arith.constant 0 : i32
          %dma_start3A_115 = tpu.memref_slice %arg16[%dma_start3A_114] : memref<10240xf32, #tpu.memory_space<vmem_shared>> -> memref<10240xf32, #tpu.memory_space<vmem_shared>>
          tpu.enqueue_indirect_dma source(%arg13 : memref<128xf32, #tpu.memory_space<vmem>>) target(%dma_start3A_115 : memref<10240xf32, #tpu.memory_space<vmem_shared>>) offsets(%dma_start3A_113 : memref<128xi32, #tpu.memory_space<vmem>>) semaphore(%run_scoped3A : memref<!tpu.dma_semaphore, #tpu.memory_space<semaphore_mem>>) {add = true}
          %dma_wait3A_116 = arith.constant 0 : i32
          %dma_wait3A_117 = tpu.memref_slice %arg10[%mul3A_84, %dma_wait3A_116] : memref<157x128xi32, #tpu.memory_space<vmem>> -> memref<1x128xi32, #tpu.memory_space<vmem>>
          %dma_wait3A_118 = tpu.memref_squeeze %dma_wait3A_117 : memref<1x128xi32, #tpu.memory_space<vmem>> -> memref<128xi32, #tpu.memory_space<vmem>>
          %dma_wait3A_119 = arith.constant 0 : i32
          %dma_wait3A_120 = tpu.memref_slice %arg16[%dma_wait3A_119] : memref<10240xf32, #tpu.memory_space<vmem_shared>> -> memref<10240xf32, #tpu.memory_space<vmem_shared>>
          tpu.wait_indirect_dma semaphore(%run_scoped3A : memref<!tpu.dma_semaphore, #tpu.memory_space<semaphore_mem>>) src(%arg13 : memref<128xf32, #tpu.memory_space<vmem>>) dst(%dma_wait3A_120 : memref<10240xf32, #tpu.memory_space<vmem_shared>>)
          tpu.yield
        }) : () -> ()
        %add3A_90 = arith.constant 2 : i32
        %add3A_91 = arith.addi %mul3A_84, %add3A_90 : i32
        %lt3A = arith.constant 157 : i32
        %lt3A_92 = arith.cmpi slt, %add3A_91, %lt3A : i32
        %convert_element_type3A_93 = arith.extui %lt3A_92 : i1 to i32
        %cond3A_94 = arith.constant 0 : i32
        %cond3A_95 = arith.cmpi ne, %convert_element_type3A_93, %cond3A_94 : i32
        scf.if %cond3A_95 {
          %add3A_111 = arith.constant 2 : i32
          %add3A_112 = arith.addi %mul3A_84, %add3A_111 : i32
          %dma_start3A_113 = arith.constant 0 : i32
          %dma_start3A_114 = tpu.memref_slice %arg9[%add3A_112, %dma_start3A_113] : memref<157x128xi32, #tpu.memory_space<vmem>> -> memref<1x128xi32, #tpu.memory_space<vmem>>
          %dma_start3A_115 = tpu.memref_squeeze %dma_start3A_114 : memref<1x128xi32, #tpu.memory_space<vmem>> -> memref<128xi32, #tpu.memory_space<vmem>>
          %dma_start3A_116 = arith.constant 0 : i32
          %dma_start3A_117 = arith.constant 0 : i32
          %dma_start3A_118 = tpu.memref_slice %arg2[%dma_start3A_116, %dma_start3A_117] : memref<10000x64xf32, #tpu.memory_space<hbm>> -> memref<10000x64xf32, #tpu.memory_space<hbm>>
          tpu.enqueue_indirect_dma source(%dma_start3A_118 : memref<10000x64xf32, #tpu.memory_space<hbm>>) target(%arg11 : memref<128x64xf32, #tpu.memory_space<vmem>>) offsets(%dma_start3A_115 : memref<128xi32, #tpu.memory_space<vmem>>) semaphore(%arg17 : memref<!tpu.dma_semaphore, #tpu.memory_space<semaphore_mem>>)
        } else {
        }
        %add3A_96 = arith.constant 1 : i32
        %add3A_97 = arith.addi %mul3A_84, %add3A_96 : i32
        %lt3A_98 = arith.constant 157 : i32
        %lt3A_99 = arith.cmpi slt, %add3A_97, %lt3A_98 : i32
        %convert_element_type3A_100 = arith.extui %lt3A_99 : i1 to i32
        %cond3A_101 = arith.constant 0 : i32
        %cond3A_102 = arith.cmpi ne, %convert_element_type3A_100, %cond3A_101 : i32
        scf.if %cond3A_102 {
          %add3A_111 = arith.constant 1 : i32
          %add3A_112 = arith.addi %mul3A_84, %add3A_111 : i32
          %dma_wait3A_113 = arith.constant 0 : i32
          %dma_wait3A_114 = tpu.memref_slice %arg9[%add3A_112, %dma_wait3A_113] : memref<157x128xi32, #tpu.memory_space<vmem>> -> memref<1x128xi32, #tpu.memory_space<vmem>>
          %dma_wait3A_115 = tpu.memref_squeeze %dma_wait3A_114 : memref<1x128xi32, #tpu.memory_space<vmem>> -> memref<128xi32, #tpu.memory_space<vmem>>
          %dma_wait3A_116 = arith.constant 0 : i32
          %dma_wait3A_117 = arith.constant 0 : i32
          %dma_wait3A_118 = tpu.memref_slice %arg2[%dma_wait3A_116, %dma_wait3A_117] : memref<10000x64xf32, #tpu.memory_space<hbm>> -> memref<10000x64xf32, #tpu.memory_space<hbm>>
          tpu.wait_indirect_dma semaphore(%arg18 : memref<!tpu.dma_semaphore, #tpu.memory_space<semaphore_mem>>) src(%dma_wait3A_118 : memref<10000x64xf32, #tpu.memory_space<hbm>>) dst(%arg12 : memref<128x64xf32, #tpu.memory_space<vmem>>)
          %add3A_119 = arith.constant 1 : i32
          %add3A_120 = arith.addi %mul3A_84, %add3A_119 : i32
          "tpu.region"() ({
            %run_scoped3A = tpu.sem_alloc : memref<!tpu.dma_semaphore, #tpu.memory_space<semaphore_mem>>
            %dma_start3A_121 = arith.constant 0 : i32
            %dma_start3A_122 = tpu.memref_slice %arg10[%add3A_120, %dma_start3A_121] : memref<157x128xi32, #tpu.memory_space<vmem>> -> memref<1x128xi32, #tpu.memory_space<vmem>>
            %dma_start3A_123 = tpu.memref_squeeze %dma_start3A_122 : memref<1x128xi32, #tpu.memory_space<vmem>> -> memref<128xi32, #tpu.memory_space<vmem>>
            %dma_start3A_124 = arith.constant 0 : i32
            %dma_start3A_125 = arith.constant 0 : i32
            %dma_start3A_126 = tpu.memref_slice %arg15[%dma_start3A_124, %dma_start3A_125] : memref<10240x64xf32, #tpu.memory_space<vmem_shared>> -> memref<10240x64xf32, #tpu.memory_space<vmem_shared>>
            tpu.enqueue_indirect_dma source(%arg12 : memref<128x64xf32, #tpu.memory_space<vmem>>) target(%dma_start3A_126 : memref<10240x64xf32, #tpu.memory_space<vmem_shared>>) offsets(%dma_start3A_123 : memref<128xi32, #tpu.memory_space<vmem>>) semaphore(%run_scoped3A : memref<!tpu.dma_semaphore, #tpu.memory_space<semaphore_mem>>) {add = true}
            %dma_wait3A_127 = arith.constant 0 : i32
            %dma_wait3A_128 = tpu.memref_slice %arg10[%add3A_120, %dma_wait3A_127] : memref<157x128xi32, #tpu.memory_space<vmem>> -> memref<1x128xi32, #tpu.memory_space<vmem>>
            %dma_wait3A_129 = tpu.memref_squeeze %dma_wait3A_128 : memref<1x128xi32, #tpu.memory_space<vmem>> -> memref<128xi32, #tpu.memory_space<vmem>>
            %dma_wait3A_130 = arith.constant 0 : i32
            %dma_wait3A_131 = arith.constant 0 : i32
            %dma_wait3A_132 = tpu.memref_slice %arg15[%dma_wait3A_130, %dma_wait3A_131] : memref<10240x64xf32, #tpu.memory_space<vmem_shared>> -> memref<10240x64xf32, #tpu.memory_space<vmem_shared>>
            tpu.wait_indirect_dma semaphore(%run_scoped3A : memref<!tpu.dma_semaphore, #tpu.memory_space<semaphore_mem>>) src(%arg12 : memref<128x64xf32, #tpu.memory_space<vmem>>) dst(%dma_wait3A_132 : memref<10240x64xf32, #tpu.memory_space<vmem_shared>>)
            tpu.yield
          }) : () -> ()
          "tpu.region"() ({
            %run_scoped3A = tpu.sem_alloc : memref<!tpu.dma_semaphore, #tpu.memory_space<semaphore_mem>>
            %dma_start3A_121 = arith.constant 0 : i32
            %dma_start3A_122 = tpu.memref_slice %arg10[%add3A_120, %dma_start3A_121] : memref<157x128xi32, #tpu.memory_space<vmem>> -> memref<1x128xi32, #tpu.memory_space<vmem>>
            %dma_start3A_123 = tpu.memref_squeeze %dma_start3A_122 : memref<1x128xi32, #tpu.memory_space<vmem>> -> memref<128xi32, #tpu.memory_space<vmem>>
            %dma_start3A_124 = arith.constant 0 : i32
            %dma_start3A_125 = tpu.memref_slice %arg16[%dma_start3A_124] : memref<10240xf32, #tpu.memory_space<vmem_shared>> -> memref<10240xf32, #tpu.memory_space<vmem_shared>>
            tpu.enqueue_indirect_dma source(%arg13 : memref<128xf32, #tpu.memory_space<vmem>>) target(%dma_start3A_125 : memref<10240xf32, #tpu.memory_space<vmem_shared>>) offsets(%dma_start3A_123 : memref<128xi32, #tpu.memory_space<vmem>>) semaphore(%run_scoped3A : memref<!tpu.dma_semaphore, #tpu.memory_space<semaphore_mem>>) {add = true}
            %dma_wait3A_126 = arith.constant 0 : i32
            %dma_wait3A_127 = tpu.memref_slice %arg10[%add3A_120, %dma_wait3A_126] : memref<157x128xi32, #tpu.memory_space<vmem>> -> memref<1x128xi32, #tpu.memory_space<vmem>>
            %dma_wait3A_128 = tpu.memref_squeeze %dma_wait3A_127 : memref<1x128xi32, #tpu.memory_space<vmem>> -> memref<128xi32, #tpu.memory_space<vmem>>
            %dma_wait3A_129 = arith.constant 0 : i32
            %dma_wait3A_130 = tpu.memref_slice %arg16[%dma_wait3A_129] : memref<10240xf32, #tpu.memory_space<vmem_shared>> -> memref<10240xf32, #tpu.memory_space<vmem_shared>>
            tpu.wait_indirect_dma semaphore(%run_scoped3A : memref<!tpu.dma_semaphore, #tpu.memory_space<semaphore_mem>>) src(%arg13 : memref<128xf32, #tpu.memory_space<vmem>>) dst(%dma_wait3A_130 : memref<10240xf32, #tpu.memory_space<vmem_shared>>)
            tpu.yield
          }) : () -> ()
        } else {
        }
        %add3A_103 = arith.constant 3 : i32
        %add3A_104 = arith.addi %mul3A_84, %add3A_103 : i32
        %lt3A_105 = arith.constant 157 : i32
        %lt3A_106 = arith.cmpi slt, %add3A_104, %lt3A_105 : i32
        %convert_element_type3A_107 = arith.extui %lt3A_106 : i1 to i32
        %cond3A_108 = arith.constant 0 : i32
        %cond3A_109 = arith.cmpi ne, %convert_element_type3A_107, %cond3A_108 : i32
        scf.if %cond3A_109 {
          %add3A_111 = arith.constant 3 : i32
          %add3A_112 = arith.addi %mul3A_84, %add3A_111 : i32
          %dma_start3A_113 = arith.constant 0 : i32
          %dma_start3A_114 = tpu.memref_slice %arg9[%add3A_112, %dma_start3A_113] : memref<157x128xi32, #tpu.memory_space<vmem>> -> memref<1x128xi32, #tpu.memory_space<vmem>>
          %dma_start3A_115 = tpu.memref_squeeze %dma_start3A_114 : memref<1x128xi32, #tpu.memory_space<vmem>> -> memref<128xi32, #tpu.memory_space<vmem>>
          %dma_start3A_116 = arith.constant 0 : i32
          %dma_start3A_117 = arith.constant 0 : i32
          %dma_start3A_118 = tpu.memref_slice %arg2[%dma_start3A_116, %dma_start3A_117] : memref<10000x64xf32, #tpu.memory_space<hbm>> -> memref<10000x64xf32, #tpu.memory_space<hbm>>
          tpu.enqueue_indirect_dma source(%dma_start3A_118 : memref<10000x64xf32, #tpu.memory_space<hbm>>) target(%arg12 : memref<128x64xf32, #tpu.memory_space<vmem>>) offsets(%dma_start3A_115 : memref<128xi32, #tpu.memory_space<vmem>>) semaphore(%arg18 : memref<!tpu.dma_semaphore, #tpu.memory_space<semaphore_mem>>)
        } else {
        }
        %scan3A_110 = arith.constant 0 : i32
        scf.yield %scan3A_110 : i32
      }
      %scan3A_80 = arith.constant 79 : i32
    } else {
    }
    %eq3A_45 = arith.constant 1 : i32
    %eq3A_46 = arith.cmpi eq, %arg0, %eq3A_45 : i32
    %convert_element_type3A_47 = arith.extui %eq3A_46 : i1 to i32
    %cond3A_48 = arith.constant 0 : i32
    %cond3A_49 = arith.cmpi ne, %convert_element_type3A_47, %cond3A_48 : i32
    scf.if %cond3A_49 {
      "tpu.region"() ({
        %run_scoped3A = tpu.sem_alloc : memref<!tpu.dma_semaphore, #tpu.memory_space<semaphore_mem>>
        %dma_start3A_81 = arith.constant 0 : i32
        %dma_start3A_82 = arith.constant 0 : i32
        %dma_start3A_83 = tpu.memref_slice %arg4[%arg1, %dma_start3A_81, %dma_start3A_82] : memref<16x157x128xi32, #tpu.memory_space<hbm>> -> memref<1x157x128xi32, #tpu.memory_space<hbm>>
        %dma_start3A_84 = tpu.memref_squeeze %dma_start3A_83 : memref<1x157x128xi32, #tpu.memory_space<hbm>> -> memref<157x128xi32, #tpu.memory_space<hbm>>
        %dma_start3A_85 = arith.constant 0 : i32
        %dma_start3A_86 = arith.constant 0 : i32
        %dma_start3A_87 = tpu.memref_slice %arg4[%arg1, %dma_start3A_85, %dma_start3A_86] : memref<16x157x128xi32, #tpu.memory_space<hbm>> -> memref<1x157x128xi32, #tpu.memory_space<hbm>>
        %dma_start3A_88 = tpu.memref_squeeze %dma_start3A_87 : memref<1x157x128xi32, #tpu.memory_space<hbm>> -> memref<157x128xi32, #tpu.memory_space<hbm>>
        tpu.enqueue_dma source(%dma_start3A_88 : memref<157x128xi32, #tpu.memory_space<hbm>>) target(%arg9 : memref<157x128xi32, #tpu.memory_space<vmem>>) target_semaphore(%run_scoped3A : memref<!tpu.dma_semaphore, #tpu.memory_space<semaphore_mem>>)
        %dma_wait3A = arith.constant 0 : i32
        %dma_wait3A_89 = arith.constant 0 : i32
        %dma_wait3A_90 = tpu.memref_slice %arg4[%arg1, %dma_wait3A, %dma_wait3A_89] : memref<16x157x128xi32, #tpu.memory_space<hbm>> -> memref<1x157x128xi32, #tpu.memory_space<hbm>>
        %dma_wait3A_91 = tpu.memref_squeeze %dma_wait3A_90 : memref<1x157x128xi32, #tpu.memory_space<hbm>> -> memref<157x128xi32, #tpu.memory_space<hbm>>
        %dma_wait3A_92 = arith.constant 0 : i32
        %dma_wait3A_93 = arith.constant 0 : i32
        %dma_wait3A_94 = tpu.memref_slice %arg4[%arg1, %dma_wait3A_92, %dma_wait3A_93] : memref<16x157x128xi32, #tpu.memory_space<hbm>> -> memref<1x157x128xi32, #tpu.memory_space<hbm>>
        %dma_wait3A_95 = tpu.memref_squeeze %dma_wait3A_94 : memref<1x157x128xi32, #tpu.memory_space<hbm>> -> memref<157x128xi32, #tpu.memory_space<hbm>>
        tpu.wait_dma2 semaphore(%run_scoped3A : memref<!tpu.dma_semaphore, #tpu.memory_space<semaphore_mem>>) src(%dma_wait3A_95 : memref<157x128xi32, #tpu.memory_space<hbm>>) dst(%arg9 : memref<157x128xi32, #tpu.memory_space<vmem>>)
        tpu.yield
      }) : () -> ()
      "tpu.region"() ({
        %run_scoped3A = tpu.sem_alloc : memref<!tpu.dma_semaphore, #tpu.memory_space<semaphore_mem>>
        %dma_start3A_81 = arith.constant 0 : i32
        %dma_start3A_82 = arith.constant 0 : i32
        %dma_start3A_83 = tpu.memref_slice %arg5[%arg1, %dma_start3A_81, %dma_start3A_82] : memref<16x157x128xi32, #tpu.memory_space<hbm>> -> memref<1x157x128xi32, #tpu.memory_space<hbm>>
        %dma_start3A_84 = tpu.memref_squeeze %dma_start3A_83 : memref<1x157x128xi32, #tpu.memory_space<hbm>> -> memref<157x128xi32, #tpu.memory_space<hbm>>
        %dma_start3A_85 = arith.constant 0 : i32
        %dma_start3A_86 = arith.constant 0 : i32
        %dma_start3A_87 = tpu.memref_slice %arg5[%arg1, %dma_start3A_85, %dma_start3A_86] : memref<16x157x128xi32, #tpu.memory_space<hbm>> -> memref<1x157x128xi32, #tpu.memory_space<hbm>>
        %dma_start3A_88 = tpu.memref_squeeze %dma_start3A_87 : memref<1x157x128xi32, #tpu.memory_space<hbm>> -> memref<157x128xi32, #tpu.memory_space<hbm>>
        tpu.enqueue_dma source(%dma_start3A_88 : memref<157x128xi32, #tpu.memory_space<hbm>>) target(%arg10 : memref<157x128xi32, #tpu.memory_space<vmem>>) target_semaphore(%run_scoped3A : memref<!tpu.dma_semaphore, #tpu.memory_space<semaphore_mem>>)
        %dma_wait3A = arith.constant 0 : i32
        %dma_wait3A_89 = arith.constant 0 : i32
        %dma_wait3A_90 = tpu.memref_slice %arg5[%arg1, %dma_wait3A, %dma_wait3A_89] : memref<16x157x128xi32, #tpu.memory_space<hbm>> -> memref<1x157x128xi32, #tpu.memory_space<hbm>>
        %dma_wait3A_91 = tpu.memref_squeeze %dma_wait3A_90 : memref<1x157x128xi32, #tpu.memory_space<hbm>> -> memref<157x128xi32, #tpu.memory_space<hbm>>
        %dma_wait3A_92 = arith.constant 0 : i32
        %dma_wait3A_93 = arith.constant 0 : i32
        %dma_wait3A_94 = tpu.memref_slice %arg5[%arg1, %dma_wait3A_92, %dma_wait3A_93] : memref<16x157x128xi32, #tpu.memory_space<hbm>> -> memref<1x157x128xi32, #tpu.memory_space<hbm>>
        %dma_wait3A_95 = tpu.memref_squeeze %dma_wait3A_94 : memref<1x157x128xi32, #tpu.memory_space<hbm>> -> memref<157x128xi32, #tpu.memory_space<hbm>>
        tpu.wait_dma2 semaphore(%run_scoped3A : memref<!tpu.dma_semaphore, #tpu.memory_space<semaphore_mem>>) src(%dma_wait3A_95 : memref<157x128xi32, #tpu.memory_space<hbm>>) dst(%arg10 : memref<157x128xi32, #tpu.memory_space<vmem>>)
        tpu.yield
      }) : () -> ()
      %dma_start3A = arith.constant 0 : i32
      %dma_start3A_61 = arith.constant 0 : i32
      %dma_start3A_62 = tpu.memref_slice %arg9[%dma_start3A, %dma_start3A_61] : memref<157x128xi32, #tpu.memory_space<vmem>> -> memref<1x128xi32, #tpu.memory_space<vmem>>
      %dma_start3A_63 = tpu.memref_squeeze %dma_start3A_62 : memref<1x128xi32, #tpu.memory_space<vmem>> -> memref<128xi32, #tpu.memory_space<vmem>>
      %dma_start3A_64 = arith.constant 0 : i32
      %dma_start3A_65 = arith.constant 0 : i32
      %dma_start3A_66 = tpu.memref_slice %arg3[%dma_start3A_64, %dma_start3A_65] : memref<10000x64xf32, #tpu.memory_space<hbm>> -> memref<10000x64xf32, #tpu.memory_space<hbm>>
      tpu.enqueue_indirect_dma source(%dma_start3A_66 : memref<10000x64xf32, #tpu.memory_space<hbm>>) target(%arg11 : memref<128x64xf32, #tpu.memory_space<vmem>>) offsets(%dma_start3A_63 : memref<128xi32, #tpu.memory_space<vmem>>) semaphore(%arg17 : memref<!tpu.dma_semaphore, #tpu.memory_space<semaphore_mem>>)
      %dma_start3A_67 = arith.constant 1 : i32
      %dma_start3A_68 = arith.constant 0 : i32
      %dma_start3A_69 = tpu.memref_slice %arg9[%dma_start3A_67, %dma_start3A_68] : memref<157x128xi32, #tpu.memory_space<vmem>> -> memref<1x128xi32, #tpu.memory_space<vmem>>
      %dma_start3A_70 = tpu.memref_squeeze %dma_start3A_69 : memref<1x128xi32, #tpu.memory_space<vmem>> -> memref<128xi32, #tpu.memory_space<vmem>>
      %dma_start3A_71 = arith.constant 0 : i32
      %dma_start3A_72 = arith.constant 0 : i32
      %dma_start3A_73 = tpu.memref_slice %arg3[%dma_start3A_71, %dma_start3A_72] : memref<10000x64xf32, #tpu.memory_space<hbm>> -> memref<10000x64xf32, #tpu.memory_space<hbm>>
      tpu.enqueue_indirect_dma source(%dma_start3A_73 : memref<10000x64xf32, #tpu.memory_space<hbm>>) target(%arg12 : memref<128x64xf32, #tpu.memory_space<vmem>>) offsets(%dma_start3A_70 : memref<128xi32, #tpu.memory_space<vmem>>) semaphore(%arg18 : memref<!tpu.dma_semaphore, #tpu.memory_space<semaphore_mem>>)
      %scan3A_74 = arith.constant 0 : i32
      %scan3A_75 = arith.constant 0 : i32
      %scan3A_76 = arith.constant 79 : i32
      %scan3A_77 = arith.addi %scan3A_75, %scan3A_76 : i32
      %scan3A_78 = arith.constant 1 : i32
      %scan3A_79 = scf.for %scan3A_81 = %scan3A_75 to %scan3A_77 step %scan3A_78 iter_args(%scan3A_82 = %scan3A_74) -> (i32)  : i32 {
        %mul3A_83 = arith.constant 2 : i32
        %mul3A_84 = arith.muli %mul3A_83, %scan3A_81 : i32
        %dma_wait3A = arith.constant 0 : i32
        %dma_wait3A_85 = tpu.memref_slice %arg9[%mul3A_84, %dma_wait3A] : memref<157x128xi32, #tpu.memory_space<vmem>> -> memref<1x128xi32, #tpu.memory_space<vmem>>
        %dma_wait3A_86 = tpu.memref_squeeze %dma_wait3A_85 : memref<1x128xi32, #tpu.memory_space<vmem>> -> memref<128xi32, #tpu.memory_space<vmem>>
        %dma_wait3A_87 = arith.constant 0 : i32
        %dma_wait3A_88 = arith.constant 0 : i32
        %dma_wait3A_89 = tpu.memref_slice %arg3[%dma_wait3A_87, %dma_wait3A_88] : memref<10000x64xf32, #tpu.memory_space<hbm>> -> memref<10000x64xf32, #tpu.memory_space<hbm>>
        tpu.wait_indirect_dma semaphore(%arg17 : memref<!tpu.dma_semaphore, #tpu.memory_space<semaphore_mem>>) src(%dma_wait3A_89 : memref<10000x64xf32, #tpu.memory_space<hbm>>) dst(%arg11 : memref<128x64xf32, #tpu.memory_space<vmem>>)
        "tpu.region"() ({
          %run_scoped3A = tpu.sem_alloc : memref<!tpu.dma_semaphore, #tpu.memory_space<semaphore_mem>>
          %dma_start3A_111 = arith.constant 0 : i32
          %dma_start3A_112 = tpu.memref_slice %arg10[%mul3A_84, %dma_start3A_111] : memref<157x128xi32, #tpu.memory_space<vmem>> -> memref<1x128xi32, #tpu.memory_space<vmem>>
          %dma_start3A_113 = tpu.memref_squeeze %dma_start3A_112 : memref<1x128xi32, #tpu.memory_space<vmem>> -> memref<128xi32, #tpu.memory_space<vmem>>
          %dma_start3A_114 = arith.constant 0 : i32
          %dma_start3A_115 = arith.constant 0 : i32
          %dma_start3A_116 = tpu.memref_slice %arg15[%dma_start3A_114, %dma_start3A_115] : memref<10240x64xf32, #tpu.memory_space<vmem_shared>> -> memref<10240x64xf32, #tpu.memory_space<vmem_shared>>
          tpu.enqueue_indirect_dma source(%arg11 : memref<128x64xf32, #tpu.memory_space<vmem>>) target(%dma_start3A_116 : memref<10240x64xf32, #tpu.memory_space<vmem_shared>>) offsets(%dma_start3A_113 : memref<128xi32, #tpu.memory_space<vmem>>) semaphore(%run_scoped3A : memref<!tpu.dma_semaphore, #tpu.memory_space<semaphore_mem>>) {add = true}
          %dma_wait3A_117 = arith.constant 0 : i32
          %dma_wait3A_118 = tpu.memref_slice %arg10[%mul3A_84, %dma_wait3A_117] : memref<157x128xi32, #tpu.memory_space<vmem>> -> memref<1x128xi32, #tpu.memory_space<vmem>>
          %dma_wait3A_119 = tpu.memref_squeeze %dma_wait3A_118 : memref<1x128xi32, #tpu.memory_space<vmem>> -> memref<128xi32, #tpu.memory_space<vmem>>
          %dma_wait3A_120 = arith.constant 0 : i32
          %dma_wait3A_121 = arith.constant 0 : i32
          %dma_wait3A_122 = tpu.memref_slice %arg15[%dma_wait3A_120, %dma_wait3A_121] : memref<10240x64xf32, #tpu.memory_space<vmem_shared>> -> memref<10240x64xf32, #tpu.memory_space<vmem_shared>>
          tpu.wait_indirect_dma semaphore(%run_scoped3A : memref<!tpu.dma_semaphore, #tpu.memory_space<semaphore_mem>>) src(%arg11 : memref<128x64xf32, #tpu.memory_space<vmem>>) dst(%dma_wait3A_122 : memref<10240x64xf32, #tpu.memory_space<vmem_shared>>)
          tpu.yield
        }) : () -> ()
        %add3A_90 = arith.constant 2 : i32
        %add3A_91 = arith.addi %mul3A_84, %add3A_90 : i32
        %lt3A = arith.constant 157 : i32
        %lt3A_92 = arith.cmpi slt, %add3A_91, %lt3A : i32
        %convert_element_type3A_93 = arith.extui %lt3A_92 : i1 to i32
        %cond3A_94 = arith.constant 0 : i32
        %cond3A_95 = arith.cmpi ne, %convert_element_type3A_93, %cond3A_94 : i32
        scf.if %cond3A_95 {
          %add3A_111 = arith.constant 2 : i32
          %add3A_112 = arith.addi %mul3A_84, %add3A_111 : i32
          %dma_start3A_113 = arith.constant 0 : i32
          %dma_start3A_114 = tpu.memref_slice %arg9[%add3A_112, %dma_start3A_113] : memref<157x128xi32, #tpu.memory_space<vmem>> -> memref<1x128xi32, #tpu.memory_space<vmem>>
          %dma_start3A_115 = tpu.memref_squeeze %dma_start3A_114 : memref<1x128xi32, #tpu.memory_space<vmem>> -> memref<128xi32, #tpu.memory_space<vmem>>
          %dma_start3A_116 = arith.constant 0 : i32
          %dma_start3A_117 = arith.constant 0 : i32
          %dma_start3A_118 = tpu.memref_slice %arg3[%dma_start3A_116, %dma_start3A_117] : memref<10000x64xf32, #tpu.memory_space<hbm>> -> memref<10000x64xf32, #tpu.memory_space<hbm>>
          tpu.enqueue_indirect_dma source(%dma_start3A_118 : memref<10000x64xf32, #tpu.memory_space<hbm>>) target(%arg11 : memref<128x64xf32, #tpu.memory_space<vmem>>) offsets(%dma_start3A_115 : memref<128xi32, #tpu.memory_space<vmem>>) semaphore(%arg17 : memref<!tpu.dma_semaphore, #tpu.memory_space<semaphore_mem>>)
        } else {
        }
        %add3A_96 = arith.constant 1 : i32
        %add3A_97 = arith.addi %mul3A_84, %add3A_96 : i32
        %lt3A_98 = arith.constant 157 : i32
        %lt3A_99 = arith.cmpi slt, %add3A_97, %lt3A_98 : i32
        %convert_element_type3A_100 = arith.extui %lt3A_99 : i1 to i32
        %cond3A_101 = arith.constant 0 : i32
        %cond3A_102 = arith.cmpi ne, %convert_element_type3A_100, %cond3A_101 : i32
        scf.if %cond3A_102 {
          %add3A_111 = arith.constant 1 : i32
          %add3A_112 = arith.addi %mul3A_84, %add3A_111 : i32
          %dma_wait3A_113 = arith.constant 0 : i32
          %dma_wait3A_114 = tpu.memref_slice %arg9[%add3A_112, %dma_wait3A_113] : memref<157x128xi32, #tpu.memory_space<vmem>> -> memref<1x128xi32, #tpu.memory_space<vmem>>
          %dma_wait3A_115 = tpu.memref_squeeze %dma_wait3A_114 : memref<1x128xi32, #tpu.memory_space<vmem>> -> memref<128xi32, #tpu.memory_space<vmem>>
          %dma_wait3A_116 = arith.constant 0 : i32
          %dma_wait3A_117 = arith.constant 0 : i32
          %dma_wait3A_118 = tpu.memref_slice %arg3[%dma_wait3A_116, %dma_wait3A_117] : memref<10000x64xf32, #tpu.memory_space<hbm>> -> memref<10000x64xf32, #tpu.memory_space<hbm>>
          tpu.wait_indirect_dma semaphore(%arg18 : memref<!tpu.dma_semaphore, #tpu.memory_space<semaphore_mem>>) src(%dma_wait3A_118 : memref<10000x64xf32, #tpu.memory_space<hbm>>) dst(%arg12 : memref<128x64xf32, #tpu.memory_space<vmem>>)
          %add3A_119 = arith.constant 1 : i32
          %add3A_120 = arith.addi %mul3A_84, %add3A_119 : i32
          "tpu.region"() ({
            %run_scoped3A = tpu.sem_alloc : memref<!tpu.dma_semaphore, #tpu.memory_space<semaphore_mem>>
            %dma_start3A_121 = arith.constant 0 : i32
            %dma_start3A_122 = tpu.memref_slice %arg10[%add3A_120, %dma_start3A_121] : memref<157x128xi32, #tpu.memory_space<vmem>> -> memref<1x128xi32, #tpu.memory_space<vmem>>
            %dma_start3A_123 = tpu.memref_squeeze %dma_start3A_122 : memref<1x128xi32, #tpu.memory_space<vmem>> -> memref<128xi32, #tpu.memory_space<vmem>>
            %dma_start3A_124 = arith.constant 0 : i32
            %dma_start3A_125 = arith.constant 0 : i32
            %dma_start3A_126 = tpu.memref_slice %arg15[%dma_start3A_124, %dma_start3A_125] : memref<10240x64xf32, #tpu.memory_space<vmem_shared>> -> memref<10240x64xf32, #tpu.memory_space<vmem_shared>>
            tpu.enqueue_indirect_dma source(%arg12 : memref<128x64xf32, #tpu.memory_space<vmem>>) target(%dma_start3A_126 : memref<10240x64xf32, #tpu.memory_space<vmem_shared>>) offsets(%dma_start3A_123 : memref<128xi32, #tpu.memory_space<vmem>>) semaphore(%run_scoped3A : memref<!tpu.dma_semaphore, #tpu.memory_space<semaphore_mem>>) {add = true}
            %dma_wait3A_127 = arith.constant 0 : i32
            %dma_wait3A_128 = tpu.memref_slice %arg10[%add3A_120, %dma_wait3A_127] : memref<157x128xi32, #tpu.memory_space<vmem>> -> memref<1x128xi32, #tpu.memory_space<vmem>>
            %dma_wait3A_129 = tpu.memref_squeeze %dma_wait3A_128 : memref<1x128xi32, #tpu.memory_space<vmem>> -> memref<128xi32, #tpu.memory_space<vmem>>
            %dma_wait3A_130 = arith.constant 0 : i32
            %dma_wait3A_131 = arith.constant 0 : i32
            %dma_wait3A_132 = tpu.memref_slice %arg15[%dma_wait3A_130, %dma_wait3A_131] : memref<10240x64xf32, #tpu.memory_space<vmem_shared>> -> memref<10240x64xf32, #tpu.memory_space<vmem_shared>>
            tpu.wait_indirect_dma semaphore(%run_scoped3A : memref<!tpu.dma_semaphore, #tpu.memory_space<semaphore_mem>>) src(%arg12 : memref<128x64xf32, #tpu.memory_space<vmem>>) dst(%dma_wait3A_132 : memref<10240x64xf32, #tpu.memory_space<vmem_shared>>)
            tpu.yield
          }) : () -> ()
        } else {
        }
        %add3A_103 = arith.constant 3 : i32
        %add3A_104 = arith.addi %mul3A_84, %add3A_103 : i32
        %lt3A_105 = arith.constant 157 : i32
        %lt3A_106 = arith.cmpi slt, %add3A_104, %lt3A_105 : i32
        %convert_element_type3A_107 = arith.extui %lt3A_106 : i1 to i32
        %cond3A_108 = arith.constant 0 : i32
        %cond3A_109 = arith.cmpi ne, %convert_element_type3A_107, %cond3A_108 : i32
        scf.if %cond3A_109 {
          %add3A_111 = arith.constant 3 : i32
          %add3A_112 = arith.addi %mul3A_84, %add3A_111 : i32
          %dma_start3A_113 = arith.constant 0 : i32
          %dma_start3A_114 = tpu.memref_slice %arg9[%add3A_112, %dma_start3A_113] : memref<157x128xi32, #tpu.memory_space<vmem>> -> memref<1x128xi32, #tpu.memory_space<vmem>>
          %dma_start3A_115 = tpu.memref_squeeze %dma_start3A_114 : memref<1x128xi32, #tpu.memory_space<vmem>> -> memref<128xi32, #tpu.memory_space<vmem>>
          %dma_start3A_116 = arith.constant 0 : i32
          %dma_start3A_117 = arith.constant 0 : i32
          %dma_start3A_118 = tpu.memref_slice %arg3[%dma_start3A_116, %dma_start3A_117] : memref<10000x64xf32, #tpu.memory_space<hbm>> -> memref<10000x64xf32, #tpu.memory_space<hbm>>
          tpu.enqueue_indirect_dma source(%dma_start3A_118 : memref<10000x64xf32, #tpu.memory_space<hbm>>) target(%arg12 : memref<128x64xf32, #tpu.memory_space<vmem>>) offsets(%dma_start3A_115 : memref<128xi32, #tpu.memory_space<vmem>>) semaphore(%arg18 : memref<!tpu.dma_semaphore, #tpu.memory_space<semaphore_mem>>)
        } else {
        }
        %scan3A_110 = arith.constant 0 : i32
        scf.yield %scan3A_110 : i32
      }
      %scan3A_80 = arith.constant 79 : i32
    } else {
    }
    %barrier3A_50 = arith.constant 0 : index
    tpu.barrier barrier_id(%barrier3A_50)
    %eq3A_51 = arith.constant 0 : i32
    %eq3A_52 = arith.cmpi eq, %arg0, %eq3A_51 : i32
    %convert_element_type3A_53 = arith.extui %eq3A_52 : i1 to i32
    %cond3A_54 = arith.constant 0 : i32
    %cond3A_55 = arith.cmpi ne, %convert_element_type3A_53, %cond3A_54 : i32
    scf.if %cond3A_55 {
      %mul3A_61 = arith.constant 640 : i32
      %mul3A_62 = arith.muli %arg1, %mul3A_61 : i32
      %mul3A_63 = arith.constant 640 : i32
      %mul3A_64 = arith.muli %arg1, %mul3A_63 : i32
      "tpu.region"() ({
        %run_scoped3A = tpu.sem_alloc : memref<!tpu.dma_semaphore, #tpu.memory_space<semaphore_mem>>
        %dma_start3A = arith.constant 0 : i32
        %dma_start3A_69 = tpu.memref_slice %arg6[%mul3A_64, %dma_start3A] : memref<10240x64xf32, #tpu.memory_space<hbm>> -> memref<640x64xf32, #tpu.memory_space<hbm>>
        %dma_start3A_70 = arith.constant 0 : i32
        %dma_start3A_71 = tpu.memref_slice %arg15[%mul3A_62, %dma_start3A_70] : memref<10240x64xf32, #tpu.memory_space<vmem_shared>> -> memref<640x64xf32, #tpu.memory_space<vmem_shared>>
        tpu.enqueue_dma source(%dma_start3A_71 : memref<640x64xf32, #tpu.memory_space<vmem_shared>>) target(%dma_start3A_69 : memref<640x64xf32, #tpu.memory_space<hbm>>) target_semaphore(%run_scoped3A : memref<!tpu.dma_semaphore, #tpu.memory_space<semaphore_mem>>)
        %dma_wait3A = arith.constant 0 : i32
        %dma_wait3A_72 = tpu.memref_slice %arg6[%mul3A_64, %dma_wait3A] : memref<10240x64xf32, #tpu.memory_space<hbm>> -> memref<640x64xf32, #tpu.memory_space<hbm>>
        %dma_wait3A_73 = arith.constant 0 : i32
        %dma_wait3A_74 = tpu.memref_slice %arg15[%mul3A_62, %dma_wait3A_73] : memref<10240x64xf32, #tpu.memory_space<vmem_shared>> -> memref<640x64xf32, #tpu.memory_space<vmem_shared>>
        tpu.wait_dma2 semaphore(%run_scoped3A : memref<!tpu.dma_semaphore, #tpu.memory_space<semaphore_mem>>) src(%dma_wait3A_74 : memref<640x64xf32, #tpu.memory_space<vmem_shared>>) dst(%dma_wait3A_72 : memref<640x64xf32, #tpu.memory_space<hbm>>)
        tpu.yield
      }) : () -> ()
      %mul3A_65 = arith.constant 640 : i32
      %mul3A_66 = arith.muli %arg1, %mul3A_65 : i32
      %mul3A_67 = arith.constant 640 : i32
      %mul3A_68 = arith.muli %arg1, %mul3A_67 : i32
      "tpu.region"() ({
        %run_scoped3A = tpu.sem_alloc : memref<!tpu.dma_semaphore, #tpu.memory_space<semaphore_mem>>
        %dma_start3A = tpu.memref_slice %arg8[%mul3A_68] : memref<10240xf32, #tpu.memory_space<hbm>> -> memref<640xf32, #tpu.memory_space<hbm>>
        %dma_start3A_69 = tpu.memref_slice %arg16[%mul3A_66] : memref<10240xf32, #tpu.memory_space<vmem_shared>> -> memref<640xf32, #tpu.memory_space<vmem_shared>>
        tpu.enqueue_dma source(%dma_start3A_69 : memref<640xf32, #tpu.memory_space<vmem_shared>>) target(%dma_start3A : memref<640xf32, #tpu.memory_space<hbm>>) target_semaphore(%run_scoped3A : memref<!tpu.dma_semaphore, #tpu.memory_space<semaphore_mem>>)
        %dma_wait3A = tpu.memref_slice %arg8[%mul3A_68] : memref<10240xf32, #tpu.memory_space<hbm>> -> memref<640xf32, #tpu.memory_space<hbm>>
        %dma_wait3A_70 = tpu.memref_slice %arg16[%mul3A_66] : memref<10240xf32, #tpu.memory_space<vmem_shared>> -> memref<640xf32, #tpu.memory_space<vmem_shared>>
        tpu.wait_dma2 semaphore(%run_scoped3A : memref<!tpu.dma_semaphore, #tpu.memory_space<semaphore_mem>>) src(%dma_wait3A_70 : memref<640xf32, #tpu.memory_space<vmem_shared>>) dst(%dma_wait3A : memref<640xf32, #tpu.memory_space<hbm>>)
        tpu.yield
      }) : () -> ()
    } else {
    }
    %eq3A_56 = arith.constant 1 : i32
    %eq3A_57 = arith.cmpi eq, %arg0, %eq3A_56 : i32
    %convert_element_type3A_58 = arith.extui %eq3A_57 : i1 to i32
    %cond3A_59 = arith.constant 0 : i32
    %cond3A_60 = arith.cmpi ne, %convert_element_type3A_58, %cond3A_59 : i32
    scf.if %cond3A_60 {
      %mul3A_61 = arith.constant 640 : i32
      %mul3A_62 = arith.muli %arg1, %mul3A_61 : i32
      %mul3A_63 = arith.constant 640 : i32
      %mul3A_64 = arith.muli %arg1, %mul3A_63 : i32
      "tpu.region"() ({
        %run_scoped3A = tpu.sem_alloc : memref<!tpu.dma_semaphore, #tpu.memory_space<semaphore_mem>>
        %dma_start3A = arith.constant 0 : i32
        %dma_start3A_65 = tpu.memref_slice %arg7[%mul3A_64, %dma_start3A] : memref<10240x64xf32, #tpu.memory_space<hbm>> -> memref<640x64xf32, #tpu.memory_space<hbm>>
        %dma_start3A_66 = arith.constant 0 : i32
        %dma_start3A_67 = tpu.memref_slice %arg15[%mul3A_62, %dma_start3A_66] : memref<10240x64xf32, #tpu.memory_space<vmem_shared>> -> memref<640x64xf32, #tpu.memory_space<vmem_shared>>
        tpu.enqueue_dma source(%dma_start3A_67 : memref<640x64xf32, #tpu.memory_space<vmem_shared>>) target(%dma_start3A_65 : memref<640x64xf32, #tpu.memory_space<hbm>>) target_semaphore(%run_scoped3A : memref<!tpu.dma_semaphore, #tpu.memory_space<semaphore_mem>>)
        %dma_wait3A = arith.constant 0 : i32
        %dma_wait3A_68 = tpu.memref_slice %arg7[%mul3A_64, %dma_wait3A] : memref<10240x64xf32, #tpu.memory_space<hbm>> -> memref<640x64xf32, #tpu.memory_space<hbm>>
        %dma_wait3A_69 = arith.constant 0 : i32
        %dma_wait3A_70 = tpu.memref_slice %arg15[%mul3A_62, %dma_wait3A_69] : memref<10240x64xf32, #tpu.memory_space<vmem_shared>> -> memref<640x64xf32, #tpu.memory_space<vmem_shared>>
        tpu.wait_dma2 semaphore(%run_scoped3A : memref<!tpu.dma_semaphore, #tpu.memory_space<semaphore_mem>>) src(%dma_wait3A_70 : memref<640x64xf32, #tpu.memory_space<vmem_shared>>) dst(%dma_wait3A_68 : memref<640x64xf32, #tpu.memory_space<hbm>>)
        tpu.yield
      }) : () -> ()
    } else {
    }
    return
  }
}

#map = affine_map<(d0, d1) -> (0, 0)>
#map1 = affine_map<(d0, d1) -> (0, 0, 0)>
#map2 = affine_map<(d0, d1) -> (0)>
module attributes {stable_mosaic.version = 14 : i64} {
  func.func @_conv_body_counts(%arg0: i32, %arg1: i32, %arg2: memref<10000x64xf32, #tpu.memory_space<hbm>>, %arg3: memref<10000x64xf32, #tpu.memory_space<hbm>>, %arg4: memref<16x157x128xi32, #tpu.memory_space<hbm>>, %arg5: memref<16x157x128xi32, #tpu.memory_space<hbm>>, %arg6: memref<10240x64xf32, #tpu.memory_space<hbm>>, %arg7: memref<10240x64xf32, #tpu.memory_space<hbm>>, %arg8: memref<10240xf32, #tpu.memory_space<hbm>>, %arg9: memref<157x128xi32, #tpu.memory_space<vmem>>, %arg10: memref<157x128xi32, #tpu.memory_space<vmem>>, %arg11: memref<128x64xf32, #tpu.memory_space<vmem>>, %arg12: memref<128x64xf32, #tpu.memory_space<vmem>>, %arg13: memref<128xf32, #tpu.memory_space<vmem>>, %arg14: memref<640xf32, #tpu.memory_space<vmem>>, %arg15: memref<10240x64xf32, #tpu.memory_space<vmem_shared>>, %arg16: memref<10240xf32, #tpu.memory_space<vmem_shared>>, %arg17: memref<!tpu.dma_semaphore, #tpu.memory_space<semaphore_mem>>, %arg18: memref<!tpu.dma_semaphore, #tpu.memory_space<semaphore_mem>>) attributes {dimension_semantics = [#tpu.dimension_semantics<core_parallel>, #tpu.dimension_semantics<subcore_parallel>], iteration_bounds = array<i64: 2, 16>, scalar_prefetch = 0 : i64, scratch_operands = 10 : i64, tpu.core_type = #tpu.core_type<sc_vector_subcore>, window_params = [{transform_indices = #map}, {transform_indices = #map}, {transform_indices = #map1}, {transform_indices = #map1}, {transform_indices = #map}, {transform_indices = #map}, {transform_indices = #map2}]} {
    %scan3A = arith.constant 0 : i32
    %scan3A_0 = arith.constant 0 : i32
    %scan3A_1 = arith.constant 512 : i32
    %scan3A_2 = arith.addi %scan3A_0, %scan3A_1 : i32
    %scan3A_3 = arith.constant 1 : i32
    %scan3A_4 = scf.for %scan3A_61 = %scan3A_0 to %scan3A_2 step %scan3A_3 iter_args(%scan3A_62 = %scan3A) -> (i32)  : i32 {
      %jit3A = arith.constant 4 : i32
      %div3A = arith.divsi %scan3A_61, %jit3A : i32
      %sign3A = arith.constant 0 : i32
      %sign3A_63 = arith.cmpi sgt, %scan3A_61, %sign3A : i32
      %sign3A_64 = arith.extui %sign3A_63 : i1 to i32
      %sign3A_65 = arith.constant 0 : i32
      %sign3A_66 = arith.cmpi slt, %scan3A_61, %sign3A_65 : i32
      %sign3A_67 = arith.extui %sign3A_66 : i1 to i32
      %sign3A_68 = arith.subi %sign3A_64, %sign3A_67 : i32
      %sign3A_69 = arith.constant 0 : i32
      %sign3A_70 = arith.cmpi sgt, %jit3A, %sign3A_69 : i32
      %sign3A_71 = arith.extui %sign3A_70 : i1 to i32
      %sign3A_72 = arith.constant 0 : i32
      %sign3A_73 = arith.cmpi slt, %jit3A, %sign3A_72 : i32
      %sign3A_74 = arith.extui %sign3A_73 : i1 to i32
      %sign3A_75 = arith.subi %sign3A_71, %sign3A_74 : i32
      %ne3A = arith.cmpi ne, %sign3A_68, %sign3A_75 : i32
      %rem3A = arith.remsi %scan3A_61, %jit3A : i32
      %ne3A_76 = arith.constant 0 : i32
      %ne3A_77 = arith.cmpi ne, %rem3A, %ne3A_76 : i32
      %and3A = arith.andi %ne3A, %ne3A_77 : i1
      %sub3A = arith.constant 1 : i32
      %sub3A_78 = arith.subi %div3A, %sub3A : i32
      %select_n3A = arith.select %and3A, %sub3A_78, %div3A : i32
      %jit3A_79 = arith.constant 4 : i32
      %eq3A_80 = arith.constant 0 : i32
      %eq3A_81 = arith.cmpi eq, %jit3A_79, %eq3A_80 : i32
      %jit3A_82 = arith.constant 1 : i32
      %select_n3A_83 = arith.select %eq3A_81, %jit3A_82, %jit3A_79 : i32
      %rem3A_84 = arith.remsi %scan3A_61, %select_n3A_83 : i32
      %ne3A_85 = arith.constant 0 : i32
      %ne3A_86 = arith.cmpi ne, %rem3A_84, %ne3A_85 : i32
      %lt3A = arith.constant 0 : i32
      %lt3A_87 = arith.cmpi slt, %rem3A_84, %lt3A : i32
      %lt3A_88 = arith.constant 0 : i32
      %lt3A_89 = arith.cmpi slt, %select_n3A_83, %lt3A_88 : i32
      %ne3A_90 = arith.xori %lt3A_87, %lt3A_89 : i1
      %and3A_91 = arith.andi %ne3A_90, %ne3A_86 : i1
      %add3A_92 = arith.addi %rem3A_84, %select_n3A_83 : i32
      %select_n3A_93 = arith.select %and3A_91, %add3A_92, %rem3A_84 : i32
      %broadcast_in_dim3A = arith.constant 0.000000e+00 : f32
      %broadcast_in_dim3A_94 = vector.broadcast %broadcast_in_dim3A : f32 to vector<16xf32>
      %mul3A_95 = arith.constant 16 : i32
      %mul3A_96 = arith.muli %select_n3A_93, %mul3A_95 : i32
      %swap3A = arith.index_cast %select_n3A : i32 to index
      %swap3A_97 = arith.index_cast %mul3A_96 : i32 to index
      %swap3A_98 = tpu.vector_load %arg11[%swap3A, %swap3A_97] {strides = array<i32>} : memref<128x64xf32, #tpu.memory_space<vmem>>, vector<1x16xf32>,
      %swap3A_99 = vector.shape_cast %swap3A_98 : vector<1x16xf32> to vector<16xf32>
      %swap3A_100 = vector.shape_cast %broadcast_in_dim3A_94 : vector<16xf32> to vector<1x16xf32>
      tpu.vector_store %arg11[%swap3A, %swap3A_97], %swap3A_100 {strides = array<i32>} : memref<128x64xf32, #tpu.memory_space<vmem>>, vector<1x16xf32>,
      %scan3A_101 = arith.constant 0 : i32
      scf.yield %scan3A_101 : i32
    }
    %scan3A_5 = arith.constant 512 : i32
    %scan3A_6 = arith.constant 0 : i32
    %scan3A_7 = arith.constant 0 : i32
    %scan3A_8 = arith.constant 8 : i32
    %scan3A_9 = arith.addi %scan3A_7, %scan3A_8 : i32
    %scan3A_10 = arith.constant 1 : i32
    %scan3A_11 = scf.for %scan3A_61 = %scan3A_7 to %scan3A_9 step %scan3A_10 iter_args(%scan3A_62 = %scan3A_6) -> (i32)  : i32 {
      %broadcast_in_dim3A = arith.constant 1.000000e+00 : f32
      %broadcast_in_dim3A_63 = vector.broadcast %broadcast_in_dim3A : f32 to vector<16xf32>
      %mul3A_64 = arith.constant 16 : i32
      %mul3A_65 = arith.muli %scan3A_61, %mul3A_64 : i32
      %swap3A = arith.index_cast %mul3A_65 : i32 to index
      %swap3A_66 = tpu.vector_load %arg13[%swap3A] {strides = array<i32>} : memref<128xf32, #tpu.memory_space<vmem>>, vector<16xf32>,
      %swap3A_67 = vector.shape_cast %swap3A_66 : vector<16xf32> to vector<16xf32>
      %swap3A_68 = vector.shape_cast %broadcast_in_dim3A_63 : vector<16xf32> to vector<16xf32>
      tpu.vector_store %arg13[%swap3A], %swap3A_68 {strides = array<i32>} : memref<128xf32, #tpu.memory_space<vmem>>, vector<16xf32>,
      %scan3A_69 = arith.constant 0 : i32
      scf.yield %scan3A_69 : i32
    }
    %scan3A_12 = arith.constant 8 : i32
    %scan3A_13 = arith.constant 0 : i32
    %scan3A_14 = arith.constant 0 : i32
    %scan3A_15 = arith.constant 40 : i32
    %scan3A_16 = arith.addi %scan3A_14, %scan3A_15 : i32
    %scan3A_17 = arith.constant 1 : i32
    %scan3A_18 = scf.for %scan3A_61 = %scan3A_14 to %scan3A_16 step %scan3A_17 iter_args(%scan3A_62 = %scan3A_13) -> (i32)  : i32 {
      %broadcast_in_dim3A = arith.constant 0.000000e+00 : f32
      %broadcast_in_dim3A_63 = vector.broadcast %broadcast_in_dim3A : f32 to vector<16xf32>
      %mul3A_64 = arith.constant 16 : i32
      %mul3A_65 = arith.muli %scan3A_61, %mul3A_64 : i32
      %swap3A = arith.index_cast %mul3A_65 : i32 to index
      %swap3A_66 = tpu.vector_load %arg14[%swap3A] {strides = array<i32>} : memref<640xf32, #tpu.memory_space<vmem>>, vector<16xf32>,
      %swap3A_67 = vector.shape_cast %swap3A_66 : vector<16xf32> to vector<16xf32>
      %swap3A_68 = vector.shape_cast %broadcast_in_dim3A_63 : vector<16xf32> to vector<16xf32>
      tpu.vector_store %arg14[%swap3A], %swap3A_68 {strides = array<i32>} : memref<640xf32, #tpu.memory_space<vmem>>, vector<16xf32>,
      %scan3A_69 = arith.constant 0 : i32
      scf.yield %scan3A_69 : i32
    }
    %scan3A_19 = arith.constant 40 : i32
    %mul3A = arith.constant 640 : i32
    %mul3A_20 = arith.muli %arg1, %mul3A : i32
    %add3A = arith.constant 0 : i32
    %add3A_21 = arith.addi %mul3A_20, %add3A : i32
    "tpu.region"() ({
      %run_scoped3A = tpu.sem_alloc : memref<!tpu.dma_semaphore, #tpu.memory_space<semaphore_mem>>
      %dma_start3A = arith.constant 0 : i32
      %dma_start3A_61 = tpu.memref_slice %arg15[%add3A_21, %dma_start3A] : memref<10240x64xf32, #tpu.memory_space<vmem_shared>> -> memref<128x64xf32, #tpu.memory_space<vmem_shared>>
      %dma_start3A_62 = arith.constant 0 : i32
      %dma_start3A_63 = tpu.memref_slice %arg15[%add3A_21, %dma_start3A_62] : memref<10240x64xf32, #tpu.memory_space<vmem_shared>> -> memref<128x64xf32, #tpu.memory_space<vmem_shared>>
      tpu.enqueue_dma source(%arg11 : memref<128x64xf32, #tpu.memory_space<vmem>>) target(%dma_start3A_63 : memref<128x64xf32, #tpu.memory_space<vmem_shared>>) target_semaphore(%run_scoped3A : memref<!tpu.dma_semaphore, #tpu.memory_space<semaphore_mem>>)
      %dma_wait3A = arith.constant 0 : i32
      %dma_wait3A_64 = tpu.memref_slice %arg15[%add3A_21, %dma_wait3A] : memref<10240x64xf32, #tpu.memory_space<vmem_shared>> -> memref<128x64xf32, #tpu.memory_space<vmem_shared>>
      %dma_wait3A_65 = arith.constant 0 : i32
      %dma_wait3A_66 = tpu.memref_slice %arg15[%add3A_21, %dma_wait3A_65] : memref<10240x64xf32, #tpu.memory_space<vmem_shared>> -> memref<128x64xf32, #tpu.memory_space<vmem_shared>>
      tpu.wait_dma2 semaphore(%run_scoped3A : memref<!tpu.dma_semaphore, #tpu.memory_space<semaphore_mem>>) src(%arg11 : memref<128x64xf32, #tpu.memory_space<vmem>>) dst(%dma_wait3A_66 : memref<128x64xf32, #tpu.memory_space<vmem_shared>>)
      tpu.yield
    }) : () -> ()
    %mul3A_22 = arith.constant 640 : i32
    %mul3A_23 = arith.muli %arg1, %mul3A_22 : i32
    %add3A_24 = arith.constant 128 : i32
    %add3A_25 = arith.addi %mul3A_23, %add3A_24 : i32
    "tpu.region"() ({
      %run_scoped3A = tpu.sem_alloc : memref<!tpu.dma_semaphore, #tpu.memory_space<semaphore_mem>>
      %dma_start3A = arith.constant 0 : i32
      %dma_start3A_61 = tpu.memref_slice %arg15[%add3A_25, %dma_start3A] : memref<10240x64xf32, #tpu.memory_space<vmem_shared>> -> memref<128x64xf32, #tpu.memory_space<vmem_shared>>
      %dma_start3A_62 = arith.constant 0 : i32
      %dma_start3A_63 = tpu.memref_slice %arg15[%add3A_25, %dma_start3A_62] : memref<10240x64xf32, #tpu.memory_space<vmem_shared>> -> memref<128x64xf32, #tpu.memory_space<vmem_shared>>
      tpu.enqueue_dma source(%arg11 : memref<128x64xf32, #tpu.memory_space<vmem>>) target(%dma_start3A_63 : memref<128x64xf32, #tpu.memory_space<vmem_shared>>) target_semaphore(%run_scoped3A : memref<!tpu.dma_semaphore, #tpu.memory_space<semaphore_mem>>)
      %dma_wait3A = arith.constant 0 : i32
      %dma_wait3A_64 = tpu.memref_slice %arg15[%add3A_25, %dma_wait3A] : memref<10240x64xf32, #tpu.memory_space<vmem_shared>> -> memref<128x64xf32, #tpu.memory_space<vmem_shared>>
      %dma_wait3A_65 = arith.constant 0 : i32
      %dma_wait3A_66 = tpu.memref_slice %arg15[%add3A_25, %dma_wait3A_65] : memref<10240x64xf32, #tpu.memory_space<vmem_shared>> -> memref<128x64xf32, #tpu.memory_space<vmem_shared>>
      tpu.wait_dma2 semaphore(%run_scoped3A : memref<!tpu.dma_semaphore, #tpu.memory_space<semaphore_mem>>) src(%arg11 : memref<128x64xf32, #tpu.memory_space<vmem>>) dst(%dma_wait3A_66 : memref<128x64xf32, #tpu.memory_space<vmem_shared>>)
      tpu.yield
    }) : () -> ()
    %mul3A_26 = arith.constant 640 : i32
    %mul3A_27 = arith.muli %arg1, %mul3A_26 : i32
    %add3A_28 = arith.constant 256 : i32
    %add3A_29 = arith.addi %mul3A_27, %add3A_28 : i32
    "tpu.region"() ({
      %run_scoped3A = tpu.sem_alloc : memref<!tpu.dma_semaphore, #tpu.memory_space<semaphore_mem>>
      %dma_start3A = arith.constant 0 : i32
      %dma_start3A_61 = tpu.memref_slice %arg15[%add3A_29, %dma_start3A] : memref<10240x64xf32, #tpu.memory_space<vmem_shared>> -> memref<128x64xf32, #tpu.memory_space<vmem_shared>>
      %dma_start3A_62 = arith.constant 0 : i32
      %dma_start3A_63 = tpu.memref_slice %arg15[%add3A_29, %dma_start3A_62] : memref<10240x64xf32, #tpu.memory_space<vmem_shared>> -> memref<128x64xf32, #tpu.memory_space<vmem_shared>>
      tpu.enqueue_dma source(%arg11 : memref<128x64xf32, #tpu.memory_space<vmem>>) target(%dma_start3A_63 : memref<128x64xf32, #tpu.memory_space<vmem_shared>>) target_semaphore(%run_scoped3A : memref<!tpu.dma_semaphore, #tpu.memory_space<semaphore_mem>>)
      %dma_wait3A = arith.constant 0 : i32
      %dma_wait3A_64 = tpu.memref_slice %arg15[%add3A_29, %dma_wait3A] : memref<10240x64xf32, #tpu.memory_space<vmem_shared>> -> memref<128x64xf32, #tpu.memory_space<vmem_shared>>
      %dma_wait3A_65 = arith.constant 0 : i32
      %dma_wait3A_66 = tpu.memref_slice %arg15[%add3A_29, %dma_wait3A_65] : memref<10240x64xf32, #tpu.memory_space<vmem_shared>> -> memref<128x64xf32, #tpu.memory_space<vmem_shared>>
      tpu.wait_dma2 semaphore(%run_scoped3A : memref<!tpu.dma_semaphore, #tpu.memory_space<semaphore_mem>>) src(%arg11 : memref<128x64xf32, #tpu.memory_space<vmem>>) dst(%dma_wait3A_66 : memref<128x64xf32, #tpu.memory_space<vmem_shared>>)
      tpu.yield
    }) : () -> ()
    %mul3A_30 = arith.constant 640 : i32
    %mul3A_31 = arith.muli %arg1, %mul3A_30 : i32
    %add3A_32 = arith.constant 384 : i32
    %add3A_33 = arith.addi %mul3A_31, %add3A_32 : i32
    "tpu.region"() ({
      %run_scoped3A = tpu.sem_alloc : memref<!tpu.dma_semaphore, #tpu.memory_space<semaphore_mem>>
      %dma_start3A = arith.constant 0 : i32
      %dma_start3A_61 = tpu.memref_slice %arg15[%add3A_33, %dma_start3A] : memref<10240x64xf32, #tpu.memory_space<vmem_shared>> -> memref<128x64xf32, #tpu.memory_space<vmem_shared>>
      %dma_start3A_62 = arith.constant 0 : i32
      %dma_start3A_63 = tpu.memref_slice %arg15[%add3A_33, %dma_start3A_62] : memref<10240x64xf32, #tpu.memory_space<vmem_shared>> -> memref<128x64xf32, #tpu.memory_space<vmem_shared>>
      tpu.enqueue_dma source(%arg11 : memref<128x64xf32, #tpu.memory_space<vmem>>) target(%dma_start3A_63 : memref<128x64xf32, #tpu.memory_space<vmem_shared>>) target_semaphore(%run_scoped3A : memref<!tpu.dma_semaphore, #tpu.memory_space<semaphore_mem>>)
      %dma_wait3A = arith.constant 0 : i32
      %dma_wait3A_64 = tpu.memref_slice %arg15[%add3A_33, %dma_wait3A] : memref<10240x64xf32, #tpu.memory_space<vmem_shared>> -> memref<128x64xf32, #tpu.memory_space<vmem_shared>>
      %dma_wait3A_65 = arith.constant 0 : i32
      %dma_wait3A_66 = tpu.memref_slice %arg15[%add3A_33, %dma_wait3A_65] : memref<10240x64xf32, #tpu.memory_space<vmem_shared>> -> memref<128x64xf32, #tpu.memory_space<vmem_shared>>
      tpu.wait_dma2 semaphore(%run_scoped3A : memref<!tpu.dma_semaphore, #tpu.memory_space<semaphore_mem>>) src(%arg11 : memref<128x64xf32, #tpu.memory_space<vmem>>) dst(%dma_wait3A_66 : memref<128x64xf32, #tpu.memory_space<vmem_shared>>)
      tpu.yield
    }) : () -> ()
    %mul3A_34 = arith.constant 640 : i32
    %mul3A_35 = arith.muli %arg1, %mul3A_34 : i32
    %add3A_36 = arith.constant 512 : i32
    %add3A_37 = arith.addi %mul3A_35, %add3A_36 : i32
    "tpu.region"() ({
      %run_scoped3A = tpu.sem_alloc : memref<!tpu.dma_semaphore, #tpu.memory_space<semaphore_mem>>
      %dma_start3A = arith.constant 0 : i32
      %dma_start3A_61 = tpu.memref_slice %arg15[%add3A_37, %dma_start3A] : memref<10240x64xf32, #tpu.memory_space<vmem_shared>> -> memref<128x64xf32, #tpu.memory_space<vmem_shared>>
      %dma_start3A_62 = arith.constant 0 : i32
      %dma_start3A_63 = tpu.memref_slice %arg15[%add3A_37, %dma_start3A_62] : memref<10240x64xf32, #tpu.memory_space<vmem_shared>> -> memref<128x64xf32, #tpu.memory_space<vmem_shared>>
      tpu.enqueue_dma source(%arg11 : memref<128x64xf32, #tpu.memory_space<vmem>>) target(%dma_start3A_63 : memref<128x64xf32, #tpu.memory_space<vmem_shared>>) target_semaphore(%run_scoped3A : memref<!tpu.dma_semaphore, #tpu.memory_space<semaphore_mem>>)
      %dma_wait3A = arith.constant 0 : i32
      %dma_wait3A_64 = tpu.memref_slice %arg15[%add3A_37, %dma_wait3A] : memref<10240x64xf32, #tpu.memory_space<vmem_shared>> -> memref<128x64xf32, #tpu.memory_space<vmem_shared>>
      %dma_wait3A_65 = arith.constant 0 : i32
      %dma_wait3A_66 = tpu.memref_slice %arg15[%add3A_37, %dma_wait3A_65] : memref<10240x64xf32, #tpu.memory_space<vmem_shared>> -> memref<128x64xf32, #tpu.memory_space<vmem_shared>>
      tpu.wait_dma2 semaphore(%run_scoped3A : memref<!tpu.dma_semaphore, #tpu.memory_space<semaphore_mem>>) src(%arg11 : memref<128x64xf32, #tpu.memory_space<vmem>>) dst(%dma_wait3A_66 : memref<128x64xf32, #tpu.memory_space<vmem_shared>>)
      tpu.yield
    }) : () -> ()
    %eq3A = arith.constant 0 : i32
    %eq3A_38 = arith.cmpi eq, %arg0, %eq3A : i32
    %convert_element_type3A = arith.extui %eq3A_38 : i1 to i32
    %cond3A = arith.constant 0 : i32
    %cond3A_39 = arith.cmpi ne, %convert_element_type3A, %cond3A : i32
    scf.if %cond3A_39 {
      %mul3A_61 = arith.constant 640 : i32
      %mul3A_62 = arith.muli %arg1, %mul3A_61 : i32
      "tpu.region"() ({
        %run_scoped3A = tpu.sem_alloc : memref<!tpu.dma_semaphore, #tpu.memory_space<semaphore_mem>>
        %dma_start3A = tpu.memref_slice %arg16[%mul3A_62] : memref<10240xf32, #tpu.memory_space<vmem_shared>> -> memref<640xf32, #tpu.memory_space<vmem_shared>>
        %dma_start3A_63 = tpu.memref_slice %arg16[%mul3A_62] : memref<10240xf32, #tpu.memory_space<vmem_shared>> -> memref<640xf32, #tpu.memory_space<vmem_shared>>
        tpu.enqueue_dma source(%arg14 : memref<640xf32, #tpu.memory_space<vmem>>) target(%dma_start3A_63 : memref<640xf32, #tpu.memory_space<vmem_shared>>) target_semaphore(%run_scoped3A : memref<!tpu.dma_semaphore, #tpu.memory_space<semaphore_mem>>)
        %dma_wait3A = tpu.memref_slice %arg16[%mul3A_62] : memref<10240xf32, #tpu.memory_space<vmem_shared>> -> memref<640xf32, #tpu.memory_space<vmem_shared>>
        %dma_wait3A_64 = tpu.memref_slice %arg16[%mul3A_62] : memref<10240xf32, #tpu.memory_space<vmem_shared>> -> memref<640xf32, #tpu.memory_space<vmem_shared>>
        tpu.wait_dma2 semaphore(%run_scoped3A : memref<!tpu.dma_semaphore, #tpu.memory_space<semaphore_mem>>) src(%arg14 : memref<640xf32, #tpu.memory_space<vmem>>) dst(%dma_wait3A_64 : memref<640xf32, #tpu.memory_space<vmem_shared>>)
        tpu.yield
      }) : () -> ()
    } else {
    }
    %barrier3A = arith.constant 0 : index
    tpu.barrier barrier_id(%barrier3A)
    %eq3A_40 = arith.constant 0 : i32
    %eq3A_41 = arith.cmpi eq, %arg0, %eq3A_40 : i32
    %convert_element_type3A_42 = arith.extui %eq3A_41 : i1 to i32
    %cond3A_43 = arith.constant 0 : i32
    %cond3A_44 = arith.cmpi ne, %convert_element_type3A_42, %cond3A_43 : i32
    scf.if %cond3A_44 {
      "tpu.region"() ({
        %run_scoped3A = tpu.sem_alloc : memref<!tpu.dma_semaphore, #tpu.memory_space<semaphore_mem>>
        %dma_start3A_81 = arith.constant 0 : i32
        %dma_start3A_82 = arith.constant 0 : i32
        %dma_start3A_83 = tpu.memref_slice %arg4[%arg1, %dma_start3A_81, %dma_start3A_82] : memref<16x157x128xi32, #tpu.memory_space<hbm>> -> memref<1x157x128xi32, #tpu.memory_space<hbm>>
        %dma_start3A_84 = tpu.memref_squeeze %dma_start3A_83 : memref<1x157x128xi32, #tpu.memory_space<hbm>> -> memref<157x128xi32, #tpu.memory_space<hbm>>
        %dma_start3A_85 = arith.constant 0 : i32
        %dma_start3A_86 = arith.constant 0 : i32
        %dma_start3A_87 = tpu.memref_slice %arg4[%arg1, %dma_start3A_85, %dma_start3A_86] : memref<16x157x128xi32, #tpu.memory_space<hbm>> -> memref<1x157x128xi32, #tpu.memory_space<hbm>>
        %dma_start3A_88 = tpu.memref_squeeze %dma_start3A_87 : memref<1x157x128xi32, #tpu.memory_space<hbm>> -> memref<157x128xi32, #tpu.memory_space<hbm>>
        tpu.enqueue_dma source(%dma_start3A_88 : memref<157x128xi32, #tpu.memory_space<hbm>>) target(%arg9 : memref<157x128xi32, #tpu.memory_space<vmem>>) target_semaphore(%run_scoped3A : memref<!tpu.dma_semaphore, #tpu.memory_space<semaphore_mem>>)
        %dma_wait3A = arith.constant 0 : i32
        %dma_wait3A_89 = arith.constant 0 : i32
        %dma_wait3A_90 = tpu.memref_slice %arg4[%arg1, %dma_wait3A, %dma_wait3A_89] : memref<16x157x128xi32, #tpu.memory_space<hbm>> -> memref<1x157x128xi32, #tpu.memory_space<hbm>>
        %dma_wait3A_91 = tpu.memref_squeeze %dma_wait3A_90 : memref<1x157x128xi32, #tpu.memory_space<hbm>> -> memref<157x128xi32, #tpu.memory_space<hbm>>
        %dma_wait3A_92 = arith.constant 0 : i32
        %dma_wait3A_93 = arith.constant 0 : i32
        %dma_wait3A_94 = tpu.memref_slice %arg4[%arg1, %dma_wait3A_92, %dma_wait3A_93] : memref<16x157x128xi32, #tpu.memory_space<hbm>> -> memref<1x157x128xi32, #tpu.memory_space<hbm>>
        %dma_wait3A_95 = tpu.memref_squeeze %dma_wait3A_94 : memref<1x157x128xi32, #tpu.memory_space<hbm>> -> memref<157x128xi32, #tpu.memory_space<hbm>>
        tpu.wait_dma2 semaphore(%run_scoped3A : memref<!tpu.dma_semaphore, #tpu.memory_space<semaphore_mem>>) src(%dma_wait3A_95 : memref<157x128xi32, #tpu.memory_space<hbm>>) dst(%arg9 : memref<157x128xi32, #tpu.memory_space<vmem>>)
        tpu.yield
      }) : () -> ()
      "tpu.region"() ({
        %run_scoped3A = tpu.sem_alloc : memref<!tpu.dma_semaphore, #tpu.memory_space<semaphore_mem>>
        %dma_start3A_81 = arith.constant 0 : i32
        %dma_start3A_82 = arith.constant 0 : i32
        %dma_start3A_83 = tpu.memref_slice %arg5[%arg1, %dma_start3A_81, %dma_start3A_82] : memref<16x157x128xi32, #tpu.memory_space<hbm>> -> memref<1x157x128xi32, #tpu.memory_space<hbm>>
        %dma_start3A_84 = tpu.memref_squeeze %dma_start3A_83 : memref<1x157x128xi32, #tpu.memory_space<hbm>> -> memref<157x128xi32, #tpu.memory_space<hbm>>
        %dma_start3A_85 = arith.constant 0 : i32
        %dma_start3A_86 = arith.constant 0 : i32
        %dma_start3A_87 = tpu.memref_slice %arg5[%arg1, %dma_start3A_85, %dma_start3A_86] : memref<16x157x128xi32, #tpu.memory_space<hbm>> -> memref<1x157x128xi32, #tpu.memory_space<hbm>>
        %dma_start3A_88 = tpu.memref_squeeze %dma_start3A_87 : memref<1x157x128xi32, #tpu.memory_space<hbm>> -> memref<157x128xi32, #tpu.memory_space<hbm>>
        tpu.enqueue_dma source(%dma_start3A_88 : memref<157x128xi32, #tpu.memory_space<hbm>>) target(%arg10 : memref<157x128xi32, #tpu.memory_space<vmem>>) target_semaphore(%run_scoped3A : memref<!tpu.dma_semaphore, #tpu.memory_space<semaphore_mem>>)
        %dma_wait3A = arith.constant 0 : i32
        %dma_wait3A_89 = arith.constant 0 : i32
        %dma_wait3A_90 = tpu.memref_slice %arg5[%arg1, %dma_wait3A, %dma_wait3A_89] : memref<16x157x128xi32, #tpu.memory_space<hbm>> -> memref<1x157x128xi32, #tpu.memory_space<hbm>>
        %dma_wait3A_91 = tpu.memref_squeeze %dma_wait3A_90 : memref<1x157x128xi32, #tpu.memory_space<hbm>> -> memref<157x128xi32, #tpu.memory_space<hbm>>
        %dma_wait3A_92 = arith.constant 0 : i32
        %dma_wait3A_93 = arith.constant 0 : i32
        %dma_wait3A_94 = tpu.memref_slice %arg5[%arg1, %dma_wait3A_92, %dma_wait3A_93] : memref<16x157x128xi32, #tpu.memory_space<hbm>> -> memref<1x157x128xi32, #tpu.memory_space<hbm>>
        %dma_wait3A_95 = tpu.memref_squeeze %dma_wait3A_94 : memref<1x157x128xi32, #tpu.memory_space<hbm>> -> memref<157x128xi32, #tpu.memory_space<hbm>>
        tpu.wait_dma2 semaphore(%run_scoped3A : memref<!tpu.dma_semaphore, #tpu.memory_space<semaphore_mem>>) src(%dma_wait3A_95 : memref<157x128xi32, #tpu.memory_space<hbm>>) dst(%arg10 : memref<157x128xi32, #tpu.memory_space<vmem>>)
        tpu.yield
      }) : () -> ()
      %dma_start3A = arith.constant 0 : i32
      %dma_start3A_61 = arith.constant 0 : i32
      %dma_start3A_62 = tpu.memref_slice %arg9[%dma_start3A, %dma_start3A_61] : memref<157x128xi32, #tpu.memory_space<vmem>> -> memref<1x128xi32, #tpu.memory_space<vmem>>
      %dma_start3A_63 = tpu.memref_squeeze %dma_start3A_62 : memref<1x128xi32, #tpu.memory_space<vmem>> -> memref<128xi32, #tpu.memory_space<vmem>>
      %dma_start3A_64 = arith.constant 0 : i32
      %dma_start3A_65 = arith.constant 0 : i32
      %dma_start3A_66 = tpu.memref_slice %arg2[%dma_start3A_64, %dma_start3A_65] : memref<10000x64xf32, #tpu.memory_space<hbm>> -> memref<10000x64xf32, #tpu.memory_space<hbm>>
      tpu.enqueue_indirect_dma source(%dma_start3A_66 : memref<10000x64xf32, #tpu.memory_space<hbm>>) target(%arg11 : memref<128x64xf32, #tpu.memory_space<vmem>>) offsets(%dma_start3A_63 : memref<128xi32, #tpu.memory_space<vmem>>) semaphore(%arg17 : memref<!tpu.dma_semaphore, #tpu.memory_space<semaphore_mem>>)
      %dma_start3A_67 = arith.constant 1 : i32
      %dma_start3A_68 = arith.constant 0 : i32
      %dma_start3A_69 = tpu.memref_slice %arg9[%dma_start3A_67, %dma_start3A_68] : memref<157x128xi32, #tpu.memory_space<vmem>> -> memref<1x128xi32, #tpu.memory_space<vmem>>
      %dma_start3A_70 = tpu.memref_squeeze %dma_start3A_69 : memref<1x128xi32, #tpu.memory_space<vmem>> -> memref<128xi32, #tpu.memory_space<vmem>>
      %dma_start3A_71 = arith.constant 0 : i32
      %dma_start3A_72 = arith.constant 0 : i32
      %dma_start3A_73 = tpu.memref_slice %arg2[%dma_start3A_71, %dma_start3A_72] : memref<10000x64xf32, #tpu.memory_space<hbm>> -> memref<10000x64xf32, #tpu.memory_space<hbm>>
      tpu.enqueue_indirect_dma source(%dma_start3A_73 : memref<10000x64xf32, #tpu.memory_space<hbm>>) target(%arg12 : memref<128x64xf32, #tpu.memory_space<vmem>>) offsets(%dma_start3A_70 : memref<128xi32, #tpu.memory_space<vmem>>) semaphore(%arg18 : memref<!tpu.dma_semaphore, #tpu.memory_space<semaphore_mem>>)
      %scan3A_74 = arith.constant 0 : i32
      %scan3A_75 = arith.constant 0 : i32
      %scan3A_76 = arith.constant 79 : i32
      %scan3A_77 = arith.addi %scan3A_75, %scan3A_76 : i32
      %scan3A_78 = arith.constant 1 : i32
      %scan3A_79 = scf.for %scan3A_81 = %scan3A_75 to %scan3A_77 step %scan3A_78 iter_args(%scan3A_82 = %scan3A_74) -> (i32)  : i32 {
        %mul3A_83 = arith.constant 2 : i32
        %mul3A_84 = arith.muli %mul3A_83, %scan3A_81 : i32
        %dma_wait3A = arith.constant 0 : i32
        %dma_wait3A_85 = tpu.memref_slice %arg9[%mul3A_84, %dma_wait3A] : memref<157x128xi32, #tpu.memory_space<vmem>> -> memref<1x128xi32, #tpu.memory_space<vmem>>
        %dma_wait3A_86 = tpu.memref_squeeze %dma_wait3A_85 : memref<1x128xi32, #tpu.memory_space<vmem>> -> memref<128xi32, #tpu.memory_space<vmem>>
        %dma_wait3A_87 = arith.constant 0 : i32
        %dma_wait3A_88 = arith.constant 0 : i32
        %dma_wait3A_89 = tpu.memref_slice %arg2[%dma_wait3A_87, %dma_wait3A_88] : memref<10000x64xf32, #tpu.memory_space<hbm>> -> memref<10000x64xf32, #tpu.memory_space<hbm>>
        tpu.wait_indirect_dma semaphore(%arg17 : memref<!tpu.dma_semaphore, #tpu.memory_space<semaphore_mem>>) src(%dma_wait3A_89 : memref<10000x64xf32, #tpu.memory_space<hbm>>) dst(%arg11 : memref<128x64xf32, #tpu.memory_space<vmem>>)
        "tpu.region"() ({
          %run_scoped3A = tpu.sem_alloc : memref<!tpu.dma_semaphore, #tpu.memory_space<semaphore_mem>>
          %dma_start3A_111 = arith.constant 0 : i32
          %dma_start3A_112 = tpu.memref_slice %arg10[%mul3A_84, %dma_start3A_111] : memref<157x128xi32, #tpu.memory_space<vmem>> -> memref<1x128xi32, #tpu.memory_space<vmem>>
          %dma_start3A_113 = tpu.memref_squeeze %dma_start3A_112 : memref<1x128xi32, #tpu.memory_space<vmem>> -> memref<128xi32, #tpu.memory_space<vmem>>
          %dma_start3A_114 = arith.constant 0 : i32
          %dma_start3A_115 = arith.constant 0 : i32
          %dma_start3A_116 = tpu.memref_slice %arg15[%dma_start3A_114, %dma_start3A_115] : memref<10240x64xf32, #tpu.memory_space<vmem_shared>> -> memref<10240x64xf32, #tpu.memory_space<vmem_shared>>
          tpu.enqueue_indirect_dma source(%arg11 : memref<128x64xf32, #tpu.memory_space<vmem>>) target(%dma_start3A_116 : memref<10240x64xf32, #tpu.memory_space<vmem_shared>>) offsets(%dma_start3A_113 : memref<128xi32, #tpu.memory_space<vmem>>) semaphore(%run_scoped3A : memref<!tpu.dma_semaphore, #tpu.memory_space<semaphore_mem>>) {add = true}
          %dma_wait3A_117 = arith.constant 0 : i32
          %dma_wait3A_118 = tpu.memref_slice %arg10[%mul3A_84, %dma_wait3A_117] : memref<157x128xi32, #tpu.memory_space<vmem>> -> memref<1x128xi32, #tpu.memory_space<vmem>>
          %dma_wait3A_119 = tpu.memref_squeeze %dma_wait3A_118 : memref<1x128xi32, #tpu.memory_space<vmem>> -> memref<128xi32, #tpu.memory_space<vmem>>
          %dma_wait3A_120 = arith.constant 0 : i32
          %dma_wait3A_121 = arith.constant 0 : i32
          %dma_wait3A_122 = tpu.memref_slice %arg15[%dma_wait3A_120, %dma_wait3A_121] : memref<10240x64xf32, #tpu.memory_space<vmem_shared>> -> memref<10240x64xf32, #tpu.memory_space<vmem_shared>>
          tpu.wait_indirect_dma semaphore(%run_scoped3A : memref<!tpu.dma_semaphore, #tpu.memory_space<semaphore_mem>>) src(%arg11 : memref<128x64xf32, #tpu.memory_space<vmem>>) dst(%dma_wait3A_122 : memref<10240x64xf32, #tpu.memory_space<vmem_shared>>)
          tpu.yield
        }) : () -> ()
        "tpu.region"() ({
          %run_scoped3A = tpu.sem_alloc : memref<!tpu.dma_semaphore, #tpu.memory_space<semaphore_mem>>
          %dma_start3A_111 = arith.constant 0 : i32
          %dma_start3A_112 = tpu.memref_slice %arg10[%mul3A_84, %dma_start3A_111] : memref<157x128xi32, #tpu.memory_space<vmem>> -> memref<1x128xi32, #tpu.memory_space<vmem>>
          %dma_start3A_113 = tpu.memref_squeeze %dma_start3A_112 : memref<1x128xi32, #tpu.memory_space<vmem>> -> memref<128xi32, #tpu.memory_space<vmem>>
          %dma_start3A_114 = arith.constant 0 : i32
          %dma_start3A_115 = tpu.memref_slice %arg16[%dma_start3A_114] : memref<10240xf32, #tpu.memory_space<vmem_shared>> -> memref<10240xf32, #tpu.memory_space<vmem_shared>>
          tpu.enqueue_indirect_dma source(%arg13 : memref<128xf32, #tpu.memory_space<vmem>>) target(%dma_start3A_115 : memref<10240xf32, #tpu.memory_space<vmem_shared>>) offsets(%dma_start3A_113 : memref<128xi32, #tpu.memory_space<vmem>>) semaphore(%run_scoped3A : memref<!tpu.dma_semaphore, #tpu.memory_space<semaphore_mem>>) {add = true}
          %dma_wait3A_116 = arith.constant 0 : i32
          %dma_wait3A_117 = tpu.memref_slice %arg10[%mul3A_84, %dma_wait3A_116] : memref<157x128xi32, #tpu.memory_space<vmem>> -> memref<1x128xi32, #tpu.memory_space<vmem>>
          %dma_wait3A_118 = tpu.memref_squeeze %dma_wait3A_117 : memref<1x128xi32, #tpu.memory_space<vmem>> -> memref<128xi32, #tpu.memory_space<vmem>>
          %dma_wait3A_119 = arith.constant 0 : i32
          %dma_wait3A_120 = tpu.memref_slice %arg16[%dma_wait3A_119] : memref<10240xf32, #tpu.memory_space<vmem_shared>> -> memref<10240xf32, #tpu.memory_space<vmem_shared>>
          tpu.wait_indirect_dma semaphore(%run_scoped3A : memref<!tpu.dma_semaphore, #tpu.memory_space<semaphore_mem>>) src(%arg13 : memref<128xf32, #tpu.memory_space<vmem>>) dst(%dma_wait3A_120 : memref<10240xf32, #tpu.memory_space<vmem_shared>>)
          tpu.yield
        }) : () -> ()
        %add3A_90 = arith.constant 2 : i32
        %add3A_91 = arith.addi %mul3A_84, %add3A_90 : i32
        %lt3A = arith.constant 157 : i32
        %lt3A_92 = arith.cmpi slt, %add3A_91, %lt3A : i32
        %convert_element_type3A_93 = arith.extui %lt3A_92 : i1 to i32
        %cond3A_94 = arith.constant 0 : i32
        %cond3A_95 = arith.cmpi ne, %convert_element_type3A_93, %cond3A_94 : i32
        scf.if %cond3A_95 {
          %add3A_111 = arith.constant 2 : i32
          %add3A_112 = arith.addi %mul3A_84, %add3A_111 : i32
          %dma_start3A_113 = arith.constant 0 : i32
          %dma_start3A_114 = tpu.memref_slice %arg9[%add3A_112, %dma_start3A_113] : memref<157x128xi32, #tpu.memory_space<vmem>> -> memref<1x128xi32, #tpu.memory_space<vmem>>
          %dma_start3A_115 = tpu.memref_squeeze %dma_start3A_114 : memref<1x128xi32, #tpu.memory_space<vmem>> -> memref<128xi32, #tpu.memory_space<vmem>>
          %dma_start3A_116 = arith.constant 0 : i32
          %dma_start3A_117 = arith.constant 0 : i32
          %dma_start3A_118 = tpu.memref_slice %arg2[%dma_start3A_116, %dma_start3A_117] : memref<10000x64xf32, #tpu.memory_space<hbm>> -> memref<10000x64xf32, #tpu.memory_space<hbm>>
          tpu.enqueue_indirect_dma source(%dma_start3A_118 : memref<10000x64xf32, #tpu.memory_space<hbm>>) target(%arg11 : memref<128x64xf32, #tpu.memory_space<vmem>>) offsets(%dma_start3A_115 : memref<128xi32, #tpu.memory_space<vmem>>) semaphore(%arg17 : memref<!tpu.dma_semaphore, #tpu.memory_space<semaphore_mem>>)
        } else {
        }
        %add3A_96 = arith.constant 1 : i32
        %add3A_97 = arith.addi %mul3A_84, %add3A_96 : i32
        %lt3A_98 = arith.constant 157 : i32
        %lt3A_99 = arith.cmpi slt, %add3A_97, %lt3A_98 : i32
        %convert_element_type3A_100 = arith.extui %lt3A_99 : i1 to i32
        %cond3A_101 = arith.constant 0 : i32
        %cond3A_102 = arith.cmpi ne, %convert_element_type3A_100, %cond3A_101 : i32
        scf.if %cond3A_102 {
          %add3A_111 = arith.constant 1 : i32
          %add3A_112 = arith.addi %mul3A_84, %add3A_111 : i32
          %dma_wait3A_113 = arith.constant 0 : i32
          %dma_wait3A_114 = tpu.memref_slice %arg9[%add3A_112, %dma_wait3A_113] : memref<157x128xi32, #tpu.memory_space<vmem>> -> memref<1x128xi32, #tpu.memory_space<vmem>>
          %dma_wait3A_115 = tpu.memref_squeeze %dma_wait3A_114 : memref<1x128xi32, #tpu.memory_space<vmem>> -> memref<128xi32, #tpu.memory_space<vmem>>
          %dma_wait3A_116 = arith.constant 0 : i32
          %dma_wait3A_117 = arith.constant 0 : i32
          %dma_wait3A_118 = tpu.memref_slice %arg2[%dma_wait3A_116, %dma_wait3A_117] : memref<10000x64xf32, #tpu.memory_space<hbm>> -> memref<10000x64xf32, #tpu.memory_space<hbm>>
          tpu.wait_indirect_dma semaphore(%arg18 : memref<!tpu.dma_semaphore, #tpu.memory_space<semaphore_mem>>) src(%dma_wait3A_118 : memref<10000x64xf32, #tpu.memory_space<hbm>>) dst(%arg12 : memref<128x64xf32, #tpu.memory_space<vmem>>)
          %add3A_119 = arith.constant 1 : i32
          %add3A_120 = arith.addi %mul3A_84, %add3A_119 : i32
          "tpu.region"() ({
            %run_scoped3A = tpu.sem_alloc : memref<!tpu.dma_semaphore, #tpu.memory_space<semaphore_mem>>
            %dma_start3A_121 = arith.constant 0 : i32
            %dma_start3A_122 = tpu.memref_slice %arg10[%add3A_120, %dma_start3A_121] : memref<157x128xi32, #tpu.memory_space<vmem>> -> memref<1x128xi32, #tpu.memory_space<vmem>>
            %dma_start3A_123 = tpu.memref_squeeze %dma_start3A_122 : memref<1x128xi32, #tpu.memory_space<vmem>> -> memref<128xi32, #tpu.memory_space<vmem>>
            %dma_start3A_124 = arith.constant 0 : i32
            %dma_start3A_125 = arith.constant 0 : i32
            %dma_start3A_126 = tpu.memref_slice %arg15[%dma_start3A_124, %dma_start3A_125] : memref<10240x64xf32, #tpu.memory_space<vmem_shared>> -> memref<10240x64xf32, #tpu.memory_space<vmem_shared>>
            tpu.enqueue_indirect_dma source(%arg12 : memref<128x64xf32, #tpu.memory_space<vmem>>) target(%dma_start3A_126 : memref<10240x64xf32, #tpu.memory_space<vmem_shared>>) offsets(%dma_start3A_123 : memref<128xi32, #tpu.memory_space<vmem>>) semaphore(%run_scoped3A : memref<!tpu.dma_semaphore, #tpu.memory_space<semaphore_mem>>) {add = true}
            %dma_wait3A_127 = arith.constant 0 : i32
            %dma_wait3A_128 = tpu.memref_slice %arg10[%add3A_120, %dma_wait3A_127] : memref<157x128xi32, #tpu.memory_space<vmem>> -> memref<1x128xi32, #tpu.memory_space<vmem>>
            %dma_wait3A_129 = tpu.memref_squeeze %dma_wait3A_128 : memref<1x128xi32, #tpu.memory_space<vmem>> -> memref<128xi32, #tpu.memory_space<vmem>>
            %dma_wait3A_130 = arith.constant 0 : i32
            %dma_wait3A_131 = arith.constant 0 : i32
            %dma_wait3A_132 = tpu.memref_slice %arg15[%dma_wait3A_130, %dma_wait3A_131] : memref<10240x64xf32, #tpu.memory_space<vmem_shared>> -> memref<10240x64xf32, #tpu.memory_space<vmem_shared>>
            tpu.wait_indirect_dma semaphore(%run_scoped3A : memref<!tpu.dma_semaphore, #tpu.memory_space<semaphore_mem>>) src(%arg12 : memref<128x64xf32, #tpu.memory_space<vmem>>) dst(%dma_wait3A_132 : memref<10240x64xf32, #tpu.memory_space<vmem_shared>>)
            tpu.yield
          }) : () -> ()
          "tpu.region"() ({
            %run_scoped3A = tpu.sem_alloc : memref<!tpu.dma_semaphore, #tpu.memory_space<semaphore_mem>>
            %dma_start3A_121 = arith.constant 0 : i32
            %dma_start3A_122 = tpu.memref_slice %arg10[%add3A_120, %dma_start3A_121] : memref<157x128xi32, #tpu.memory_space<vmem>> -> memref<1x128xi32, #tpu.memory_space<vmem>>
            %dma_start3A_123 = tpu.memref_squeeze %dma_start3A_122 : memref<1x128xi32, #tpu.memory_space<vmem>> -> memref<128xi32, #tpu.memory_space<vmem>>
            %dma_start3A_124 = arith.constant 0 : i32
            %dma_start3A_125 = tpu.memref_slice %arg16[%dma_start3A_124] : memref<10240xf32, #tpu.memory_space<vmem_shared>> -> memref<10240xf32, #tpu.memory_space<vmem_shared>>
            tpu.enqueue_indirect_dma source(%arg13 : memref<128xf32, #tpu.memory_space<vmem>>) target(%dma_start3A_125 : memref<10240xf32, #tpu.memory_space<vmem_shared>>) offsets(%dma_start3A_123 : memref<128xi32, #tpu.memory_space<vmem>>) semaphore(%run_scoped3A : memref<!tpu.dma_semaphore, #tpu.memory_space<semaphore_mem>>) {add = true}
            %dma_wait3A_126 = arith.constant 0 : i32
            %dma_wait3A_127 = tpu.memref_slice %arg10[%add3A_120, %dma_wait3A_126] : memref<157x128xi32, #tpu.memory_space<vmem>> -> memref<1x128xi32, #tpu.memory_space<vmem>>
            %dma_wait3A_128 = tpu.memref_squeeze %dma_wait3A_127 : memref<1x128xi32, #tpu.memory_space<vmem>> -> memref<128xi32, #tpu.memory_space<vmem>>
            %dma_wait3A_129 = arith.constant 0 : i32
            %dma_wait3A_130 = tpu.memref_slice %arg16[%dma_wait3A_129] : memref<10240xf32, #tpu.memory_space<vmem_shared>> -> memref<10240xf32, #tpu.memory_space<vmem_shared>>
            tpu.wait_indirect_dma semaphore(%run_scoped3A : memref<!tpu.dma_semaphore, #tpu.memory_space<semaphore_mem>>) src(%arg13 : memref<128xf32, #tpu.memory_space<vmem>>) dst(%dma_wait3A_130 : memref<10240xf32, #tpu.memory_space<vmem_shared>>)
            tpu.yield
          }) : () -> ()
        } else {
        }
        %add3A_103 = arith.constant 3 : i32
        %add3A_104 = arith.addi %mul3A_84, %add3A_103 : i32
        %lt3A_105 = arith.constant 157 : i32
        %lt3A_106 = arith.cmpi slt, %add3A_104, %lt3A_105 : i32
        %convert_element_type3A_107 = arith.extui %lt3A_106 : i1 to i32
        %cond3A_108 = arith.constant 0 : i32
        %cond3A_109 = arith.cmpi ne, %convert_element_type3A_107, %cond3A_108 : i32
        scf.if %cond3A_109 {
          %add3A_111 = arith.constant 3 : i32
          %add3A_112 = arith.addi %mul3A_84, %add3A_111 : i32
          %dma_start3A_113 = arith.constant 0 : i32
          %dma_start3A_114 = tpu.memref_slice %arg9[%add3A_112, %dma_start3A_113] : memref<157x128xi32, #tpu.memory_space<vmem>> -> memref<1x128xi32, #tpu.memory_space<vmem>>
          %dma_start3A_115 = tpu.memref_squeeze %dma_start3A_114 : memref<1x128xi32, #tpu.memory_space<vmem>> -> memref<128xi32, #tpu.memory_space<vmem>>
          %dma_start3A_116 = arith.constant 0 : i32
          %dma_start3A_117 = arith.constant 0 : i32
          %dma_start3A_118 = tpu.memref_slice %arg2[%dma_start3A_116, %dma_start3A_117] : memref<10000x64xf32, #tpu.memory_space<hbm>> -> memref<10000x64xf32, #tpu.memory_space<hbm>>
          tpu.enqueue_indirect_dma source(%dma_start3A_118 : memref<10000x64xf32, #tpu.memory_space<hbm>>) target(%arg12 : memref<128x64xf32, #tpu.memory_space<vmem>>) offsets(%dma_start3A_115 : memref<128xi32, #tpu.memory_space<vmem>>) semaphore(%arg18 : memref<!tpu.dma_semaphore, #tpu.memory_space<semaphore_mem>>)
        } else {
        }
        %scan3A_110 = arith.constant 0 : i32
        scf.yield %scan3A_110 : i32
      }
      %scan3A_80 = arith.constant 79 : i32
    } else {
    }
    %eq3A_45 = arith.constant 1 : i32
    %eq3A_46 = arith.cmpi eq, %arg0, %eq3A_45 : i32
    %convert_element_type3A_47 = arith.extui %eq3A_46 : i1 to i32
    %cond3A_48 = arith.constant 0 : i32
    %cond3A_49 = arith.cmpi ne, %convert_element_type3A_47, %cond3A_48 : i32
    scf.if %cond3A_49 {
      "tpu.region"() ({
        %run_scoped3A = tpu.sem_alloc : memref<!tpu.dma_semaphore, #tpu.memory_space<semaphore_mem>>
        %dma_start3A_81 = arith.constant 0 : i32
        %dma_start3A_82 = arith.constant 0 : i32
        %dma_start3A_83 = tpu.memref_slice %arg4[%arg1, %dma_start3A_81, %dma_start3A_82] : memref<16x157x128xi32, #tpu.memory_space<hbm>> -> memref<1x157x128xi32, #tpu.memory_space<hbm>>
        %dma_start3A_84 = tpu.memref_squeeze %dma_start3A_83 : memref<1x157x128xi32, #tpu.memory_space<hbm>> -> memref<157x128xi32, #tpu.memory_space<hbm>>
        %dma_start3A_85 = arith.constant 0 : i32
        %dma_start3A_86 = arith.constant 0 : i32
        %dma_start3A_87 = tpu.memref_slice %arg4[%arg1, %dma_start3A_85, %dma_start3A_86] : memref<16x157x128xi32, #tpu.memory_space<hbm>> -> memref<1x157x128xi32, #tpu.memory_space<hbm>>
        %dma_start3A_88 = tpu.memref_squeeze %dma_start3A_87 : memref<1x157x128xi32, #tpu.memory_space<hbm>> -> memref<157x128xi32, #tpu.memory_space<hbm>>
        tpu.enqueue_dma source(%dma_start3A_88 : memref<157x128xi32, #tpu.memory_space<hbm>>) target(%arg9 : memref<157x128xi32, #tpu.memory_space<vmem>>) target_semaphore(%run_scoped3A : memref<!tpu.dma_semaphore, #tpu.memory_space<semaphore_mem>>)
        %dma_wait3A = arith.constant 0 : i32
        %dma_wait3A_89 = arith.constant 0 : i32
        %dma_wait3A_90 = tpu.memref_slice %arg4[%arg1, %dma_wait3A, %dma_wait3A_89] : memref<16x157x128xi32, #tpu.memory_space<hbm>> -> memref<1x157x128xi32, #tpu.memory_space<hbm>>
        %dma_wait3A_91 = tpu.memref_squeeze %dma_wait3A_90 : memref<1x157x128xi32, #tpu.memory_space<hbm>> -> memref<157x128xi32, #tpu.memory_space<hbm>>
        %dma_wait3A_92 = arith.constant 0 : i32
        %dma_wait3A_93 = arith.constant 0 : i32
        %dma_wait3A_94 = tpu.memref_slice %arg4[%arg1, %dma_wait3A_92, %dma_wait3A_93] : memref<16x157x128xi32, #tpu.memory_space<hbm>> -> memref<1x157x128xi32, #tpu.memory_space<hbm>>
        %dma_wait3A_95 = tpu.memref_squeeze %dma_wait3A_94 : memref<1x157x128xi32, #tpu.memory_space<hbm>> -> memref<157x128xi32, #tpu.memory_space<hbm>>
        tpu.wait_dma2 semaphore(%run_scoped3A : memref<!tpu.dma_semaphore, #tpu.memory_space<semaphore_mem>>) src(%dma_wait3A_95 : memref<157x128xi32, #tpu.memory_space<hbm>>) dst(%arg9 : memref<157x128xi32, #tpu.memory_space<vmem>>)
        tpu.yield
      }) : () -> ()
      "tpu.region"() ({
        %run_scoped3A = tpu.sem_alloc : memref<!tpu.dma_semaphore, #tpu.memory_space<semaphore_mem>>
        %dma_start3A_81 = arith.constant 0 : i32
        %dma_start3A_82 = arith.constant 0 : i32
        %dma_start3A_83 = tpu.memref_slice %arg5[%arg1, %dma_start3A_81, %dma_start3A_82] : memref<16x157x128xi32, #tpu.memory_space<hbm>> -> memref<1x157x128xi32, #tpu.memory_space<hbm>>
        %dma_start3A_84 = tpu.memref_squeeze %dma_start3A_83 : memref<1x157x128xi32, #tpu.memory_space<hbm>> -> memref<157x128xi32, #tpu.memory_space<hbm>>
        %dma_start3A_85 = arith.constant 0 : i32
        %dma_start3A_86 = arith.constant 0 : i32
        %dma_start3A_87 = tpu.memref_slice %arg5[%arg1, %dma_start3A_85, %dma_start3A_86] : memref<16x157x128xi32, #tpu.memory_space<hbm>> -> memref<1x157x128xi32, #tpu.memory_space<hbm>>
        %dma_start3A_88 = tpu.memref_squeeze %dma_start3A_87 : memref<1x157x128xi32, #tpu.memory_space<hbm>> -> memref<157x128xi32, #tpu.memory_space<hbm>>
        tpu.enqueue_dma source(%dma_start3A_88 : memref<157x128xi32, #tpu.memory_space<hbm>>) target(%arg10 : memref<157x128xi32, #tpu.memory_space<vmem>>) target_semaphore(%run_scoped3A : memref<!tpu.dma_semaphore, #tpu.memory_space<semaphore_mem>>)
        %dma_wait3A = arith.constant 0 : i32
        %dma_wait3A_89 = arith.constant 0 : i32
        %dma_wait3A_90 = tpu.memref_slice %arg5[%arg1, %dma_wait3A, %dma_wait3A_89] : memref<16x157x128xi32, #tpu.memory_space<hbm>> -> memref<1x157x128xi32, #tpu.memory_space<hbm>>
        %dma_wait3A_91 = tpu.memref_squeeze %dma_wait3A_90 : memref<1x157x128xi32, #tpu.memory_space<hbm>> -> memref<157x128xi32, #tpu.memory_space<hbm>>
        %dma_wait3A_92 = arith.constant 0 : i32
        %dma_wait3A_93 = arith.constant 0 : i32
        %dma_wait3A_94 = tpu.memref_slice %arg5[%arg1, %dma_wait3A_92, %dma_wait3A_93] : memref<16x157x128xi32, #tpu.memory_space<hbm>> -> memref<1x157x128xi32, #tpu.memory_space<hbm>>
        %dma_wait3A_95 = tpu.memref_squeeze %dma_wait3A_94 : memref<1x157x128xi32, #tpu.memory_space<hbm>> -> memref<157x128xi32, #tpu.memory_space<hbm>>
        tpu.wait_dma2 semaphore(%run_scoped3A : memref<!tpu.dma_semaphore, #tpu.memory_space<semaphore_mem>>) src(%dma_wait3A_95 : memref<157x128xi32, #tpu.memory_space<hbm>>) dst(%arg10 : memref<157x128xi32, #tpu.memory_space<vmem>>)
        tpu.yield
      }) : () -> ()
      %dma_start3A = arith.constant 0 : i32
      %dma_start3A_61 = arith.constant 0 : i32
      %dma_start3A_62 = tpu.memref_slice %arg9[%dma_start3A, %dma_start3A_61] : memref<157x128xi32, #tpu.memory_space<vmem>> -> memref<1x128xi32, #tpu.memory_space<vmem>>
      %dma_start3A_63 = tpu.memref_squeeze %dma_start3A_62 : memref<1x128xi32, #tpu.memory_space<vmem>> -> memref<128xi32, #tpu.memory_space<vmem>>
      %dma_start3A_64 = arith.constant 0 : i32
      %dma_start3A_65 = arith.constant 0 : i32
      %dma_start3A_66 = tpu.memref_slice %arg3[%dma_start3A_64, %dma_start3A_65] : memref<10000x64xf32, #tpu.memory_space<hbm>> -> memref<10000x64xf32, #tpu.memory_space<hbm>>
      tpu.enqueue_indirect_dma source(%dma_start3A_66 : memref<10000x64xf32, #tpu.memory_space<hbm>>) target(%arg11 : memref<128x64xf32, #tpu.memory_space<vmem>>) offsets(%dma_start3A_63 : memref<128xi32, #tpu.memory_space<vmem>>) semaphore(%arg17 : memref<!tpu.dma_semaphore, #tpu.memory_space<semaphore_mem>>)
      %dma_start3A_67 = arith.constant 1 : i32
      %dma_start3A_68 = arith.constant 0 : i32
      %dma_start3A_69 = tpu.memref_slice %arg9[%dma_start3A_67, %dma_start3A_68] : memref<157x128xi32, #tpu.memory_space<vmem>> -> memref<1x128xi32, #tpu.memory_space<vmem>>
      %dma_start3A_70 = tpu.memref_squeeze %dma_start3A_69 : memref<1x128xi32, #tpu.memory_space<vmem>> -> memref<128xi32, #tpu.memory_space<vmem>>
      %dma_start3A_71 = arith.constant 0 : i32
      %dma_start3A_72 = arith.constant 0 : i32
      %dma_start3A_73 = tpu.memref_slice %arg3[%dma_start3A_71, %dma_start3A_72] : memref<10000x64xf32, #tpu.memory_space<hbm>> -> memref<10000x64xf32, #tpu.memory_space<hbm>>
      tpu.enqueue_indirect_dma source(%dma_start3A_73 : memref<10000x64xf32, #tpu.memory_space<hbm>>) target(%arg12 : memref<128x64xf32, #tpu.memory_space<vmem>>) offsets(%dma_start3A_70 : memref<128xi32, #tpu.memory_space<vmem>>) semaphore(%arg18 : memref<!tpu.dma_semaphore, #tpu.memory_space<semaphore_mem>>)
      %scan3A_74 = arith.constant 0 : i32
      %scan3A_75 = arith.constant 0 : i32
      %scan3A_76 = arith.constant 79 : i32
      %scan3A_77 = arith.addi %scan3A_75, %scan3A_76 : i32
      %scan3A_78 = arith.constant 1 : i32
      %scan3A_79 = scf.for %scan3A_81 = %scan3A_75 to %scan3A_77 step %scan3A_78 iter_args(%scan3A_82 = %scan3A_74) -> (i32)  : i32 {
        %mul3A_83 = arith.constant 2 : i32
        %mul3A_84 = arith.muli %mul3A_83, %scan3A_81 : i32
        %dma_wait3A = arith.constant 0 : i32
        %dma_wait3A_85 = tpu.memref_slice %arg9[%mul3A_84, %dma_wait3A] : memref<157x128xi32, #tpu.memory_space<vmem>> -> memref<1x128xi32, #tpu.memory_space<vmem>>
        %dma_wait3A_86 = tpu.memref_squeeze %dma_wait3A_85 : memref<1x128xi32, #tpu.memory_space<vmem>> -> memref<128xi32, #tpu.memory_space<vmem>>
        %dma_wait3A_87 = arith.constant 0 : i32
        %dma_wait3A_88 = arith.constant 0 : i32
        %dma_wait3A_89 = tpu.memref_slice %arg3[%dma_wait3A_87, %dma_wait3A_88] : memref<10000x64xf32, #tpu.memory_space<hbm>> -> memref<10000x64xf32, #tpu.memory_space<hbm>>
        tpu.wait_indirect_dma semaphore(%arg17 : memref<!tpu.dma_semaphore, #tpu.memory_space<semaphore_mem>>) src(%dma_wait3A_89 : memref<10000x64xf32, #tpu.memory_space<hbm>>) dst(%arg11 : memref<128x64xf32, #tpu.memory_space<vmem>>)
        "tpu.region"() ({
          %run_scoped3A = tpu.sem_alloc : memref<!tpu.dma_semaphore, #tpu.memory_space<semaphore_mem>>
          %dma_start3A_111 = arith.constant 0 : i32
          %dma_start3A_112 = tpu.memref_slice %arg10[%mul3A_84, %dma_start3A_111] : memref<157x128xi32, #tpu.memory_space<vmem>> -> memref<1x128xi32, #tpu.memory_space<vmem>>
          %dma_start3A_113 = tpu.memref_squeeze %dma_start3A_112 : memref<1x128xi32, #tpu.memory_space<vmem>> -> memref<128xi32, #tpu.memory_space<vmem>>
          %dma_start3A_114 = arith.constant 0 : i32
          %dma_start3A_115 = arith.constant 0 : i32
          %dma_start3A_116 = tpu.memref_slice %arg15[%dma_start3A_114, %dma_start3A_115] : memref<10240x64xf32, #tpu.memory_space<vmem_shared>> -> memref<10240x64xf32, #tpu.memory_space<vmem_shared>>
          tpu.enqueue_indirect_dma source(%arg11 : memref<128x64xf32, #tpu.memory_space<vmem>>) target(%dma_start3A_116 : memref<10240x64xf32, #tpu.memory_space<vmem_shared>>) offsets(%dma_start3A_113 : memref<128xi32, #tpu.memory_space<vmem>>) semaphore(%run_scoped3A : memref<!tpu.dma_semaphore, #tpu.memory_space<semaphore_mem>>) {add = true}
          %dma_wait3A_117 = arith.constant 0 : i32
          %dma_wait3A_118 = tpu.memref_slice %arg10[%mul3A_84, %dma_wait3A_117] : memref<157x128xi32, #tpu.memory_space<vmem>> -> memref<1x128xi32, #tpu.memory_space<vmem>>
          %dma_wait3A_119 = tpu.memref_squeeze %dma_wait3A_118 : memref<1x128xi32, #tpu.memory_space<vmem>> -> memref<128xi32, #tpu.memory_space<vmem>>
          %dma_wait3A_120 = arith.constant 0 : i32
          %dma_wait3A_121 = arith.constant 0 : i32
          %dma_wait3A_122 = tpu.memref_slice %arg15[%dma_wait3A_120, %dma_wait3A_121] : memref<10240x64xf32, #tpu.memory_space<vmem_shared>> -> memref<10240x64xf32, #tpu.memory_space<vmem_shared>>
          tpu.wait_indirect_dma semaphore(%run_scoped3A : memref<!tpu.dma_semaphore, #tpu.memory_space<semaphore_mem>>) src(%arg11 : memref<128x64xf32, #tpu.memory_space<vmem>>) dst(%dma_wait3A_122 : memref<10240x64xf32, #tpu.memory_space<vmem_shared>>)
          tpu.yield
        }) : () -> ()
        %add3A_90 = arith.constant 2 : i32
        %add3A_91 = arith.addi %mul3A_84, %add3A_90 : i32
        %lt3A = arith.constant 157 : i32
        %lt3A_92 = arith.cmpi slt, %add3A_91, %lt3A : i32
        %convert_element_type3A_93 = arith.extui %lt3A_92 : i1 to i32
        %cond3A_94 = arith.constant 0 : i32
        %cond3A_95 = arith.cmpi ne, %convert_element_type3A_93, %cond3A_94 : i32
        scf.if %cond3A_95 {
          %add3A_111 = arith.constant 2 : i32
          %add3A_112 = arith.addi %mul3A_84, %add3A_111 : i32
          %dma_start3A_113 = arith.constant 0 : i32
          %dma_start3A_114 = tpu.memref_slice %arg9[%add3A_112, %dma_start3A_113] : memref<157x128xi32, #tpu.memory_space<vmem>> -> memref<1x128xi32, #tpu.memory_space<vmem>>
          %dma_start3A_115 = tpu.memref_squeeze %dma_start3A_114 : memref<1x128xi32, #tpu.memory_space<vmem>> -> memref<128xi32, #tpu.memory_space<vmem>>
          %dma_start3A_116 = arith.constant 0 : i32
          %dma_start3A_117 = arith.constant 0 : i32
          %dma_start3A_118 = tpu.memref_slice %arg3[%dma_start3A_116, %dma_start3A_117] : memref<10000x64xf32, #tpu.memory_space<hbm>> -> memref<10000x64xf32, #tpu.memory_space<hbm>>
          tpu.enqueue_indirect_dma source(%dma_start3A_118 : memref<10000x64xf32, #tpu.memory_space<hbm>>) target(%arg11 : memref<128x64xf32, #tpu.memory_space<vmem>>) offsets(%dma_start3A_115 : memref<128xi32, #tpu.memory_space<vmem>>) semaphore(%arg17 : memref<!tpu.dma_semaphore, #tpu.memory_space<semaphore_mem>>)
        } else {
        }
        %add3A_96 = arith.constant 1 : i32
        %add3A_97 = arith.addi %mul3A_84, %add3A_96 : i32
        %lt3A_98 = arith.constant 157 : i32
        %lt3A_99 = arith.cmpi slt, %add3A_97, %lt3A_98 : i32
        %convert_element_type3A_100 = arith.extui %lt3A_99 : i1 to i32
        %cond3A_101 = arith.constant 0 : i32
        %cond3A_102 = arith.cmpi ne, %convert_element_type3A_100, %cond3A_101 : i32
        scf.if %cond3A_102 {
          %add3A_111 = arith.constant 1 : i32
          %add3A_112 = arith.addi %mul3A_84, %add3A_111 : i32
          %dma_wait3A_113 = arith.constant 0 : i32
          %dma_wait3A_114 = tpu.memref_slice %arg9[%add3A_112, %dma_wait3A_113] : memref<157x128xi32, #tpu.memory_space<vmem>> -> memref<1x128xi32, #tpu.memory_space<vmem>>
          %dma_wait3A_115 = tpu.memref_squeeze %dma_wait3A_114 : memref<1x128xi32, #tpu.memory_space<vmem>> -> memref<128xi32, #tpu.memory_space<vmem>>
          %dma_wait3A_116 = arith.constant 0 : i32
          %dma_wait3A_117 = arith.constant 0 : i32
          %dma_wait3A_118 = tpu.memref_slice %arg3[%dma_wait3A_116, %dma_wait3A_117] : memref<10000x64xf32, #tpu.memory_space<hbm>> -> memref<10000x64xf32, #tpu.memory_space<hbm>>
          tpu.wait_indirect_dma semaphore(%arg18 : memref<!tpu.dma_semaphore, #tpu.memory_space<semaphore_mem>>) src(%dma_wait3A_118 : memref<10000x64xf32, #tpu.memory_space<hbm>>) dst(%arg12 : memref<128x64xf32, #tpu.memory_space<vmem>>)
          %add3A_119 = arith.constant 1 : i32
          %add3A_120 = arith.addi %mul3A_84, %add3A_119 : i32
          "tpu.region"() ({
            %run_scoped3A = tpu.sem_alloc : memref<!tpu.dma_semaphore, #tpu.memory_space<semaphore_mem>>
            %dma_start3A_121 = arith.constant 0 : i32
            %dma_start3A_122 = tpu.memref_slice %arg10[%add3A_120, %dma_start3A_121] : memref<157x128xi32, #tpu.memory_space<vmem>> -> memref<1x128xi32, #tpu.memory_space<vmem>>
            %dma_start3A_123 = tpu.memref_squeeze %dma_start3A_122 : memref<1x128xi32, #tpu.memory_space<vmem>> -> memref<128xi32, #tpu.memory_space<vmem>>
            %dma_start3A_124 = arith.constant 0 : i32
            %dma_start3A_125 = arith.constant 0 : i32
            %dma_start3A_126 = tpu.memref_slice %arg15[%dma_start3A_124, %dma_start3A_125] : memref<10240x64xf32, #tpu.memory_space<vmem_shared>> -> memref<10240x64xf32, #tpu.memory_space<vmem_shared>>
            tpu.enqueue_indirect_dma source(%arg12 : memref<128x64xf32, #tpu.memory_space<vmem>>) target(%dma_start3A_126 : memref<10240x64xf32, #tpu.memory_space<vmem_shared>>) offsets(%dma_start3A_123 : memref<128xi32, #tpu.memory_space<vmem>>) semaphore(%run_scoped3A : memref<!tpu.dma_semaphore, #tpu.memory_space<semaphore_mem>>) {add = true}
            %dma_wait3A_127 = arith.constant 0 : i32
            %dma_wait3A_128 = tpu.memref_slice %arg10[%add3A_120, %dma_wait3A_127] : memref<157x128xi32, #tpu.memory_space<vmem>> -> memref<1x128xi32, #tpu.memory_space<vmem>>
            %dma_wait3A_129 = tpu.memref_squeeze %dma_wait3A_128 : memref<1x128xi32, #tpu.memory_space<vmem>> -> memref<128xi32, #tpu.memory_space<vmem>>
            %dma_wait3A_130 = arith.constant 0 : i32
            %dma_wait3A_131 = arith.constant 0 : i32
            %dma_wait3A_132 = tpu.memref_slice %arg15[%dma_wait3A_130, %dma_wait3A_131] : memref<10240x64xf32, #tpu.memory_space<vmem_shared>> -> memref<10240x64xf32, #tpu.memory_space<vmem_shared>>
            tpu.wait_indirect_dma semaphore(%run_scoped3A : memref<!tpu.dma_semaphore, #tpu.memory_space<semaphore_mem>>) src(%arg12 : memref<128x64xf32, #tpu.memory_space<vmem>>) dst(%dma_wait3A_132 : memref<10240x64xf32, #tpu.memory_space<vmem_shared>>)
            tpu.yield
          }) : () -> ()
        } else {
        }
        %add3A_103 = arith.constant 3 : i32
        %add3A_104 = arith.addi %mul3A_84, %add3A_103 : i32
        %lt3A_105 = arith.constant 157 : i32
        %lt3A_106 = arith.cmpi slt, %add3A_104, %lt3A_105 : i32
        %convert_element_type3A_107 = arith.extui %lt3A_106 : i1 to i32
        %cond3A_108 = arith.constant 0 : i32
        %cond3A_109 = arith.cmpi ne, %convert_element_type3A_107, %cond3A_108 : i32
        scf.if %cond3A_109 {
          %add3A_111 = arith.constant 3 : i32
          %add3A_112 = arith.addi %mul3A_84, %add3A_111 : i32
          %dma_start3A_113 = arith.constant 0 : i32
          %dma_start3A_114 = tpu.memref_slice %arg9[%add3A_112, %dma_start3A_113] : memref<157x128xi32, #tpu.memory_space<vmem>> -> memref<1x128xi32, #tpu.memory_space<vmem>>
          %dma_start3A_115 = tpu.memref_squeeze %dma_start3A_114 : memref<1x128xi32, #tpu.memory_space<vmem>> -> memref<128xi32, #tpu.memory_space<vmem>>
          %dma_start3A_116 = arith.constant 0 : i32
          %dma_start3A_117 = arith.constant 0 : i32
          %dma_start3A_118 = tpu.memref_slice %arg3[%dma_start3A_116, %dma_start3A_117] : memref<10000x64xf32, #tpu.memory_space<hbm>> -> memref<10000x64xf32, #tpu.memory_space<hbm>>
          tpu.enqueue_indirect_dma source(%dma_start3A_118 : memref<10000x64xf32, #tpu.memory_space<hbm>>) target(%arg12 : memref<128x64xf32, #tpu.memory_space<vmem>>) offsets(%dma_start3A_115 : memref<128xi32, #tpu.memory_space<vmem>>) semaphore(%arg18 : memref<!tpu.dma_semaphore, #tpu.memory_space<semaphore_mem>>)
        } else {
        }
        %scan3A_110 = arith.constant 0 : i32
        scf.yield %scan3A_110 : i32
      }
      %scan3A_80 = arith.constant 79 : i32
    } else {
    }
    %barrier3A_50 = arith.constant 0 : index
    tpu.barrier barrier_id(%barrier3A_50)
    %eq3A_51 = arith.constant 0 : i32
    %eq3A_52 = arith.cmpi eq, %arg0, %eq3A_51 : i32
    %convert_element_type3A_53 = arith.extui %eq3A_52 : i1 to i32
    %cond3A_54 = arith.constant 0 : i32
    %cond3A_55 = arith.cmpi ne, %convert_element_type3A_53, %cond3A_54 : i32
    scf.if %cond3A_55 {
      %mul3A_61 = arith.constant 640 : i32
      %mul3A_62 = arith.muli %arg1, %mul3A_61 : i32
      %mul3A_63 = arith.constant 640 : i32
      %mul3A_64 = arith.muli %arg1, %mul3A_63 : i32
      "tpu.region"() ({
        %run_scoped3A = tpu.sem_alloc : memref<!tpu.dma_semaphore, #tpu.memory_space<semaphore_mem>>
        %dma_start3A = arith.constant 0 : i32
        %dma_start3A_69 = tpu.memref_slice %arg6[%mul3A_64, %dma_start3A] : memref<10240x64xf32, #tpu.memory_space<hbm>> -> memref<640x64xf32, #tpu.memory_space<hbm>>
        %dma_start3A_70 = arith.constant 0 : i32
        %dma_start3A_71 = tpu.memref_slice %arg15[%mul3A_62, %dma_start3A_70] : memref<10240x64xf32, #tpu.memory_space<vmem_shared>> -> memref<640x64xf32, #tpu.memory_space<vmem_shared>>
        tpu.enqueue_dma source(%dma_start3A_71 : memref<640x64xf32, #tpu.memory_space<vmem_shared>>) target(%dma_start3A_69 : memref<640x64xf32, #tpu.memory_space<hbm>>) target_semaphore(%run_scoped3A : memref<!tpu.dma_semaphore, #tpu.memory_space<semaphore_mem>>)
        %dma_wait3A = arith.constant 0 : i32
        %dma_wait3A_72 = tpu.memref_slice %arg6[%mul3A_64, %dma_wait3A] : memref<10240x64xf32, #tpu.memory_space<hbm>> -> memref<640x64xf32, #tpu.memory_space<hbm>>
        %dma_wait3A_73 = arith.constant 0 : i32
        %dma_wait3A_74 = tpu.memref_slice %arg15[%mul3A_62, %dma_wait3A_73] : memref<10240x64xf32, #tpu.memory_space<vmem_shared>> -> memref<640x64xf32, #tpu.memory_space<vmem_shared>>
        tpu.wait_dma2 semaphore(%run_scoped3A : memref<!tpu.dma_semaphore, #tpu.memory_space<semaphore_mem>>) src(%dma_wait3A_74 : memref<640x64xf32, #tpu.memory_space<vmem_shared>>) dst(%dma_wait3A_72 : memref<640x64xf32, #tpu.memory_space<hbm>>)
        tpu.yield
      }) : () -> ()
      %mul3A_65 = arith.constant 640 : i32
      %mul3A_66 = arith.muli %arg1, %mul3A_65 : i32
      %mul3A_67 = arith.constant 640 : i32
      %mul3A_68 = arith.muli %arg1, %mul3A_67 : i32
      "tpu.region"() ({
        %run_scoped3A = tpu.sem_alloc : memref<!tpu.dma_semaphore, #tpu.memory_space<semaphore_mem>>
        %dma_start3A = tpu.memref_slice %arg8[%mul3A_68] : memref<10240xf32, #tpu.memory_space<hbm>> -> memref<640xf32, #tpu.memory_space<hbm>>
        %dma_start3A_69 = tpu.memref_slice %arg16[%mul3A_66] : memref<10240xf32, #tpu.memory_space<vmem_shared>> -> memref<640xf32, #tpu.memory_space<vmem_shared>>
        tpu.enqueue_dma source(%dma_start3A_69 : memref<640xf32, #tpu.memory_space<vmem_shared>>) target(%dma_start3A : memref<640xf32, #tpu.memory_space<hbm>>) target_semaphore(%run_scoped3A : memref<!tpu.dma_semaphore, #tpu.memory_space<semaphore_mem>>)
        %dma_wait3A = tpu.memref_slice %arg8[%mul3A_68] : memref<10240xf32, #tpu.memory_space<hbm>> -> memref<640xf32, #tpu.memory_space<hbm>>
        %dma_wait3A_70 = tpu.memref_slice %arg16[%mul3A_66] : memref<10240xf32, #tpu.memory_space<vmem_shared>> -> memref<640xf32, #tpu.memory_space<vmem_shared>>
        tpu.wait_dma2 semaphore(%run_scoped3A : memref<!tpu.dma_semaphore, #tpu.memory_space<semaphore_mem>>) src(%dma_wait3A_70 : memref<640xf32, #tpu.memory_space<vmem_shared>>) dst(%dma_wait3A : memref<640xf32, #tpu.memory_space<hbm>>)
        tpu.yield
      }) : () -> ()
    } else {
    }
    %eq3A_56 = arith.constant 1 : i32
    %eq3A_57 = arith.cmpi eq, %arg0, %eq3A_56 : i32
    %convert_element_type3A_58 = arith.extui %eq3A_57 : i1 to i32
    %cond3A_59 = arith.constant 0 : i32
    %cond3A_60 = arith.cmpi ne, %convert_element_type3A_58, %cond3A_59 : i32
    scf.if %cond3A_60 {
      %mul3A_61 = arith.constant 640 : i32
      %mul3A_62 = arith.muli %arg1, %mul3A_61 : i32
      %mul3A_63 = arith.constant 640 : i32
      %mul3A_64 = arith.muli %arg1, %mul3A_63 : i32
      "tpu.region"() ({
        %run_scoped3A = tpu.sem_alloc : memref<!tpu.dma_semaphore, #tpu.memory_space<semaphore_mem>>
        %dma_start3A = arith.constant 0 : i32
        %dma_start3A_65 = tpu.memref_slice %arg7[%mul3A_64, %dma_start3A] : memref<10240x64xf32, #tpu.memory_space<hbm>> -> memref<640x64xf32, #tpu.memory_space<hbm>>
        %dma_start3A_66 = arith.constant 0 : i32
        %dma_start3A_67 = tpu.memref_slice %arg15[%mul3A_62, %dma_start3A_66] : memref<10240x64xf32, #tpu.memory_space<vmem_shared>> -> memref<640x64xf32, #tpu.memory_space<vmem_shared>>
        tpu.enqueue_dma source(%dma_start3A_67 : memref<640x64xf32, #tpu.memory_space<vmem_shared>>) target(%dma_start3A_65 : memref<640x64xf32, #tpu.memory_space<hbm>>) target_semaphore(%run_scoped3A : memref<!tpu.dma_semaphore, #tpu.memory_space<semaphore_mem>>)
        %dma_wait3A = arith.constant 0 : i32
        %dma_wait3A_68 = tpu.memref_slice %arg7[%mul3A_64, %dma_wait3A] : memref<10240x64xf32, #tpu.memory_space<hbm>> -> memref<640x64xf32, #tpu.memory_space<hbm>>
        %dma_wait3A_69 = arith.constant 0 : i32
        %dma_wait3A_70 = tpu.memref_slice %arg15[%mul3A_62, %dma_wait3A_69] : memref<10240x64xf32, #tpu.memory_space<vmem_shared>> -> memref<640x64xf32, #tpu.memory_space<vmem_shared>>
        tpu.wait_dma2 semaphore(%run_scoped3A : memref<!tpu.dma_semaphore, #tpu.memory_space<semaphore_mem>>) src(%dma_wait3A_70 : memref<640x64xf32, #tpu.memory_space<vmem_shared>>) dst(%dma_wait3A_68 : memref<640x64xf32, #tpu.memory_space<hbm>>)
        tpu.yield
      }) : () -> ()
    } else {
    }
    return
  }
}

#map = affine_map<(d0, d1) -> (0, 0)>
#map1 = affine_map<(d0, d1) -> (0, 0, 0)>
module attributes {stable_mosaic.version = 14 : i64} {
  func.func @_p1_body_nocounts(%arg0: i32, %arg1: i32, %arg2: memref<10240x64xf32, #tpu.memory_space<hbm>>, %arg3: memref<10240x64xf32, #tpu.memory_space<hbm>>, %arg4: memref<16x157x128xi32, #tpu.memory_space<hbm>>, %arg5: memref<16x157x128xi32, #tpu.memory_space<hbm>>, %arg6: memref<16x157x128xi32, #tpu.memory_space<hbm>>, %arg7: memref<16x157x128xi32, #tpu.memory_space<hbm>>, %arg8: memref<10240x64xf32, #tpu.memory_space<hbm>>, %arg9: memref<10240x64xf32, #tpu.memory_space<hbm>>, %arg10: memref<157x128xi32, #tpu.memory_space<vmem>>, %arg11: memref<157x128xi32, #tpu.memory_space<vmem>>, %arg12: memref<128x64xf32, #tpu.memory_space<vmem>>, %arg13: memref<128x64xf32, #tpu.memory_space<vmem>>, %arg14: memref<10240x64xf32, #tpu.memory_space<vmem_shared>>, %arg15: memref<!tpu.dma_semaphore, #tpu.memory_space<semaphore_mem>>, %arg16: memref<!tpu.dma_semaphore, #tpu.memory_space<semaphore_mem>>) attributes {dimension_semantics = [#tpu.dimension_semantics<core_parallel>, #tpu.dimension_semantics<subcore_parallel>], iteration_bounds = array<i64: 2, 16>, scalar_prefetch = 0 : i64, scratch_operands = 7 : i64, tpu.core_type = #tpu.core_type<sc_vector_subcore>, window_params = [{transform_indices = #map}, {transform_indices = #map}, {transform_indices = #map1}, {transform_indices = #map1}, {transform_indices = #map1}, {transform_indices = #map1}, {transform_indices = #map}, {transform_indices = #map}]} {
    %scan3A = arith.constant 0 : i32
    %scan3A_0 = arith.constant 0 : i32
    %scan3A_1 = arith.constant 512 : i32
    %scan3A_2 = arith.addi %scan3A_0, %scan3A_1 : i32
    %scan3A_3 = arith.constant 1 : i32
    %scan3A_4 = scf.for %scan3A_42 = %scan3A_0 to %scan3A_2 step %scan3A_3 iter_args(%scan3A_43 = %scan3A) -> (i32)  : i32 {
      %jit3A = arith.constant 4 : i32
      %div3A = arith.divsi %scan3A_42, %jit3A : i32
      %sign3A = arith.constant 0 : i32
      %sign3A_44 = arith.cmpi sgt, %scan3A_42, %sign3A : i32
      %sign3A_45 = arith.extui %sign3A_44 : i1 to i32
      %sign3A_46 = arith.constant 0 : i32
      %sign3A_47 = arith.cmpi slt, %scan3A_42, %sign3A_46 : i32
      %sign3A_48 = arith.extui %sign3A_47 : i1 to i32
      %sign3A_49 = arith.subi %sign3A_45, %sign3A_48 : i32
      %sign3A_50 = arith.constant 0 : i32
      %sign3A_51 = arith.cmpi sgt, %jit3A, %sign3A_50 : i32
      %sign3A_52 = arith.extui %sign3A_51 : i1 to i32
      %sign3A_53 = arith.constant 0 : i32
      %sign3A_54 = arith.cmpi slt, %jit3A, %sign3A_53 : i32
      %sign3A_55 = arith.extui %sign3A_54 : i1 to i32
      %sign3A_56 = arith.subi %sign3A_52, %sign3A_55 : i32
      %ne3A = arith.cmpi ne, %sign3A_49, %sign3A_56 : i32
      %rem3A = arith.remsi %scan3A_42, %jit3A : i32
      %ne3A_57 = arith.constant 0 : i32
      %ne3A_58 = arith.cmpi ne, %rem3A, %ne3A_57 : i32
      %and3A = arith.andi %ne3A, %ne3A_58 : i1
      %sub3A = arith.constant 1 : i32
      %sub3A_59 = arith.subi %div3A, %sub3A : i32
      %select_n3A = arith.select %and3A, %sub3A_59, %div3A : i32
      %jit3A_60 = arith.constant 4 : i32
      %eq3A_61 = arith.constant 0 : i32
      %eq3A_62 = arith.cmpi eq, %jit3A_60, %eq3A_61 : i32
      %jit3A_63 = arith.constant 1 : i32
      %select_n3A_64 = arith.select %eq3A_62, %jit3A_63, %jit3A_60 : i32
      %rem3A_65 = arith.remsi %scan3A_42, %select_n3A_64 : i32
      %ne3A_66 = arith.constant 0 : i32
      %ne3A_67 = arith.cmpi ne, %rem3A_65, %ne3A_66 : i32
      %lt3A = arith.constant 0 : i32
      %lt3A_68 = arith.cmpi slt, %rem3A_65, %lt3A : i32
      %lt3A_69 = arith.constant 0 : i32
      %lt3A_70 = arith.cmpi slt, %select_n3A_64, %lt3A_69 : i32
      %ne3A_71 = arith.xori %lt3A_68, %lt3A_70 : i1
      %and3A_72 = arith.andi %ne3A_71, %ne3A_67 : i1
      %add3A_73 = arith.addi %rem3A_65, %select_n3A_64 : i32
      %select_n3A_74 = arith.select %and3A_72, %add3A_73, %rem3A_65 : i32
      %broadcast_in_dim3A = arith.constant 0.000000e+00 : f32
      %broadcast_in_dim3A_75 = vector.broadcast %broadcast_in_dim3A : f32 to vector<16xf32>
      %mul3A_76 = arith.constant 16 : i32
      %mul3A_77 = arith.muli %select_n3A_74, %mul3A_76 : i32
      %swap3A = arith.index_cast %select_n3A : i32 to index
      %swap3A_78 = arith.index_cast %mul3A_77 : i32 to index
      %swap3A_79 = tpu.vector_load %arg12[%swap3A, %swap3A_78] {strides = array<i32>} : memref<128x64xf32, #tpu.memory_space<vmem>>, vector<1x16xf32>,
      %swap3A_80 = vector.shape_cast %swap3A_79 : vector<1x16xf32> to vector<16xf32>
      %swap3A_81 = vector.shape_cast %broadcast_in_dim3A_75 : vector<16xf32> to vector<1x16xf32>
      tpu.vector_store %arg12[%swap3A, %swap3A_78], %swap3A_81 {strides = array<i32>} : memref<128x64xf32, #tpu.memory_space<vmem>>, vector<1x16xf32>,
      %scan3A_82 = arith.constant 0 : i32
      scf.yield %scan3A_82 : i32
    }
    %scan3A_5 = arith.constant 512 : i32
    %mul3A = arith.constant 640 : i32
    %mul3A_6 = arith.muli %arg1, %mul3A : i32
    %add3A = arith.constant 0 : i32
    %add3A_7 = arith.addi %mul3A_6, %add3A : i32
    "tpu.region"() ({
      %run_scoped3A = tpu.sem_alloc : memref<!tpu.dma_semaphore, #tpu.memory_space<semaphore_mem>>
      %dma_start3A = arith.constant 0 : i32
      %dma_start3A_42 = tpu.memref_slice %arg14[%add3A_7, %dma_start3A] : memref<10240x64xf32, #tpu.memory_space<vmem_shared>> -> memref<128x64xf32, #tpu.memory_space<vmem_shared>>
      %dma_start3A_43 = arith.constant 0 : i32
      %dma_start3A_44 = tpu.memref_slice %arg14[%add3A_7, %dma_start3A_43] : memref<10240x64xf32, #tpu.memory_space<vmem_shared>> -> memref<128x64xf32, #tpu.memory_space<vmem_shared>>
      tpu.enqueue_dma source(%arg12 : memref<128x64xf32, #tpu.memory_space<vmem>>) target(%dma_start3A_44 : memref<128x64xf32, #tpu.memory_space<vmem_shared>>) target_semaphore(%run_scoped3A : memref<!tpu.dma_semaphore, #tpu.memory_space<semaphore_mem>>)
      %dma_wait3A = arith.constant 0 : i32
      %dma_wait3A_45 = tpu.memref_slice %arg14[%add3A_7, %dma_wait3A] : memref<10240x64xf32, #tpu.memory_space<vmem_shared>> -> memref<128x64xf32, #tpu.memory_space<vmem_shared>>
      %dma_wait3A_46 = arith.constant 0 : i32
      %dma_wait3A_47 = tpu.memref_slice %arg14[%add3A_7, %dma_wait3A_46] : memref<10240x64xf32, #tpu.memory_space<vmem_shared>> -> memref<128x64xf32, #tpu.memory_space<vmem_shared>>
      tpu.wait_dma2 semaphore(%run_scoped3A : memref<!tpu.dma_semaphore, #tpu.memory_space<semaphore_mem>>) src(%arg12 : memref<128x64xf32, #tpu.memory_space<vmem>>) dst(%dma_wait3A_47 : memref<128x64xf32, #tpu.memory_space<vmem_shared>>)
      tpu.yield
    }) : () -> ()
    %mul3A_8 = arith.constant 640 : i32
    %mul3A_9 = arith.muli %arg1, %mul3A_8 : i32
    %add3A_10 = arith.constant 128 : i32
    %add3A_11 = arith.addi %mul3A_9, %add3A_10 : i32
    "tpu.region"() ({
      %run_scoped3A = tpu.sem_alloc : memref<!tpu.dma_semaphore, #tpu.memory_space<semaphore_mem>>
      %dma_start3A = arith.constant 0 : i32
      %dma_start3A_42 = tpu.memref_slice %arg14[%add3A_11, %dma_start3A] : memref<10240x64xf32, #tpu.memory_space<vmem_shared>> -> memref<128x64xf32, #tpu.memory_space<vmem_shared>>
      %dma_start3A_43 = arith.constant 0 : i32
      %dma_start3A_44 = tpu.memref_slice %arg14[%add3A_11, %dma_start3A_43] : memref<10240x64xf32, #tpu.memory_space<vmem_shared>> -> memref<128x64xf32, #tpu.memory_space<vmem_shared>>
      tpu.enqueue_dma source(%arg12 : memref<128x64xf32, #tpu.memory_space<vmem>>) target(%dma_start3A_44 : memref<128x64xf32, #tpu.memory_space<vmem_shared>>) target_semaphore(%run_scoped3A : memref<!tpu.dma_semaphore, #tpu.memory_space<semaphore_mem>>)
      %dma_wait3A = arith.constant 0 : i32
      %dma_wait3A_45 = tpu.memref_slice %arg14[%add3A_11, %dma_wait3A] : memref<10240x64xf32, #tpu.memory_space<vmem_shared>> -> memref<128x64xf32, #tpu.memory_space<vmem_shared>>
      %dma_wait3A_46 = arith.constant 0 : i32
      %dma_wait3A_47 = tpu.memref_slice %arg14[%add3A_11, %dma_wait3A_46] : memref<10240x64xf32, #tpu.memory_space<vmem_shared>> -> memref<128x64xf32, #tpu.memory_space<vmem_shared>>
      tpu.wait_dma2 semaphore(%run_scoped3A : memref<!tpu.dma_semaphore, #tpu.memory_space<semaphore_mem>>) src(%arg12 : memref<128x64xf32, #tpu.memory_space<vmem>>) dst(%dma_wait3A_47 : memref<128x64xf32, #tpu.memory_space<vmem_shared>>)
      tpu.yield
    }) : () -> ()
    %mul3A_12 = arith.constant 640 : i32
    %mul3A_13 = arith.muli %arg1, %mul3A_12 : i32
    %add3A_14 = arith.constant 256 : i32
    %add3A_15 = arith.addi %mul3A_13, %add3A_14 : i32
    "tpu.region"() ({
      %run_scoped3A = tpu.sem_alloc : memref<!tpu.dma_semaphore, #tpu.memory_space<semaphore_mem>>
      %dma_start3A = arith.constant 0 : i32
      %dma_start3A_42 = tpu.memref_slice %arg14[%add3A_15, %dma_start3A] : memref<10240x64xf32, #tpu.memory_space<vmem_shared>> -> memref<128x64xf32, #tpu.memory_space<vmem_shared>>
      %dma_start3A_43 = arith.constant 0 : i32
      %dma_start3A_44 = tpu.memref_slice %arg14[%add3A_15, %dma_start3A_43] : memref<10240x64xf32, #tpu.memory_space<vmem_shared>> -> memref<128x64xf32, #tpu.memory_space<vmem_shared>>
      tpu.enqueue_dma source(%arg12 : memref<128x64xf32, #tpu.memory_space<vmem>>) target(%dma_start3A_44 : memref<128x64xf32, #tpu.memory_space<vmem_shared>>) target_semaphore(%run_scoped3A : memref<!tpu.dma_semaphore, #tpu.memory_space<semaphore_mem>>)
      %dma_wait3A = arith.constant 0 : i32
      %dma_wait3A_45 = tpu.memref_slice %arg14[%add3A_15, %dma_wait3A] : memref<10240x64xf32, #tpu.memory_space<vmem_shared>> -> memref<128x64xf32, #tpu.memory_space<vmem_shared>>
      %dma_wait3A_46 = arith.constant 0 : i32
      %dma_wait3A_47 = tpu.memref_slice %arg14[%add3A_15, %dma_wait3A_46] : memref<10240x64xf32, #tpu.memory_space<vmem_shared>> -> memref<128x64xf32, #tpu.memory_space<vmem_shared>>
      tpu.wait_dma2 semaphore(%run_scoped3A : memref<!tpu.dma_semaphore, #tpu.memory_space<semaphore_mem>>) src(%arg12 : memref<128x64xf32, #tpu.memory_space<vmem>>) dst(%dma_wait3A_47 : memref<128x64xf32, #tpu.memory_space<vmem_shared>>)
      tpu.yield
    }) : () -> ()
    %mul3A_16 = arith.constant 640 : i32
    %mul3A_17 = arith.muli %arg1, %mul3A_16 : i32
    %add3A_18 = arith.constant 384 : i32
    %add3A_19 = arith.addi %mul3A_17, %add3A_18 : i32
    "tpu.region"() ({
      %run_scoped3A = tpu.sem_alloc : memref<!tpu.dma_semaphore, #tpu.memory_space<semaphore_mem>>
      %dma_start3A = arith.constant 0 : i32
      %dma_start3A_42 = tpu.memref_slice %arg14[%add3A_19, %dma_start3A] : memref<10240x64xf32, #tpu.memory_space<vmem_shared>> -> memref<128x64xf32, #tpu.memory_space<vmem_shared>>
      %dma_start3A_43 = arith.constant 0 : i32
      %dma_start3A_44 = tpu.memref_slice %arg14[%add3A_19, %dma_start3A_43] : memref<10240x64xf32, #tpu.memory_space<vmem_shared>> -> memref<128x64xf32, #tpu.memory_space<vmem_shared>>
      tpu.enqueue_dma source(%arg12 : memref<128x64xf32, #tpu.memory_space<vmem>>) target(%dma_start3A_44 : memref<128x64xf32, #tpu.memory_space<vmem_shared>>) target_semaphore(%run_scoped3A : memref<!tpu.dma_semaphore, #tpu.memory_space<semaphore_mem>>)
      %dma_wait3A = arith.constant 0 : i32
      %dma_wait3A_45 = tpu.memref_slice %arg14[%add3A_19, %dma_wait3A] : memref<10240x64xf32, #tpu.memory_space<vmem_shared>> -> memref<128x64xf32, #tpu.memory_space<vmem_shared>>
      %dma_wait3A_46 = arith.constant 0 : i32
      %dma_wait3A_47 = tpu.memref_slice %arg14[%add3A_19, %dma_wait3A_46] : memref<10240x64xf32, #tpu.memory_space<vmem_shared>> -> memref<128x64xf32, #tpu.memory_space<vmem_shared>>
      tpu.wait_dma2 semaphore(%run_scoped3A : memref<!tpu.dma_semaphore, #tpu.memory_space<semaphore_mem>>) src(%arg12 : memref<128x64xf32, #tpu.memory_space<vmem>>) dst(%dma_wait3A_47 : memref<128x64xf32, #tpu.memory_space<vmem_shared>>)
      tpu.yield
    }) : () -> ()
    %mul3A_20 = arith.constant 640 : i32
    %mul3A_21 = arith.muli %arg1, %mul3A_20 : i32
    %add3A_22 = arith.constant 512 : i32
    %add3A_23 = arith.addi %mul3A_21, %add3A_22 : i32
    "tpu.region"() ({
      %run_scoped3A = tpu.sem_alloc : memref<!tpu.dma_semaphore, #tpu.memory_space<semaphore_mem>>
      %dma_start3A = arith.constant 0 : i32
      %dma_start3A_42 = tpu.memref_slice %arg14[%add3A_23, %dma_start3A] : memref<10240x64xf32, #tpu.memory_space<vmem_shared>> -> memref<128x64xf32, #tpu.memory_space<vmem_shared>>
      %dma_start3A_43 = arith.constant 0 : i32
      %dma_start3A_44 = tpu.memref_slice %arg14[%add3A_23, %dma_start3A_43] : memref<10240x64xf32, #tpu.memory_space<vmem_shared>> -> memref<128x64xf32, #tpu.memory_space<vmem_shared>>
      tpu.enqueue_dma source(%arg12 : memref<128x64xf32, #tpu.memory_space<vmem>>) target(%dma_start3A_44 : memref<128x64xf32, #tpu.memory_space<vmem_shared>>) target_semaphore(%run_scoped3A : memref<!tpu.dma_semaphore, #tpu.memory_space<semaphore_mem>>)
      %dma_wait3A = arith.constant 0 : i32
      %dma_wait3A_45 = tpu.memref_slice %arg14[%add3A_23, %dma_wait3A] : memref<10240x64xf32, #tpu.memory_space<vmem_shared>> -> memref<128x64xf32, #tpu.memory_space<vmem_shared>>
      %dma_wait3A_46 = arith.constant 0 : i32
      %dma_wait3A_47 = tpu.memref_slice %arg14[%add3A_23, %dma_wait3A_46] : memref<10240x64xf32, #tpu.memory_space<vmem_shared>> -> memref<128x64xf32, #tpu.memory_space<vmem_shared>>
      tpu.wait_dma2 semaphore(%run_scoped3A : memref<!tpu.dma_semaphore, #tpu.memory_space<semaphore_mem>>) src(%arg12 : memref<128x64xf32, #tpu.memory_space<vmem>>) dst(%dma_wait3A_47 : memref<128x64xf32, #tpu.memory_space<vmem_shared>>)
      tpu.yield
    }) : () -> ()
    %barrier3A = arith.constant 0 : index
    tpu.barrier barrier_id(%barrier3A)
    %eq3A = arith.constant 0 : i32
    %eq3A_24 = arith.cmpi eq, %arg0, %eq3A : i32
    %convert_element_type3A = arith.extui %eq3A_24 : i1 to i32
    %cond3A = arith.constant 0 : i32
    %cond3A_25 = arith.cmpi ne, %convert_element_type3A, %cond3A : i32
    scf.if %cond3A_25 {
      "tpu.region"() ({
        %run_scoped3A = tpu.sem_alloc : memref<!tpu.dma_semaphore, #tpu.memory_space<semaphore_mem>>
        %dma_start3A_62 = arith.constant 0 : i32
        %dma_start3A_63 = arith.constant 0 : i32
        %dma_start3A_64 = tpu.memref_slice %arg4[%arg1, %dma_start3A_62, %dma_start3A_63] : memref<16x157x128xi32, #tpu.memory_space<hbm>> -> memref<1x157x128xi32, #tpu.memory_space<hbm>>
        %dma_start3A_65 = tpu.memref_squeeze %dma_start3A_64 : memref<1x157x128xi32, #tpu.memory_space<hbm>> -> memref<157x128xi32, #tpu.memory_space<hbm>>
        %dma_start3A_66 = arith.constant 0 : i32
        %dma_start3A_67 = arith.constant 0 : i32
        %dma_start3A_68 = tpu.memref_slice %arg4[%arg1, %dma_start3A_66, %dma_start3A_67] : memref<16x157x128xi32, #tpu.memory_space<hbm>> -> memref<1x157x128xi32, #tpu.memory_space<hbm>>
        %dma_start3A_69 = tpu.memref_squeeze %dma_start3A_68 : memref<1x157x128xi32, #tpu.memory_space<hbm>> -> memref<157x128xi32, #tpu.memory_space<hbm>>
        tpu.enqueue_dma source(%dma_start3A_69 : memref<157x128xi32, #tpu.memory_space<hbm>>) target(%arg10 : memref<157x128xi32, #tpu.memory_space<vmem>>) target_semaphore(%run_scoped3A : memref<!tpu.dma_semaphore, #tpu.memory_space<semaphore_mem>>)
        %dma_wait3A = arith.constant 0 : i32
        %dma_wait3A_70 = arith.constant 0 : i32
        %dma_wait3A_71 = tpu.memref_slice %arg4[%arg1, %dma_wait3A, %dma_wait3A_70] : memref<16x157x128xi32, #tpu.memory_space<hbm>> -> memref<1x157x128xi32, #tpu.memory_space<hbm>>
        %dma_wait3A_72 = tpu.memref_squeeze %dma_wait3A_71 : memref<1x157x128xi32, #tpu.memory_space<hbm>> -> memref<157x128xi32, #tpu.memory_space<hbm>>
        %dma_wait3A_73 = arith.constant 0 : i32
        %dma_wait3A_74 = arith.constant 0 : i32
        %dma_wait3A_75 = tpu.memref_slice %arg4[%arg1, %dma_wait3A_73, %dma_wait3A_74] : memref<16x157x128xi32, #tpu.memory_space<hbm>> -> memref<1x157x128xi32, #tpu.memory_space<hbm>>
        %dma_wait3A_76 = tpu.memref_squeeze %dma_wait3A_75 : memref<1x157x128xi32, #tpu.memory_space<hbm>> -> memref<157x128xi32, #tpu.memory_space<hbm>>
        tpu.wait_dma2 semaphore(%run_scoped3A : memref<!tpu.dma_semaphore, #tpu.memory_space<semaphore_mem>>) src(%dma_wait3A_76 : memref<157x128xi32, #tpu.memory_space<hbm>>) dst(%arg10 : memref<157x128xi32, #tpu.memory_space<vmem>>)
        tpu.yield
      }) : () -> ()
      "tpu.region"() ({
        %run_scoped3A = tpu.sem_alloc : memref<!tpu.dma_semaphore, #tpu.memory_space<semaphore_mem>>
        %dma_start3A_62 = arith.constant 0 : i32
        %dma_start3A_63 = arith.constant 0 : i32
        %dma_start3A_64 = tpu.memref_slice %arg5[%arg1, %dma_start3A_62, %dma_start3A_63] : memref<16x157x128xi32, #tpu.memory_space<hbm>> -> memref<1x157x128xi32, #tpu.memory_space<hbm>>
        %dma_start3A_65 = tpu.memref_squeeze %dma_start3A_64 : memref<1x157x128xi32, #tpu.memory_space<hbm>> -> memref<157x128xi32, #tpu.memory_space<hbm>>
        %dma_start3A_66 = arith.constant 0 : i32
        %dma_start3A_67 = arith.constant 0 : i32
        %dma_start3A_68 = tpu.memref_slice %arg5[%arg1, %dma_start3A_66, %dma_start3A_67] : memref<16x157x128xi32, #tpu.memory_space<hbm>> -> memref<1x157x128xi32, #tpu.memory_space<hbm>>
        %dma_start3A_69 = tpu.memref_squeeze %dma_start3A_68 : memref<1x157x128xi32, #tpu.memory_space<hbm>> -> memref<157x128xi32, #tpu.memory_space<hbm>>
        tpu.enqueue_dma source(%dma_start3A_69 : memref<157x128xi32, #tpu.memory_space<hbm>>) target(%arg11 : memref<157x128xi32, #tpu.memory_space<vmem>>) target_semaphore(%run_scoped3A : memref<!tpu.dma_semaphore, #tpu.memory_space<semaphore_mem>>)
        %dma_wait3A = arith.constant 0 : i32
        %dma_wait3A_70 = arith.constant 0 : i32
        %dma_wait3A_71 = tpu.memref_slice %arg5[%arg1, %dma_wait3A, %dma_wait3A_70] : memref<16x157x128xi32, #tpu.memory_space<hbm>> -> memref<1x157x128xi32, #tpu.memory_space<hbm>>
        %dma_wait3A_72 = tpu.memref_squeeze %dma_wait3A_71 : memref<1x157x128xi32, #tpu.memory_space<hbm>> -> memref<157x128xi32, #tpu.memory_space<hbm>>
        %dma_wait3A_73 = arith.constant 0 : i32
        %dma_wait3A_74 = arith.constant 0 : i32
        %dma_wait3A_75 = tpu.memref_slice %arg5[%arg1, %dma_wait3A_73, %dma_wait3A_74] : memref<16x157x128xi32, #tpu.memory_space<hbm>> -> memref<1x157x128xi32, #tpu.memory_space<hbm>>
        %dma_wait3A_76 = tpu.memref_squeeze %dma_wait3A_75 : memref<1x157x128xi32, #tpu.memory_space<hbm>> -> memref<157x128xi32, #tpu.memory_space<hbm>>
        tpu.wait_dma2 semaphore(%run_scoped3A : memref<!tpu.dma_semaphore, #tpu.memory_space<semaphore_mem>>) src(%dma_wait3A_76 : memref<157x128xi32, #tpu.memory_space<hbm>>) dst(%arg11 : memref<157x128xi32, #tpu.memory_space<vmem>>)
        tpu.yield
      }) : () -> ()
      %dma_start3A = arith.constant 0 : i32
      %dma_start3A_42 = arith.constant 0 : i32
      %dma_start3A_43 = tpu.memref_slice %arg10[%dma_start3A, %dma_start3A_42] : memref<157x128xi32, #tpu.memory_space<vmem>> -> memref<1x128xi32, #tpu.memory_space<vmem>>
      %dma_start3A_44 = tpu.memref_squeeze %dma_start3A_43 : memref<1x128xi32, #tpu.memory_space<vmem>> -> memref<128xi32, #tpu.memory_space<vmem>>
      %dma_start3A_45 = arith.constant 0 : i32
      %dma_start3A_46 = arith.constant 0 : i32
      %dma_start3A_47 = tpu.memref_slice %arg2[%dma_start3A_45, %dma_start3A_46] : memref<10240x64xf32, #tpu.memory_space<hbm>> -> memref<10240x64xf32, #tpu.memory_space<hbm>>
      tpu.enqueue_indirect_dma source(%dma_start3A_47 : memref<10240x64xf32, #tpu.memory_space<hbm>>) target(%arg12 : memref<128x64xf32, #tpu.memory_space<vmem>>) offsets(%dma_start3A_44 : memref<128xi32, #tpu.memory_space<vmem>>) semaphore(%arg15 : memref<!tpu.dma_semaphore, #tpu.memory_space<semaphore_mem>>)
      %dma_start3A_48 = arith.constant 1 : i32
      %dma_start3A_49 = arith.constant 0 : i32
      %dma_start3A_50 = tpu.memref_slice %arg10[%dma_start3A_48, %dma_start3A_49] : memref<157x128xi32, #tpu.memory_space<vmem>> -> memref<1x128xi32, #tpu.memory_space<vmem>>
      %dma_start3A_51 = tpu.memref_squeeze %dma_start3A_50 : memref<1x128xi32, #tpu.memory_space<vmem>> -> memref<128xi32, #tpu.memory_space<vmem>>
      %dma_start3A_52 = arith.constant 0 : i32
      %dma_start3A_53 = arith.constant 0 : i32
      %dma_start3A_54 = tpu.memref_slice %arg2[%dma_start3A_52, %dma_start3A_53] : memref<10240x64xf32, #tpu.memory_space<hbm>> -> memref<10240x64xf32, #tpu.memory_space<hbm>>
      tpu.enqueue_indirect_dma source(%dma_start3A_54 : memref<10240x64xf32, #tpu.memory_space<hbm>>) target(%arg13 : memref<128x64xf32, #tpu.memory_space<vmem>>) offsets(%dma_start3A_51 : memref<128xi32, #tpu.memory_space<vmem>>) semaphore(%arg16 : memref<!tpu.dma_semaphore, #tpu.memory_space<semaphore_mem>>)
      %scan3A_55 = arith.constant 0 : i32
      %scan3A_56 = arith.constant 0 : i32
      %scan3A_57 = arith.constant 79 : i32
      %scan3A_58 = arith.addi %scan3A_56, %scan3A_57 : i32
      %scan3A_59 = arith.constant 1 : i32
      %scan3A_60 = scf.for %scan3A_62 = %scan3A_56 to %scan3A_58 step %scan3A_59 iter_args(%scan3A_63 = %scan3A_55) -> (i32)  : i32 {
        %mul3A_64 = arith.constant 2 : i32
        %mul3A_65 = arith.muli %mul3A_64, %scan3A_62 : i32
        %dma_wait3A = arith.constant 0 : i32
        %dma_wait3A_66 = tpu.memref_slice %arg10[%mul3A_65, %dma_wait3A] : memref<157x128xi32, #tpu.memory_space<vmem>> -> memref<1x128xi32, #tpu.memory_space<vmem>>
        %dma_wait3A_67 = tpu.memref_squeeze %dma_wait3A_66 : memref<1x128xi32, #tpu.memory_space<vmem>> -> memref<128xi32, #tpu.memory_space<vmem>>
        %dma_wait3A_68 = arith.constant 0 : i32
        %dma_wait3A_69 = arith.constant 0 : i32
        %dma_wait3A_70 = tpu.memref_slice %arg2[%dma_wait3A_68, %dma_wait3A_69] : memref<10240x64xf32, #tpu.memory_space<hbm>> -> memref<10240x64xf32, #tpu.memory_space<hbm>>
        tpu.wait_indirect_dma semaphore(%arg15 : memref<!tpu.dma_semaphore, #tpu.memory_space<semaphore_mem>>) src(%dma_wait3A_70 : memref<10240x64xf32, #tpu.memory_space<hbm>>) dst(%arg12 : memref<128x64xf32, #tpu.memory_space<vmem>>)
        "tpu.region"() ({
          %run_scoped3A = tpu.sem_alloc : memref<!tpu.dma_semaphore, #tpu.memory_space<semaphore_mem>>
          %dma_start3A_92 = arith.constant 0 : i32
          %dma_start3A_93 = tpu.memref_slice %arg11[%mul3A_65, %dma_start3A_92] : memref<157x128xi32, #tpu.memory_space<vmem>> -> memref<1x128xi32, #tpu.memory_space<vmem>>
          %dma_start3A_94 = tpu.memref_squeeze %dma_start3A_93 : memref<1x128xi32, #tpu.memory_space<vmem>> -> memref<128xi32, #tpu.memory_space<vmem>>
          %dma_start3A_95 = arith.constant 0 : i32
          %dma_start3A_96 = arith.constant 0 : i32
          %dma_start3A_97 = tpu.memref_slice %arg14[%dma_start3A_95, %dma_start3A_96] : memref<10240x64xf32, #tpu.memory_space<vmem_shared>> -> memref<10240x64xf32, #tpu.memory_space<vmem_shared>>
          tpu.enqueue_indirect_dma source(%arg12 : memref<128x64xf32, #tpu.memory_space<vmem>>) target(%dma_start3A_97 : memref<10240x64xf32, #tpu.memory_space<vmem_shared>>) offsets(%dma_start3A_94 : memref<128xi32, #tpu.memory_space<vmem>>) semaphore(%run_scoped3A : memref<!tpu.dma_semaphore, #tpu.memory_space<semaphore_mem>>) {add = true}
          %dma_wait3A_98 = arith.constant 0 : i32
          %dma_wait3A_99 = tpu.memref_slice %arg11[%mul3A_65, %dma_wait3A_98] : memref<157x128xi32, #tpu.memory_space<vmem>> -> memref<1x128xi32, #tpu.memory_space<vmem>>
          %dma_wait3A_100 = tpu.memref_squeeze %dma_wait3A_99 : memref<1x128xi32, #tpu.memory_space<vmem>> -> memref<128xi32, #tpu.memory_space<vmem>>
          %dma_wait3A_101 = arith.constant 0 : i32
          %dma_wait3A_102 = arith.constant 0 : i32
          %dma_wait3A_103 = tpu.memref_slice %arg14[%dma_wait3A_101, %dma_wait3A_102] : memref<10240x64xf32, #tpu.memory_space<vmem_shared>> -> memref<10240x64xf32, #tpu.memory_space<vmem_shared>>
          tpu.wait_indirect_dma semaphore(%run_scoped3A : memref<!tpu.dma_semaphore, #tpu.memory_space<semaphore_mem>>) src(%arg12 : memref<128x64xf32, #tpu.memory_space<vmem>>) dst(%dma_wait3A_103 : memref<10240x64xf32, #tpu.memory_space<vmem_shared>>)
          tpu.yield
        }) : () -> ()
        %add3A_71 = arith.constant 2 : i32
        %add3A_72 = arith.addi %mul3A_65, %add3A_71 : i32
        %lt3A = arith.constant 157 : i32
        %lt3A_73 = arith.cmpi slt, %add3A_72, %lt3A : i32
        %convert_element_type3A_74 = arith.extui %lt3A_73 : i1 to i32
        %cond3A_75 = arith.constant 0 : i32
        %cond3A_76 = arith.cmpi ne, %convert_element_type3A_74, %cond3A_75 : i32
        scf.if %cond3A_76 {
          %add3A_92 = arith.constant 2 : i32
          %add3A_93 = arith.addi %mul3A_65, %add3A_92 : i32
          %dma_start3A_94 = arith.constant 0 : i32
          %dma_start3A_95 = tpu.memref_slice %arg10[%add3A_93, %dma_start3A_94] : memref<157x128xi32, #tpu.memory_space<vmem>> -> memref<1x128xi32, #tpu.memory_space<vmem>>
          %dma_start3A_96 = tpu.memref_squeeze %dma_start3A_95 : memref<1x128xi32, #tpu.memory_space<vmem>> -> memref<128xi32, #tpu.memory_space<vmem>>
          %dma_start3A_97 = arith.constant 0 : i32
          %dma_start3A_98 = arith.constant 0 : i32
          %dma_start3A_99 = tpu.memref_slice %arg2[%dma_start3A_97, %dma_start3A_98] : memref<10240x64xf32, #tpu.memory_space<hbm>> -> memref<10240x64xf32, #tpu.memory_space<hbm>>
          tpu.enqueue_indirect_dma source(%dma_start3A_99 : memref<10240x64xf32, #tpu.memory_space<hbm>>) target(%arg12 : memref<128x64xf32, #tpu.memory_space<vmem>>) offsets(%dma_start3A_96 : memref<128xi32, #tpu.memory_space<vmem>>) semaphore(%arg15 : memref<!tpu.dma_semaphore, #tpu.memory_space<semaphore_mem>>)
        } else {
        }
        %add3A_77 = arith.constant 1 : i32
        %add3A_78 = arith.addi %mul3A_65, %add3A_77 : i32
        %lt3A_79 = arith.constant 157 : i32
        %lt3A_80 = arith.cmpi slt, %add3A_78, %lt3A_79 : i32
        %convert_element_type3A_81 = arith.extui %lt3A_80 : i1 to i32
        %cond3A_82 = arith.constant 0 : i32
        %cond3A_83 = arith.cmpi ne, %convert_element_type3A_81, %cond3A_82 : i32
        scf.if %cond3A_83 {
          %add3A_92 = arith.constant 1 : i32
          %add3A_93 = arith.addi %mul3A_65, %add3A_92 : i32
          %dma_wait3A_94 = arith.constant 0 : i32
          %dma_wait3A_95 = tpu.memref_slice %arg10[%add3A_93, %dma_wait3A_94] : memref<157x128xi32, #tpu.memory_space<vmem>> -> memref<1x128xi32, #tpu.memory_space<vmem>>
          %dma_wait3A_96 = tpu.memref_squeeze %dma_wait3A_95 : memref<1x128xi32, #tpu.memory_space<vmem>> -> memref<128xi32, #tpu.memory_space<vmem>>
          %dma_wait3A_97 = arith.constant 0 : i32
          %dma_wait3A_98 = arith.constant 0 : i32
          %dma_wait3A_99 = tpu.memref_slice %arg2[%dma_wait3A_97, %dma_wait3A_98] : memref<10240x64xf32, #tpu.memory_space<hbm>> -> memref<10240x64xf32, #tpu.memory_space<hbm>>
          tpu.wait_indirect_dma semaphore(%arg16 : memref<!tpu.dma_semaphore, #tpu.memory_space<semaphore_mem>>) src(%dma_wait3A_99 : memref<10240x64xf32, #tpu.memory_space<hbm>>) dst(%arg13 : memref<128x64xf32, #tpu.memory_space<vmem>>)
          %add3A_100 = arith.constant 1 : i32
          %add3A_101 = arith.addi %mul3A_65, %add3A_100 : i32
          "tpu.region"() ({
            %run_scoped3A = tpu.sem_alloc : memref<!tpu.dma_semaphore, #tpu.memory_space<semaphore_mem>>
            %dma_start3A_102 = arith.constant 0 : i32
            %dma_start3A_103 = tpu.memref_slice %arg11[%add3A_101, %dma_start3A_102] : memref<157x128xi32, #tpu.memory_space<vmem>> -> memref<1x128xi32, #tpu.memory_space<vmem>>
            %dma_start3A_104 = tpu.memref_squeeze %dma_start3A_103 : memref<1x128xi32, #tpu.memory_space<vmem>> -> memref<128xi32, #tpu.memory_space<vmem>>
            %dma_start3A_105 = arith.constant 0 : i32
            %dma_start3A_106 = arith.constant 0 : i32
            %dma_start3A_107 = tpu.memref_slice %arg14[%dma_start3A_105, %dma_start3A_106] : memref<10240x64xf32, #tpu.memory_space<vmem_shared>> -> memref<10240x64xf32, #tpu.memory_space<vmem_shared>>
            tpu.enqueue_indirect_dma source(%arg13 : memref<128x64xf32, #tpu.memory_space<vmem>>) target(%dma_start3A_107 : memref<10240x64xf32, #tpu.memory_space<vmem_shared>>) offsets(%dma_start3A_104 : memref<128xi32, #tpu.memory_space<vmem>>) semaphore(%run_scoped3A : memref<!tpu.dma_semaphore, #tpu.memory_space<semaphore_mem>>) {add = true}
            %dma_wait3A_108 = arith.constant 0 : i32
            %dma_wait3A_109 = tpu.memref_slice %arg11[%add3A_101, %dma_wait3A_108] : memref<157x128xi32, #tpu.memory_space<vmem>> -> memref<1x128xi32, #tpu.memory_space<vmem>>
            %dma_wait3A_110 = tpu.memref_squeeze %dma_wait3A_109 : memref<1x128xi32, #tpu.memory_space<vmem>> -> memref<128xi32, #tpu.memory_space<vmem>>
            %dma_wait3A_111 = arith.constant 0 : i32
            %dma_wait3A_112 = arith.constant 0 : i32
            %dma_wait3A_113 = tpu.memref_slice %arg14[%dma_wait3A_111, %dma_wait3A_112] : memref<10240x64xf32, #tpu.memory_space<vmem_shared>> -> memref<10240x64xf32, #tpu.memory_space<vmem_shared>>
            tpu.wait_indirect_dma semaphore(%run_scoped3A : memref<!tpu.dma_semaphore, #tpu.memory_space<semaphore_mem>>) src(%arg13 : memref<128x64xf32, #tpu.memory_space<vmem>>) dst(%dma_wait3A_113 : memref<10240x64xf32, #tpu.memory_space<vmem_shared>>)
            tpu.yield
          }) : () -> ()
        } else {
        }
        %add3A_84 = arith.constant 3 : i32
        %add3A_85 = arith.addi %mul3A_65, %add3A_84 : i32
        %lt3A_86 = arith.constant 157 : i32
        %lt3A_87 = arith.cmpi slt, %add3A_85, %lt3A_86 : i32
        %convert_element_type3A_88 = arith.extui %lt3A_87 : i1 to i32
        %cond3A_89 = arith.constant 0 : i32
        %cond3A_90 = arith.cmpi ne, %convert_element_type3A_88, %cond3A_89 : i32
        scf.if %cond3A_90 {
          %add3A_92 = arith.constant 3 : i32
          %add3A_93 = arith.addi %mul3A_65, %add3A_92 : i32
          %dma_start3A_94 = arith.constant 0 : i32
          %dma_start3A_95 = tpu.memref_slice %arg10[%add3A_93, %dma_start3A_94] : memref<157x128xi32, #tpu.memory_space<vmem>> -> memref<1x128xi32, #tpu.memory_space<vmem>>
          %dma_start3A_96 = tpu.memref_squeeze %dma_start3A_95 : memref<1x128xi32, #tpu.memory_space<vmem>> -> memref<128xi32, #tpu.memory_space<vmem>>
          %dma_start3A_97 = arith.constant 0 : i32
          %dma_start3A_98 = arith.constant 0 : i32
          %dma_start3A_99 = tpu.memref_slice %arg2[%dma_start3A_97, %dma_start3A_98] : memref<10240x64xf32, #tpu.memory_space<hbm>> -> memref<10240x64xf32, #tpu.memory_space<hbm>>
          tpu.enqueue_indirect_dma source(%dma_start3A_99 : memref<10240x64xf32, #tpu.memory_space<hbm>>) target(%arg13 : memref<128x64xf32, #tpu.memory_space<vmem>>) offsets(%dma_start3A_96 : memref<128xi32, #tpu.memory_space<vmem>>) semaphore(%arg16 : memref<!tpu.dma_semaphore, #tpu.memory_space<semaphore_mem>>)
        } else {
        }
        %scan3A_91 = arith.constant 0 : i32
        scf.yield %scan3A_91 : i32
      }
      %scan3A_61 = arith.constant 79 : i32
    } else {
    }
    %eq3A_26 = arith.constant 1 : i32
    %eq3A_27 = arith.cmpi eq, %arg0, %eq3A_26 : i32
    %convert_element_type3A_28 = arith.extui %eq3A_27 : i1 to i32
    %cond3A_29 = arith.constant 0 : i32
    %cond3A_30 = arith.cmpi ne, %convert_element_type3A_28, %cond3A_29 : i32
    scf.if %cond3A_30 {
      "tpu.region"() ({
        %run_scoped3A = tpu.sem_alloc : memref<!tpu.dma_semaphore, #tpu.memory_space<semaphore_mem>>
        %dma_start3A_62 = arith.constant 0 : i32
        %dma_start3A_63 = arith.constant 0 : i32
        %dma_start3A_64 = tpu.memref_slice %arg6[%arg1, %dma_start3A_62, %dma_start3A_63] : memref<16x157x128xi32, #tpu.memory_space<hbm>> -> memref<1x157x128xi32, #tpu.memory_space<hbm>>
        %dma_start3A_65 = tpu.memref_squeeze %dma_start3A_64 : memref<1x157x128xi32, #tpu.memory_space<hbm>> -> memref<157x128xi32, #tpu.memory_space<hbm>>
        %dma_start3A_66 = arith.constant 0 : i32
        %dma_start3A_67 = arith.constant 0 : i32
        %dma_start3A_68 = tpu.memref_slice %arg6[%arg1, %dma_start3A_66, %dma_start3A_67] : memref<16x157x128xi32, #tpu.memory_space<hbm>> -> memref<1x157x128xi32, #tpu.memory_space<hbm>>
        %dma_start3A_69 = tpu.memref_squeeze %dma_start3A_68 : memref<1x157x128xi32, #tpu.memory_space<hbm>> -> memref<157x128xi32, #tpu.memory_space<hbm>>
        tpu.enqueue_dma source(%dma_start3A_69 : memref<157x128xi32, #tpu.memory_space<hbm>>) target(%arg10 : memref<157x128xi32, #tpu.memory_space<vmem>>) target_semaphore(%run_scoped3A : memref<!tpu.dma_semaphore, #tpu.memory_space<semaphore_mem>>)
        %dma_wait3A = arith.constant 0 : i32
        %dma_wait3A_70 = arith.constant 0 : i32
        %dma_wait3A_71 = tpu.memref_slice %arg6[%arg1, %dma_wait3A, %dma_wait3A_70] : memref<16x157x128xi32, #tpu.memory_space<hbm>> -> memref<1x157x128xi32, #tpu.memory_space<hbm>>
        %dma_wait3A_72 = tpu.memref_squeeze %dma_wait3A_71 : memref<1x157x128xi32, #tpu.memory_space<hbm>> -> memref<157x128xi32, #tpu.memory_space<hbm>>
        %dma_wait3A_73 = arith.constant 0 : i32
        %dma_wait3A_74 = arith.constant 0 : i32
        %dma_wait3A_75 = tpu.memref_slice %arg6[%arg1, %dma_wait3A_73, %dma_wait3A_74] : memref<16x157x128xi32, #tpu.memory_space<hbm>> -> memref<1x157x128xi32, #tpu.memory_space<hbm>>
        %dma_wait3A_76 = tpu.memref_squeeze %dma_wait3A_75 : memref<1x157x128xi32, #tpu.memory_space<hbm>> -> memref<157x128xi32, #tpu.memory_space<hbm>>
        tpu.wait_dma2 semaphore(%run_scoped3A : memref<!tpu.dma_semaphore, #tpu.memory_space<semaphore_mem>>) src(%dma_wait3A_76 : memref<157x128xi32, #tpu.memory_space<hbm>>) dst(%arg10 : memref<157x128xi32, #tpu.memory_space<vmem>>)
        tpu.yield
      }) : () -> ()
      "tpu.region"() ({
        %run_scoped3A = tpu.sem_alloc : memref<!tpu.dma_semaphore, #tpu.memory_space<semaphore_mem>>
        %dma_start3A_62 = arith.constant 0 : i32
        %dma_start3A_63 = arith.constant 0 : i32
        %dma_start3A_64 = tpu.memref_slice %arg7[%arg1, %dma_start3A_62, %dma_start3A_63] : memref<16x157x128xi32, #tpu.memory_space<hbm>> -> memref<1x157x128xi32, #tpu.memory_space<hbm>>
        %dma_start3A_65 = tpu.memref_squeeze %dma_start3A_64 : memref<1x157x128xi32, #tpu.memory_space<hbm>> -> memref<157x128xi32, #tpu.memory_space<hbm>>
        %dma_start3A_66 = arith.constant 0 : i32
        %dma_start3A_67 = arith.constant 0 : i32
        %dma_start3A_68 = tpu.memref_slice %arg7[%arg1, %dma_start3A_66, %dma_start3A_67] : memref<16x157x128xi32, #tpu.memory_space<hbm>> -> memref<1x157x128xi32, #tpu.memory_space<hbm>>
        %dma_start3A_69 = tpu.memref_squeeze %dma_start3A_68 : memref<1x157x128xi32, #tpu.memory_space<hbm>> -> memref<157x128xi32, #tpu.memory_space<hbm>>
        tpu.enqueue_dma source(%dma_start3A_69 : memref<157x128xi32, #tpu.memory_space<hbm>>) target(%arg11 : memref<157x128xi32, #tpu.memory_space<vmem>>) target_semaphore(%run_scoped3A : memref<!tpu.dma_semaphore, #tpu.memory_space<semaphore_mem>>)
        %dma_wait3A = arith.constant 0 : i32
        %dma_wait3A_70 = arith.constant 0 : i32
        %dma_wait3A_71 = tpu.memref_slice %arg7[%arg1, %dma_wait3A, %dma_wait3A_70] : memref<16x157x128xi32, #tpu.memory_space<hbm>> -> memref<1x157x128xi32, #tpu.memory_space<hbm>>
        %dma_wait3A_72 = tpu.memref_squeeze %dma_wait3A_71 : memref<1x157x128xi32, #tpu.memory_space<hbm>> -> memref<157x128xi32, #tpu.memory_space<hbm>>
        %dma_wait3A_73 = arith.constant 0 : i32
        %dma_wait3A_74 = arith.constant 0 : i32
        %dma_wait3A_75 = tpu.memref_slice %arg7[%arg1, %dma_wait3A_73, %dma_wait3A_74] : memref<16x157x128xi32, #tpu.memory_space<hbm>> -> memref<1x157x128xi32, #tpu.memory_space<hbm>>
        %dma_wait3A_76 = tpu.memref_squeeze %dma_wait3A_75 : memref<1x157x128xi32, #tpu.memory_space<hbm>> -> memref<157x128xi32, #tpu.memory_space<hbm>>
        tpu.wait_dma2 semaphore(%run_scoped3A : memref<!tpu.dma_semaphore, #tpu.memory_space<semaphore_mem>>) src(%dma_wait3A_76 : memref<157x128xi32, #tpu.memory_space<hbm>>) dst(%arg11 : memref<157x128xi32, #tpu.memory_space<vmem>>)
        tpu.yield
      }) : () -> ()
      %dma_start3A = arith.constant 0 : i32
      %dma_start3A_42 = arith.constant 0 : i32
      %dma_start3A_43 = tpu.memref_slice %arg10[%dma_start3A, %dma_start3A_42] : memref<157x128xi32, #tpu.memory_space<vmem>> -> memref<1x128xi32, #tpu.memory_space<vmem>>
      %dma_start3A_44 = tpu.memref_squeeze %dma_start3A_43 : memref<1x128xi32, #tpu.memory_space<vmem>> -> memref<128xi32, #tpu.memory_space<vmem>>
      %dma_start3A_45 = arith.constant 0 : i32
      %dma_start3A_46 = arith.constant 0 : i32
      %dma_start3A_47 = tpu.memref_slice %arg3[%dma_start3A_45, %dma_start3A_46] : memref<10240x64xf32, #tpu.memory_space<hbm>> -> memref<10240x64xf32, #tpu.memory_space<hbm>>
      tpu.enqueue_indirect_dma source(%dma_start3A_47 : memref<10240x64xf32, #tpu.memory_space<hbm>>) target(%arg12 : memref<128x64xf32, #tpu.memory_space<vmem>>) offsets(%dma_start3A_44 : memref<128xi32, #tpu.memory_space<vmem>>) semaphore(%arg15 : memref<!tpu.dma_semaphore, #tpu.memory_space<semaphore_mem>>)
      %dma_start3A_48 = arith.constant 1 : i32
      %dma_start3A_49 = arith.constant 0 : i32
      %dma_start3A_50 = tpu.memref_slice %arg10[%dma_start3A_48, %dma_start3A_49] : memref<157x128xi32, #tpu.memory_space<vmem>> -> memref<1x128xi32, #tpu.memory_space<vmem>>
      %dma_start3A_51 = tpu.memref_squeeze %dma_start3A_50 : memref<1x128xi32, #tpu.memory_space<vmem>> -> memref<128xi32, #tpu.memory_space<vmem>>
      %dma_start3A_52 = arith.constant 0 : i32
      %dma_start3A_53 = arith.constant 0 : i32
      %dma_start3A_54 = tpu.memref_slice %arg3[%dma_start3A_52, %dma_start3A_53] : memref<10240x64xf32, #tpu.memory_space<hbm>> -> memref<10240x64xf32, #tpu.memory_space<hbm>>
      tpu.enqueue_indirect_dma source(%dma_start3A_54 : memref<10240x64xf32, #tpu.memory_space<hbm>>) target(%arg13 : memref<128x64xf32, #tpu.memory_space<vmem>>) offsets(%dma_start3A_51 : memref<128xi32, #tpu.memory_space<vmem>>) semaphore(%arg16 : memref<!tpu.dma_semaphore, #tpu.memory_space<semaphore_mem>>)
      %scan3A_55 = arith.constant 0 : i32
      %scan3A_56 = arith.constant 0 : i32
      %scan3A_57 = arith.constant 79 : i32
      %scan3A_58 = arith.addi %scan3A_56, %scan3A_57 : i32
      %scan3A_59 = arith.constant 1 : i32
      %scan3A_60 = scf.for %scan3A_62 = %scan3A_56 to %scan3A_58 step %scan3A_59 iter_args(%scan3A_63 = %scan3A_55) -> (i32)  : i32 {
        %mul3A_64 = arith.constant 2 : i32
        %mul3A_65 = arith.muli %mul3A_64, %scan3A_62 : i32
        %dma_wait3A = arith.constant 0 : i32
        %dma_wait3A_66 = tpu.memref_slice %arg10[%mul3A_65, %dma_wait3A] : memref<157x128xi32, #tpu.memory_space<vmem>> -> memref<1x128xi32, #tpu.memory_space<vmem>>
        %dma_wait3A_67 = tpu.memref_squeeze %dma_wait3A_66 : memref<1x128xi32, #tpu.memory_space<vmem>> -> memref<128xi32, #tpu.memory_space<vmem>>
        %dma_wait3A_68 = arith.constant 0 : i32
        %dma_wait3A_69 = arith.constant 0 : i32
        %dma_wait3A_70 = tpu.memref_slice %arg3[%dma_wait3A_68, %dma_wait3A_69] : memref<10240x64xf32, #tpu.memory_space<hbm>> -> memref<10240x64xf32, #tpu.memory_space<hbm>>
        tpu.wait_indirect_dma semaphore(%arg15 : memref<!tpu.dma_semaphore, #tpu.memory_space<semaphore_mem>>) src(%dma_wait3A_70 : memref<10240x64xf32, #tpu.memory_space<hbm>>) dst(%arg12 : memref<128x64xf32, #tpu.memory_space<vmem>>)
        "tpu.region"() ({
          %run_scoped3A = tpu.sem_alloc : memref<!tpu.dma_semaphore, #tpu.memory_space<semaphore_mem>>
          %dma_start3A_92 = arith.constant 0 : i32
          %dma_start3A_93 = tpu.memref_slice %arg11[%mul3A_65, %dma_start3A_92] : memref<157x128xi32, #tpu.memory_space<vmem>> -> memref<1x128xi32, #tpu.memory_space<vmem>>
          %dma_start3A_94 = tpu.memref_squeeze %dma_start3A_93 : memref<1x128xi32, #tpu.memory_space<vmem>> -> memref<128xi32, #tpu.memory_space<vmem>>
          %dma_start3A_95 = arith.constant 0 : i32
          %dma_start3A_96 = arith.constant 0 : i32
          %dma_start3A_97 = tpu.memref_slice %arg14[%dma_start3A_95, %dma_start3A_96] : memref<10240x64xf32, #tpu.memory_space<vmem_shared>> -> memref<10240x64xf32, #tpu.memory_space<vmem_shared>>
          tpu.enqueue_indirect_dma source(%arg12 : memref<128x64xf32, #tpu.memory_space<vmem>>) target(%dma_start3A_97 : memref<10240x64xf32, #tpu.memory_space<vmem_shared>>) offsets(%dma_start3A_94 : memref<128xi32, #tpu.memory_space<vmem>>) semaphore(%run_scoped3A : memref<!tpu.dma_semaphore, #tpu.memory_space<semaphore_mem>>) {add = true}
          %dma_wait3A_98 = arith.constant 0 : i32
          %dma_wait3A_99 = tpu.memref_slice %arg11[%mul3A_65, %dma_wait3A_98] : memref<157x128xi32, #tpu.memory_space<vmem>> -> memref<1x128xi32, #tpu.memory_space<vmem>>
          %dma_wait3A_100 = tpu.memref_squeeze %dma_wait3A_99 : memref<1x128xi32, #tpu.memory_space<vmem>> -> memref<128xi32, #tpu.memory_space<vmem>>
          %dma_wait3A_101 = arith.constant 0 : i32
          %dma_wait3A_102 = arith.constant 0 : i32
          %dma_wait3A_103 = tpu.memref_slice %arg14[%dma_wait3A_101, %dma_wait3A_102] : memref<10240x64xf32, #tpu.memory_space<vmem_shared>> -> memref<10240x64xf32, #tpu.memory_space<vmem_shared>>
          tpu.wait_indirect_dma semaphore(%run_scoped3A : memref<!tpu.dma_semaphore, #tpu.memory_space<semaphore_mem>>) src(%arg12 : memref<128x64xf32, #tpu.memory_space<vmem>>) dst(%dma_wait3A_103 : memref<10240x64xf32, #tpu.memory_space<vmem_shared>>)
          tpu.yield
        }) : () -> ()
        %add3A_71 = arith.constant 2 : i32
        %add3A_72 = arith.addi %mul3A_65, %add3A_71 : i32
        %lt3A = arith.constant 157 : i32
        %lt3A_73 = arith.cmpi slt, %add3A_72, %lt3A : i32
        %convert_element_type3A_74 = arith.extui %lt3A_73 : i1 to i32
        %cond3A_75 = arith.constant 0 : i32
        %cond3A_76 = arith.cmpi ne, %convert_element_type3A_74, %cond3A_75 : i32
        scf.if %cond3A_76 {
          %add3A_92 = arith.constant 2 : i32
          %add3A_93 = arith.addi %mul3A_65, %add3A_92 : i32
          %dma_start3A_94 = arith.constant 0 : i32
          %dma_start3A_95 = tpu.memref_slice %arg10[%add3A_93, %dma_start3A_94] : memref<157x128xi32, #tpu.memory_space<vmem>> -> memref<1x128xi32, #tpu.memory_space<vmem>>
          %dma_start3A_96 = tpu.memref_squeeze %dma_start3A_95 : memref<1x128xi32, #tpu.memory_space<vmem>> -> memref<128xi32, #tpu.memory_space<vmem>>
          %dma_start3A_97 = arith.constant 0 : i32
          %dma_start3A_98 = arith.constant 0 : i32
          %dma_start3A_99 = tpu.memref_slice %arg3[%dma_start3A_97, %dma_start3A_98] : memref<10240x64xf32, #tpu.memory_space<hbm>> -> memref<10240x64xf32, #tpu.memory_space<hbm>>
          tpu.enqueue_indirect_dma source(%dma_start3A_99 : memref<10240x64xf32, #tpu.memory_space<hbm>>) target(%arg12 : memref<128x64xf32, #tpu.memory_space<vmem>>) offsets(%dma_start3A_96 : memref<128xi32, #tpu.memory_space<vmem>>) semaphore(%arg15 : memref<!tpu.dma_semaphore, #tpu.memory_space<semaphore_mem>>)
        } else {
        }
        %add3A_77 = arith.constant 1 : i32
        %add3A_78 = arith.addi %mul3A_65, %add3A_77 : i32
        %lt3A_79 = arith.constant 157 : i32
        %lt3A_80 = arith.cmpi slt, %add3A_78, %lt3A_79 : i32
        %convert_element_type3A_81 = arith.extui %lt3A_80 : i1 to i32
        %cond3A_82 = arith.constant 0 : i32
        %cond3A_83 = arith.cmpi ne, %convert_element_type3A_81, %cond3A_82 : i32
        scf.if %cond3A_83 {
          %add3A_92 = arith.constant 1 : i32
          %add3A_93 = arith.addi %mul3A_65, %add3A_92 : i32
          %dma_wait3A_94 = arith.constant 0 : i32
          %dma_wait3A_95 = tpu.memref_slice %arg10[%add3A_93, %dma_wait3A_94] : memref<157x128xi32, #tpu.memory_space<vmem>> -> memref<1x128xi32, #tpu.memory_space<vmem>>
          %dma_wait3A_96 = tpu.memref_squeeze %dma_wait3A_95 : memref<1x128xi32, #tpu.memory_space<vmem>> -> memref<128xi32, #tpu.memory_space<vmem>>
          %dma_wait3A_97 = arith.constant 0 : i32
          %dma_wait3A_98 = arith.constant 0 : i32
          %dma_wait3A_99 = tpu.memref_slice %arg3[%dma_wait3A_97, %dma_wait3A_98] : memref<10240x64xf32, #tpu.memory_space<hbm>> -> memref<10240x64xf32, #tpu.memory_space<hbm>>
          tpu.wait_indirect_dma semaphore(%arg16 : memref<!tpu.dma_semaphore, #tpu.memory_space<semaphore_mem>>) src(%dma_wait3A_99 : memref<10240x64xf32, #tpu.memory_space<hbm>>) dst(%arg13 : memref<128x64xf32, #tpu.memory_space<vmem>>)
          %add3A_100 = arith.constant 1 : i32
          %add3A_101 = arith.addi %mul3A_65, %add3A_100 : i32
          "tpu.region"() ({
            %run_scoped3A = tpu.sem_alloc : memref<!tpu.dma_semaphore, #tpu.memory_space<semaphore_mem>>
            %dma_start3A_102 = arith.constant 0 : i32
            %dma_start3A_103 = tpu.memref_slice %arg11[%add3A_101, %dma_start3A_102] : memref<157x128xi32, #tpu.memory_space<vmem>> -> memref<1x128xi32, #tpu.memory_space<vmem>>
            %dma_start3A_104 = tpu.memref_squeeze %dma_start3A_103 : memref<1x128xi32, #tpu.memory_space<vmem>> -> memref<128xi32, #tpu.memory_space<vmem>>
            %dma_start3A_105 = arith.constant 0 : i32
            %dma_start3A_106 = arith.constant 0 : i32
            %dma_start3A_107 = tpu.memref_slice %arg14[%dma_start3A_105, %dma_start3A_106] : memref<10240x64xf32, #tpu.memory_space<vmem_shared>> -> memref<10240x64xf32, #tpu.memory_space<vmem_shared>>
            tpu.enqueue_indirect_dma source(%arg13 : memref<128x64xf32, #tpu.memory_space<vmem>>) target(%dma_start3A_107 : memref<10240x64xf32, #tpu.memory_space<vmem_shared>>) offsets(%dma_start3A_104 : memref<128xi32, #tpu.memory_space<vmem>>) semaphore(%run_scoped3A : memref<!tpu.dma_semaphore, #tpu.memory_space<semaphore_mem>>) {add = true}
            %dma_wait3A_108 = arith.constant 0 : i32
            %dma_wait3A_109 = tpu.memref_slice %arg11[%add3A_101, %dma_wait3A_108] : memref<157x128xi32, #tpu.memory_space<vmem>> -> memref<1x128xi32, #tpu.memory_space<vmem>>
            %dma_wait3A_110 = tpu.memref_squeeze %dma_wait3A_109 : memref<1x128xi32, #tpu.memory_space<vmem>> -> memref<128xi32, #tpu.memory_space<vmem>>
            %dma_wait3A_111 = arith.constant 0 : i32
            %dma_wait3A_112 = arith.constant 0 : i32
            %dma_wait3A_113 = tpu.memref_slice %arg14[%dma_wait3A_111, %dma_wait3A_112] : memref<10240x64xf32, #tpu.memory_space<vmem_shared>> -> memref<10240x64xf32, #tpu.memory_space<vmem_shared>>
            tpu.wait_indirect_dma semaphore(%run_scoped3A : memref<!tpu.dma_semaphore, #tpu.memory_space<semaphore_mem>>) src(%arg13 : memref<128x64xf32, #tpu.memory_space<vmem>>) dst(%dma_wait3A_113 : memref<10240x64xf32, #tpu.memory_space<vmem_shared>>)
            tpu.yield
          }) : () -> ()
        } else {
        }
        %add3A_84 = arith.constant 3 : i32
        %add3A_85 = arith.addi %mul3A_65, %add3A_84 : i32
        %lt3A_86 = arith.constant 157 : i32
        %lt3A_87 = arith.cmpi slt, %add3A_85, %lt3A_86 : i32
        %convert_element_type3A_88 = arith.extui %lt3A_87 : i1 to i32
        %cond3A_89 = arith.constant 0 : i32
        %cond3A_90 = arith.cmpi ne, %convert_element_type3A_88, %cond3A_89 : i32
        scf.if %cond3A_90 {
          %add3A_92 = arith.constant 3 : i32
          %add3A_93 = arith.addi %mul3A_65, %add3A_92 : i32
          %dma_start3A_94 = arith.constant 0 : i32
          %dma_start3A_95 = tpu.memref_slice %arg10[%add3A_93, %dma_start3A_94] : memref<157x128xi32, #tpu.memory_space<vmem>> -> memref<1x128xi32, #tpu.memory_space<vmem>>
          %dma_start3A_96 = tpu.memref_squeeze %dma_start3A_95 : memref<1x128xi32, #tpu.memory_space<vmem>> -> memref<128xi32, #tpu.memory_space<vmem>>
          %dma_start3A_97 = arith.constant 0 : i32
          %dma_start3A_98 = arith.constant 0 : i32
          %dma_start3A_99 = tpu.memref_slice %arg3[%dma_start3A_97, %dma_start3A_98] : memref<10240x64xf32, #tpu.memory_space<hbm>> -> memref<10240x64xf32, #tpu.memory_space<hbm>>
          tpu.enqueue_indirect_dma source(%dma_start3A_99 : memref<10240x64xf32, #tpu.memory_space<hbm>>) target(%arg13 : memref<128x64xf32, #tpu.memory_space<vmem>>) offsets(%dma_start3A_96 : memref<128xi32, #tpu.memory_space<vmem>>) semaphore(%arg16 : memref<!tpu.dma_semaphore, #tpu.memory_space<semaphore_mem>>)
        } else {
        }
        %scan3A_91 = arith.constant 0 : i32
        scf.yield %scan3A_91 : i32
      }
      %scan3A_61 = arith.constant 79 : i32
    } else {
    }
    %barrier3A_31 = arith.constant 0 : index
    tpu.barrier barrier_id(%barrier3A_31)
    %eq3A_32 = arith.constant 0 : i32
    %eq3A_33 = arith.cmpi eq, %arg0, %eq3A_32 : i32
    %convert_element_type3A_34 = arith.extui %eq3A_33 : i1 to i32
    %cond3A_35 = arith.constant 0 : i32
    %cond3A_36 = arith.cmpi ne, %convert_element_type3A_34, %cond3A_35 : i32
    scf.if %cond3A_36 {
      %mul3A_42 = arith.constant 640 : i32
      %mul3A_43 = arith.muli %arg1, %mul3A_42 : i32
      %mul3A_44 = arith.constant 640 : i32
      %mul3A_45 = arith.muli %arg1, %mul3A_44 : i32
      "tpu.region"() ({
        %run_scoped3A = tpu.sem_alloc : memref<!tpu.dma_semaphore, #tpu.memory_space<semaphore_mem>>
        %dma_start3A = arith.constant 0 : i32
        %dma_start3A_46 = tpu.memref_slice %arg8[%mul3A_45, %dma_start3A] : memref<10240x64xf32, #tpu.memory_space<hbm>> -> memref<640x64xf32, #tpu.memory_space<hbm>>
        %dma_start3A_47 = arith.constant 0 : i32
        %dma_start3A_48 = tpu.memref_slice %arg14[%mul3A_43, %dma_start3A_47] : memref<10240x64xf32, #tpu.memory_space<vmem_shared>> -> memref<640x64xf32, #tpu.memory_space<vmem_shared>>
        tpu.enqueue_dma source(%dma_start3A_48 : memref<640x64xf32, #tpu.memory_space<vmem_shared>>) target(%dma_start3A_46 : memref<640x64xf32, #tpu.memory_space<hbm>>) target_semaphore(%run_scoped3A : memref<!tpu.dma_semaphore, #tpu.memory_space<semaphore_mem>>)
        %dma_wait3A = arith.constant 0 : i32
        %dma_wait3A_49 = tpu.memref_slice %arg8[%mul3A_45, %dma_wait3A] : memref<10240x64xf32, #tpu.memory_space<hbm>> -> memref<640x64xf32, #tpu.memory_space<hbm>>
        %dma_wait3A_50 = arith.constant 0 : i32
        %dma_wait3A_51 = tpu.memref_slice %arg14[%mul3A_43, %dma_wait3A_50] : memref<10240x64xf32, #tpu.memory_space<vmem_shared>> -> memref<640x64xf32, #tpu.memory_space<vmem_shared>>
        tpu.wait_dma2 semaphore(%run_scoped3A : memref<!tpu.dma_semaphore, #tpu.memory_space<semaphore_mem>>) src(%dma_wait3A_51 : memref<640x64xf32, #tpu.memory_space<vmem_shared>>) dst(%dma_wait3A_49 : memref<640x64xf32, #tpu.memory_space<hbm>>)
        tpu.yield
      }) : () -> ()
    } else {
    }
    %eq3A_37 = arith.constant 1 : i32
    %eq3A_38 = arith.cmpi eq, %arg0, %eq3A_37 : i32
    %convert_element_type3A_39 = arith.extui %eq3A_38 : i1 to i32
    %cond3A_40 = arith.constant 0 : i32
    %cond3A_41 = arith.cmpi ne, %convert_element_type3A_39, %cond3A_40 : i32
    scf.if %cond3A_41 {
      %mul3A_42 = arith.constant 640 : i32
      %mul3A_43 = arith.muli %arg1, %mul3A_42 : i32
      %mul3A_44 = arith.constant 640 : i32
      %mul3A_45 = arith.muli %arg1, %mul3A_44 : i32
      "tpu.region"() ({
        %run_scoped3A = tpu.sem_alloc : memref<!tpu.dma_semaphore, #tpu.memory_space<semaphore_mem>>
        %dma_start3A = arith.constant 0 : i32
        %dma_start3A_46 = tpu.memref_slice %arg9[%mul3A_45, %dma_start3A] : memref<10240x64xf32, #tpu.memory_space<hbm>> -> memref<640x64xf32, #tpu.memory_space<hbm>>
        %dma_start3A_47 = arith.constant 0 : i32
        %dma_start3A_48 = tpu.memref_slice %arg14[%mul3A_43, %dma_start3A_47] : memref<10240x64xf32, #tpu.memory_space<vmem_shared>> -> memref<640x64xf32, #tpu.memory_space<vmem_shared>>
        tpu.enqueue_dma source(%dma_start3A_48 : memref<640x64xf32, #tpu.memory_space<vmem_shared>>) target(%dma_start3A_46 : memref<640x64xf32, #tpu.memory_space<hbm>>) target_semaphore(%run_scoped3A : memref<!tpu.dma_semaphore, #tpu.memory_space<semaphore_mem>>)
        %dma_wait3A = arith.constant 0 : i32
        %dma_wait3A_49 = tpu.memref_slice %arg9[%mul3A_45, %dma_wait3A] : memref<10240x64xf32, #tpu.memory_space<hbm>> -> memref<640x64xf32, #tpu.memory_space<hbm>>
        %dma_wait3A_50 = arith.constant 0 : i32
        %dma_wait3A_51 = tpu.memref_slice %arg14[%mul3A_43, %dma_wait3A_50] : memref<10240x64xf32, #tpu.memory_space<vmem_shared>> -> memref<640x64xf32, #tpu.memory_space<vmem_shared>>
        tpu.wait_dma2 semaphore(%run_scoped3A : memref<!tpu.dma_semaphore, #tpu.memory_space<semaphore_mem>>) src(%dma_wait3A_51 : memref<640x64xf32, #tpu.memory_space<vmem_shared>>) dst(%dma_wait3A_49 : memref<640x64xf32, #tpu.memory_space<hbm>>)
        tpu.yield
      }) : () -> ()
    } else {
    }
    return
  }
}

module attributes {stable_mosaic.version = 14 : i64} {
  func.func @_tc_conv_split_body(%arg0: i32, %arg1: memref<2048x64xf32, #tpu.memory_space<vmem>>, %arg2: memref<2048x64xf32, #tpu.memory_space<vmem>>, %arg3: memref<2048xf32, #tpu.memory_space<vmem>>, %arg4: memref<2048x128xf32, #tpu.memory_space<vmem>>, %arg5: memref<128x128xf32, #tpu.memory_space<vmem>>, %arg6: memref<128xf32, #tpu.memory_space<vmem>>, %arg7: memref<128x128xf32, #tpu.memory_space<vmem>>, %arg8: memref<2048x64xf32, #tpu.memory_space<vmem>>, %arg9: memref<2048x64xf32, #tpu.memory_space<vmem>>) attributes {dimension_semantics = [#tpu.dimension_semantics<arbitrary>], iteration_bounds = array<i64: 5>, scalar_prefetch = 0 : i64, scratch_operands = 0 : i64, tpu.core_type = #tpu.core_type<tc>, window_params = [{transform_indices = @transform_0, window_bounds = array<i64: 2048, 64>}, {transform_indices = @transform_1, window_bounds = array<i64: 2048, 64>}, {transform_indices = @transform_2, window_bounds = array<i64: 2048>}, {transform_indices = @transform_3, window_bounds = array<i64: 2048, 128>}, {pipeline_mode = #tpu.pipeline_mode<synchronous>, transform_indices = @transform_4, window_bounds = array<i64: 128, 128>}, {pipeline_mode = #tpu.pipeline_mode<synchronous>, transform_indices = @transform_5, window_bounds = array<i64: 128>}, {pipeline_mode = #tpu.pipeline_mode<synchronous>, transform_indices = @transform_6, window_bounds = array<i64: 128, 128>}, {transform_indices = @transform_7, window_bounds = array<i64: 2048, 64>}, {transform_indices = @transform_8, window_bounds = array<i64: 2048, 64>}]} {
    %get3A = arith.constant 0 : index
    %get3A_0 = vector.load %arg3[%get3A] : memref<2048xf32, #tpu.memory_space<vmem>>, vector<2048xf32>
    %max3A = arith.constant 1.000000e+00 : f32
    %max3A_1 = vector.broadcast %max3A : f32 to vector<2048xf32>
    %max3A_2 = arith.maximumf %get3A_0, %max3A_1 : vector<2048xf32>
    %div3A = arith.constant 1.000000e+00 : f32
    %div3A_3 = vector.broadcast %div3A : f32 to vector<2048xf32>
    %div3A_4 = arith.divf %div3A_3, %max3A_2 : vector<2048xf32>
    %get3A_5 = arith.constant 0 : index
    %get3A_6 = arith.constant 0 : index
    %get3A_7 = vector.load %arg1[%get3A_5, %get3A_6] : memref<2048x64xf32, #tpu.memory_space<vmem>>, vector<2048x64xf32>
    %get3A_8 = arith.constant 0 : index
    %get3A_9 = arith.constant 0 : index
    %get3A_10 = vector.load %arg2[%get3A_8, %get3A_9] : memref<2048x64xf32, #tpu.memory_space<vmem>>, vector<2048x64xf32>
    %concatenate3A = tpu.concatenate %get3A_7, %get3A_10 in 1 : vector<2048x64xf32>, vector<2048x64xf32> -> vector<2048x128xf32>
    %broadcast_in_dim3A = vector.shape_cast %div3A_4 : vector<2048xf32> to vector<2048x1xf32>
    %mul3A = vector.broadcast %broadcast_in_dim3A : vector<2048x1xf32> to vector<2048x128xf32>
    %mul3A_11 = arith.mulf %concatenate3A, %mul3A : vector<2048x128xf32>
    %get3A_12 = arith.constant 0 : index
    %get3A_13 = arith.constant 0 : index
    %get3A_14 = vector.load %arg5[%get3A_12, %get3A_13] : memref<128x128xf32, #tpu.memory_space<vmem>>, vector<128x128xf32>
    %transpose3A = tpu.transpose %get3A_14, [1, 0] : vector<128x128xf32> -> vector<128x128xf32>
    %dot_general3A = arith.constant dense<0.000000e+00> : vector<2048x128xf32>
    %dot_general3A_15 = tpu.matmul %mul3A_11, %transpose3A, %dot_general3A {dimension_numbers = #tpu.dot_dimension_numbers<[1], [0], [0], [1], [0, 0, 1, 1], [], []>, transpose_lhs_hint = false} : vector<2048x128xf32>, vector<128x128xf32>, vector<2048x128xf32> -> vector<2048x128xf32>
    %get3A_16 = arith.constant 0 : index
    %get3A_17 = vector.load %arg6[%get3A_16] : memref<128xf32, #tpu.memory_space<vmem>>, vector<128xf32>
    %broadcast_in_dim3A_18 = vector.shape_cast %get3A_17 : vector<128xf32> to vector<1x128xf32>
    %add3A = vector.broadcast %broadcast_in_dim3A_18 : vector<1x128xf32> to vector<2048x128xf32>
    %add3A_19 = arith.addf %dot_general3A_15, %add3A : vector<2048x128xf32>
    %get3A_20 = arith.constant 0 : index
    %get3A_21 = arith.constant 0 : index
    %get3A_22 = vector.load %arg4[%get3A_20, %get3A_21] : memref<2048x128xf32, #tpu.memory_space<vmem>>, vector<2048x128xf32>
    %get3A_23 = arith.constant 0 : index
    %get3A_24 = arith.constant 0 : index
    %get3A_25 = vector.load %arg7[%get3A_23, %get3A_24] : memref<128x128xf32, #tpu.memory_space<vmem>>, vector<128x128xf32>
    %transpose3A_26 = tpu.transpose %get3A_25, [1, 0] : vector<128x128xf32> -> vector<128x128xf32>
    %dot_general3A_27 = arith.constant dense<0.000000e+00> : vector<2048x128xf32>
    %dot_general3A_28 = tpu.matmul %get3A_22, %transpose3A_26, %dot_general3A_27 {dimension_numbers = #tpu.dot_dimension_numbers<[1], [0], [0], [1], [0, 0, 1, 1], [], []>, transpose_lhs_hint = false} : vector<2048x128xf32>, vector<128x128xf32>, vector<2048x128xf32> -> vector<2048x128xf32>
    %add3A_29 = arith.addf %add3A_19, %dot_general3A_28 : vector<2048x128xf32>
    %ge3A = arith.constant 0.000000e+00 : f32
    %ge3A_30 = vector.broadcast %ge3A : f32 to vector<2048x128xf32>
    %ge3A_31 = arith.cmpf oge, %add3A_29, %ge3A_30 : vector<2048x128xf32>
    %mul3A_32 = arith.constant 0.00999999977 : f32
    %mul3A_33 = vector.broadcast %mul3A_32 : f32 to vector<2048x128xf32>
    %mul3A_34 = arith.mulf %mul3A_33, %add3A_29 : vector<2048x128xf32>
    %select_n3A = arith.select %ge3A_31, %add3A_29, %mul3A_34 : vector<2048x128xi1>, vector<2048x128xf32>
    %slice3A = vector.extract_strided_slice %select_n3A {offsets = [0, 0], sizes = [2048, 64], strides = [1, 1]} : vector<2048x128xf32> to vector<2048x64xf32>
    %swap3A = arith.constant 0 : index
    %swap3A_35 = arith.constant 0 : index
    %swap3A_36 = vector.load %arg8[%swap3A, %swap3A_35] : memref<2048x64xf32, #tpu.memory_space<vmem>>, vector<2048x64xf32>
    tpu.vector_store %arg8[%swap3A, %swap3A_35], %slice3A {strides = array<i32>} : memref<2048x64xf32, #tpu.memory_space<vmem>>, vector<2048x64xf32>,
    %slice3A_37 = vector.extract_strided_slice %select_n3A {offsets = [0, 64], sizes = [2048, 64], strides = [1, 1]} : vector<2048x128xf32> to vector<2048x64xf32>
    %swap3A_38 = arith.constant 0 : index
    %swap3A_39 = arith.constant 0 : index
    %swap3A_40 = vector.load %arg9[%swap3A_38, %swap3A_39] : memref<2048x64xf32, #tpu.memory_space<vmem>>, vector<2048x64xf32>
    tpu.vector_store %arg9[%swap3A_38, %swap3A_39], %slice3A_37 {strides = array<i32>} : memref<2048x64xf32, #tpu.memory_space<vmem>>, vector<2048x64xf32>,
    return
  }
  func.func @transform_0(%arg0: i32) -> (i32, i32) {
    %c0_i32 = arith.constant 0 : i32
    %c0_i32_0 = arith.constant 0 : i32
    return %arg0, %c0_i32 : i32, i32
  }
  func.func @transform_1(%arg0: i32) -> (i32, i32) {
    %c0_i32 = arith.constant 0 : i32
    %c0_i32_0 = arith.constant 0 : i32
    return %arg0, %c0_i32 : i32, i32
  }
  func.func @transform_2(%arg0: i32) -> i32 {
    %c0_i32 = arith.constant 0 : i32
    return %arg0 : i32
  }
  func.func @transform_3(%arg0: i32) -> (i32, i32) {
    %c0_i32 = arith.constant 0 : i32
    %c0_i32_0 = arith.constant 0 : i32
    return %arg0, %c0_i32 : i32, i32
  }
  func.func @transform_4(%arg0: i32) -> (i32, i32) {
    %c0_i32 = arith.constant 0 : i32
    %c0_i32_0 = arith.constant 0 : i32
    %c0_i32_1 = arith.constant 0 : i32
    return %c0_i32, %c0_i32_0 : i32, i32
  }
  func.func @transform_5(%arg0: i32) -> i32 {
    %c0_i32 = arith.constant 0 : i32
    %c0_i32_0 = arith.constant 0 : i32
    return %c0_i32 : i32
  }
  func.func @transform_6(%arg0: i32) -> (i32, i32) {
    %c0_i32 = arith.constant 0 : i32
    %c0_i32_0 = arith.constant 0 : i32
    %c0_i32_1 = arith.constant 0 : i32
    return %c0_i32, %c0_i32_0 : i32, i32
  }
  func.func @transform_7(%arg0: i32) -> (i32, i32) {
    %c0_i32 = arith.constant 0 : i32
    %c0_i32_0 = arith.constant 0 : i32
    return %arg0, %c0_i32 : i32, i32
  }
  func.func @transform_8(%arg0: i32) -> (i32, i32) {
    %c0_i32 = arith.constant 0 : i32
    %c0_i32_0 = arith.constant 0 : i32
    return %arg0, %c0_i32 : i32, i32
  }
}

module attributes {stable_mosaic.version = 14 : i64} {
  func.func @_tc_conv_body(%arg0: i32, %arg1: memref<2048x64xf32, #tpu.memory_space<vmem>>, %arg2: memref<2048x64xf32, #tpu.memory_space<vmem>>, %arg3: memref<2048xf32, #tpu.memory_space<vmem>>, %arg4: memref<2048x128xf32, #tpu.memory_space<vmem>>, %arg5: memref<128x128xf32, #tpu.memory_space<vmem>>, %arg6: memref<128xf32, #tpu.memory_space<vmem>>, %arg7: memref<128x128xf32, #tpu.memory_space<vmem>>, %arg8: memref<2048x128xf32, #tpu.memory_space<vmem>>) attributes {dimension_semantics = [#tpu.dimension_semantics<arbitrary>], iteration_bounds = array<i64: 5>, scalar_prefetch = 0 : i64, scratch_operands = 0 : i64, tpu.core_type = #tpu.core_type<tc>, window_params = [{transform_indices = @transform_0, window_bounds = array<i64: 2048, 64>}, {transform_indices = @transform_1, window_bounds = array<i64: 2048, 64>}, {transform_indices = @transform_2, window_bounds = array<i64: 2048>}, {transform_indices = @transform_3, window_bounds = array<i64: 2048, 128>}, {pipeline_mode = #tpu.pipeline_mode<synchronous>, transform_indices = @transform_4, window_bounds = array<i64: 128, 128>}, {pipeline_mode = #tpu.pipeline_mode<synchronous>, transform_indices = @transform_5, window_bounds = array<i64: 128>}, {pipeline_mode = #tpu.pipeline_mode<synchronous>, transform_indices = @transform_6, window_bounds = array<i64: 128, 128>}, {transform_indices = @transform_7, window_bounds = array<i64: 2048, 128>}]} {
    %get3A = arith.constant 0 : index
    %get3A_0 = vector.load %arg3[%get3A] : memref<2048xf32, #tpu.memory_space<vmem>>, vector<2048xf32>
    %max3A = arith.constant 1.000000e+00 : f32
    %max3A_1 = vector.broadcast %max3A : f32 to vector<2048xf32>
    %max3A_2 = arith.maximumf %get3A_0, %max3A_1 : vector<2048xf32>
    %div3A = arith.constant 1.000000e+00 : f32
    %div3A_3 = vector.broadcast %div3A : f32 to vector<2048xf32>
    %div3A_4 = arith.divf %div3A_3, %max3A_2 : vector<2048xf32>
    %get3A_5 = arith.constant 0 : index
    %get3A_6 = arith.constant 0 : index
    %get3A_7 = vector.load %arg1[%get3A_5, %get3A_6] : memref<2048x64xf32, #tpu.memory_space<vmem>>, vector<2048x64xf32>
    %get3A_8 = arith.constant 0 : index
    %get3A_9 = arith.constant 0 : index
    %get3A_10 = vector.load %arg2[%get3A_8, %get3A_9] : memref<2048x64xf32, #tpu.memory_space<vmem>>, vector<2048x64xf32>
    %concatenate3A = tpu.concatenate %get3A_7, %get3A_10 in 1 : vector<2048x64xf32>, vector<2048x64xf32> -> vector<2048x128xf32>
    %broadcast_in_dim3A = vector.shape_cast %div3A_4 : vector<2048xf32> to vector<2048x1xf32>
    %mul3A = vector.broadcast %broadcast_in_dim3A : vector<2048x1xf32> to vector<2048x128xf32>
    %mul3A_11 = arith.mulf %concatenate3A, %mul3A : vector<2048x128xf32>
    %get3A_12 = arith.constant 0 : index
    %get3A_13 = arith.constant 0 : index
    %get3A_14 = vector.load %arg5[%get3A_12, %get3A_13] : memref<128x128xf32, #tpu.memory_space<vmem>>, vector<128x128xf32>
    %transpose3A = tpu.transpose %get3A_14, [1, 0] : vector<128x128xf32> -> vector<128x128xf32>
    %dot_general3A = arith.constant dense<0.000000e+00> : vector<2048x128xf32>
    %dot_general3A_15 = tpu.matmul %mul3A_11, %transpose3A, %dot_general3A {dimension_numbers = #tpu.dot_dimension_numbers<[1], [0], [0], [1], [0, 0, 1, 1], [], []>, transpose_lhs_hint = false} : vector<2048x128xf32>, vector<128x128xf32>, vector<2048x128xf32> -> vector<2048x128xf32>
    %get3A_16 = arith.constant 0 : index
    %get3A_17 = vector.load %arg6[%get3A_16] : memref<128xf32, #tpu.memory_space<vmem>>, vector<128xf32>
    %broadcast_in_dim3A_18 = vector.shape_cast %get3A_17 : vector<128xf32> to vector<1x128xf32>
    %add3A = vector.broadcast %broadcast_in_dim3A_18 : vector<1x128xf32> to vector<2048x128xf32>
    %add3A_19 = arith.addf %dot_general3A_15, %add3A : vector<2048x128xf32>
    %get3A_20 = arith.constant 0 : index
    %get3A_21 = arith.constant 0 : index
    %get3A_22 = vector.load %arg4[%get3A_20, %get3A_21] : memref<2048x128xf32, #tpu.memory_space<vmem>>, vector<2048x128xf32>
    %get3A_23 = arith.constant 0 : index
    %get3A_24 = arith.constant 0 : index
    %get3A_25 = vector.load %arg7[%get3A_23, %get3A_24] : memref<128x128xf32, #tpu.memory_space<vmem>>, vector<128x128xf32>
    %transpose3A_26 = tpu.transpose %get3A_25, [1, 0] : vector<128x128xf32> -> vector<128x128xf32>
    %dot_general3A_27 = arith.constant dense<0.000000e+00> : vector<2048x128xf32>
    %dot_general3A_28 = tpu.matmul %get3A_22, %transpose3A_26, %dot_general3A_27 {dimension_numbers = #tpu.dot_dimension_numbers<[1], [0], [0], [1], [0, 0, 1, 1], [], []>, transpose_lhs_hint = false} : vector<2048x128xf32>, vector<128x128xf32>, vector<2048x128xf32> -> vector<2048x128xf32>
    %add3A_29 = arith.addf %add3A_19, %dot_general3A_28 : vector<2048x128xf32>
    %ge3A = arith.constant 0.000000e+00 : f32
    %ge3A_30 = vector.broadcast %ge3A : f32 to vector<2048x128xf32>
    %ge3A_31 = arith.cmpf oge, %add3A_29, %ge3A_30 : vector<2048x128xf32>
    %mul3A_32 = arith.constant 0.00999999977 : f32
    %mul3A_33 = vector.broadcast %mul3A_32 : f32 to vector<2048x128xf32>
    %mul3A_34 = arith.mulf %mul3A_33, %add3A_29 : vector<2048x128xf32>
    %select_n3A = arith.select %ge3A_31, %add3A_29, %mul3A_34 : vector<2048x128xi1>, vector<2048x128xf32>
    %swap3A = arith.constant 0 : index
    %swap3A_35 = arith.constant 0 : index
    %swap3A_36 = vector.load %arg8[%swap3A, %swap3A_35] : memref<2048x128xf32, #tpu.memory_space<vmem>>, vector<2048x128xf32>
    tpu.vector_store %arg8[%swap3A, %swap3A_35], %select_n3A {strides = array<i32>} : memref<2048x128xf32, #tpu.memory_space<vmem>>, vector<2048x128xf32>,
    return
  }
  func.func @transform_0(%arg0: i32) -> (i32, i32) {
    %c0_i32 = arith.constant 0 : i32
    %c0_i32_0 = arith.constant 0 : i32
    return %arg0, %c0_i32 : i32, i32
  }
  func.func @transform_1(%arg0: i32) -> (i32, i32) {
    %c0_i32 = arith.constant 0 : i32
    %c0_i32_0 = arith.constant 0 : i32
    return %arg0, %c0_i32 : i32, i32
  }
  func.func @transform_2(%arg0: i32) -> i32 {
    %c0_i32 = arith.constant 0 : i32
    return %arg0 : i32
  }
  func.func @transform_3(%arg0: i32) -> (i32, i32) {
    %c0_i32 = arith.constant 0 : i32
    %c0_i32_0 = arith.constant 0 : i32
    return %arg0, %c0_i32 : i32, i32
  }
  func.func @transform_4(%arg0: i32) -> (i32, i32) {
    %c0_i32 = arith.constant 0 : i32
    %c0_i32_0 = arith.constant 0 : i32
    %c0_i32_1 = arith.constant 0 : i32
    return %c0_i32, %c0_i32_0 : i32, i32
  }
  func.func @transform_5(%arg0: i32) -> i32 {
    %c0_i32 = arith.constant 0 : i32
    %c0_i32_0 = arith.constant 0 : i32
    return %c0_i32 : i32
  }
  func.func @transform_6(%arg0: i32) -> (i32, i32) {
    %c0_i32 = arith.constant 0 : i32
    %c0_i32_0 = arith.constant 0 : i32
    %c0_i32_1 = arith.constant 0 : i32
    return %c0_i32, %c0_i32_0 : i32, i32
  }
  func.func @transform_7(%arg0: i32) -> (i32, i32) {
    %c0_i32 = arith.constant 0 : i32
    %c0_i32_0 = arith.constant 0 : i32
    return %arg0, %c0_i32 : i32, i32
  }
}

module attributes {stable_mosaic.version = 14 : i64} {
  func.func @_tc_layer1_body(%arg0: i32, %arg1: memref<2048x64xf32, #tpu.memory_space<vmem>>, %arg2: memref<2048x64xf32, #tpu.memory_space<vmem>>, %arg3: memref<2048xf32, #tpu.memory_space<vmem>>, %arg4: memref<2048x128xf32, #tpu.memory_space<vmem>>, %arg5: memref<128x128xf32, #tpu.memory_space<vmem>>, %arg6: memref<128xf32, #tpu.memory_space<vmem>>, %arg7: memref<128x128xf32, #tpu.memory_space<vmem>>, %arg8: memref<64x128xf32, #tpu.memory_space<vmem>>, %arg9: memref<64xf32, #tpu.memory_space<vmem>>, %arg10: memref<2048x64xf32, #tpu.memory_space<vmem>>) attributes {dimension_semantics = [#tpu.dimension_semantics<arbitrary>], iteration_bounds = array<i64: 5>, scalar_prefetch = 0 : i64, scratch_operands = 0 : i64, tpu.core_type = #tpu.core_type<tc>, window_params = [{transform_indices = @transform_0, window_bounds = array<i64: 2048, 64>}, {transform_indices = @transform_1, window_bounds = array<i64: 2048, 64>}, {transform_indices = @transform_2, window_bounds = array<i64: 2048>}, {transform_indices = @transform_3, window_bounds = array<i64: 2048, 128>}, {pipeline_mode = #tpu.pipeline_mode<synchronous>, transform_indices = @transform_4, window_bounds = array<i64: 128, 128>}, {pipeline_mode = #tpu.pipeline_mode<synchronous>, transform_indices = @transform_5, window_bounds = array<i64: 128>}, {pipeline_mode = #tpu.pipeline_mode<synchronous>, transform_indices = @transform_6, window_bounds = array<i64: 128, 128>}, {pipeline_mode = #tpu.pipeline_mode<synchronous>, transform_indices = @transform_7, window_bounds = array<i64: 64, 128>}, {pipeline_mode = #tpu.pipeline_mode<synchronous>, transform_indices = @transform_8, window_bounds = array<i64: 64>}, {transform_indices = @transform_9, window_bounds = array<i64: 2048, 64>}]} {
    %get3A = arith.constant 0 : index
    %get3A_0 = vector.load %arg3[%get3A] : memref<2048xf32, #tpu.memory_space<vmem>>, vector<2048xf32>
    %max3A = arith.constant 1.000000e+00 : f32
    %max3A_1 = vector.broadcast %max3A : f32 to vector<2048xf32>
    %max3A_2 = arith.maximumf %get3A_0, %max3A_1 : vector<2048xf32>
    %div3A = arith.constant 1.000000e+00 : f32
    %div3A_3 = vector.broadcast %div3A : f32 to vector<2048xf32>
    %div3A_4 = arith.divf %div3A_3, %max3A_2 : vector<2048xf32>
    %get3A_5 = arith.constant 0 : index
    %get3A_6 = arith.constant 0 : index
    %get3A_7 = vector.load %arg1[%get3A_5, %get3A_6] : memref<2048x64xf32, #tpu.memory_space<vmem>>, vector<2048x64xf32>
    %get3A_8 = arith.constant 0 : index
    %get3A_9 = arith.constant 0 : index
    %get3A_10 = vector.load %arg2[%get3A_8, %get3A_9] : memref<2048x64xf32, #tpu.memory_space<vmem>>, vector<2048x64xf32>
    %concatenate3A = tpu.concatenate %get3A_7, %get3A_10 in 1 : vector<2048x64xf32>, vector<2048x64xf32> -> vector<2048x128xf32>
    %broadcast_in_dim3A = vector.shape_cast %div3A_4 : vector<2048xf32> to vector<2048x1xf32>
    %mul3A = vector.broadcast %broadcast_in_dim3A : vector<2048x1xf32> to vector<2048x128xf32>
    %mul3A_11 = arith.mulf %concatenate3A, %mul3A : vector<2048x128xf32>
    %get3A_12 = arith.constant 0 : index
    %get3A_13 = arith.constant 0 : index
    %get3A_14 = vector.load %arg5[%get3A_12, %get3A_13] : memref<128x128xf32, #tpu.memory_space<vmem>>, vector<128x128xf32>
    %transpose3A = tpu.transpose %get3A_14, [1, 0] : vector<128x128xf32> -> vector<128x128xf32>
    %dot_general3A = arith.constant dense<0.000000e+00> : vector<2048x128xf32>
    %dot_general3A_15 = tpu.matmul %mul3A_11, %transpose3A, %dot_general3A {dimension_numbers = #tpu.dot_dimension_numbers<[1], [0], [0], [1], [0, 0, 1, 1], [], []>, transpose_lhs_hint = false} : vector<2048x128xf32>, vector<128x128xf32>, vector<2048x128xf32> -> vector<2048x128xf32>
    %get3A_16 = arith.constant 0 : index
    %get3A_17 = vector.load %arg6[%get3A_16] : memref<128xf32, #tpu.memory_space<vmem>>, vector<128xf32>
    %broadcast_in_dim3A_18 = vector.shape_cast %get3A_17 : vector<128xf32> to vector<1x128xf32>
    %add3A = vector.broadcast %broadcast_in_dim3A_18 : vector<1x128xf32> to vector<2048x128xf32>
    %add3A_19 = arith.addf %dot_general3A_15, %add3A : vector<2048x128xf32>
    %get3A_20 = arith.constant 0 : index
    %get3A_21 = arith.constant 0 : index
    %get3A_22 = vector.load %arg4[%get3A_20, %get3A_21] : memref<2048x128xf32, #tpu.memory_space<vmem>>, vector<2048x128xf32>
    %get3A_23 = arith.constant 0 : index
    %get3A_24 = arith.constant 0 : index
    %get3A_25 = vector.load %arg7[%get3A_23, %get3A_24] : memref<128x128xf32, #tpu.memory_space<vmem>>, vector<128x128xf32>
    %transpose3A_26 = tpu.transpose %get3A_25, [1, 0] : vector<128x128xf32> -> vector<128x128xf32>
    %dot_general3A_27 = arith.constant dense<0.000000e+00> : vector<2048x128xf32>
    %dot_general3A_28 = tpu.matmul %get3A_22, %transpose3A_26, %dot_general3A_27 {dimension_numbers = #tpu.dot_dimension_numbers<[1], [0], [0], [1], [0, 0, 1, 1], [], []>, transpose_lhs_hint = false} : vector<2048x128xf32>, vector<128x128xf32>, vector<2048x128xf32> -> vector<2048x128xf32>
    %add3A_29 = arith.addf %add3A_19, %dot_general3A_28 : vector<2048x128xf32>
    %ge3A = arith.constant 0.000000e+00 : f32
    %ge3A_30 = vector.broadcast %ge3A : f32 to vector<2048x128xf32>
    %ge3A_31 = arith.cmpf oge, %add3A_29, %ge3A_30 : vector<2048x128xf32>
    %mul3A_32 = arith.constant 0.00999999977 : f32
    %mul3A_33 = vector.broadcast %mul3A_32 : f32 to vector<2048x128xf32>
    %mul3A_34 = arith.mulf %mul3A_33, %add3A_29 : vector<2048x128xf32>
    %select_n3A = arith.select %ge3A_31, %add3A_29, %mul3A_34 : vector<2048x128xi1>, vector<2048x128xf32>
    %get3A_35 = arith.constant 0 : index
    %get3A_36 = arith.constant 0 : index
    %get3A_37 = vector.load %arg8[%get3A_35, %get3A_36] : memref<64x128xf32, #tpu.memory_space<vmem>>, vector<64x128xf32>
    %transpose3A_38 = tpu.transpose %get3A_37, [1, 0] : vector<64x128xf32> -> vector<128x64xf32>
    %dot_general3A_39 = arith.constant dense<0.000000e+00> : vector<2048x64xf32>
    %dot_general3A_40 = tpu.matmul %select_n3A, %transpose3A_38, %dot_general3A_39 {dimension_numbers = #tpu.dot_dimension_numbers<[1], [0], [0], [1], [0, 0, 1, 1], [], []>, transpose_lhs_hint = false} : vector<2048x128xf32>, vector<128x64xf32>, vector<2048x64xf32> -> vector<2048x64xf32>
    %get3A_41 = arith.constant 0 : index
    %get3A_42 = vector.load %arg9[%get3A_41] : memref<64xf32, #tpu.memory_space<vmem>>, vector<64xf32>
    %broadcast_in_dim3A_43 = vector.shape_cast %get3A_42 : vector<64xf32> to vector<1x64xf32>
    %add3A_44 = vector.broadcast %broadcast_in_dim3A_43 : vector<1x64xf32> to vector<2048x64xf32>
    %add3A_45 = arith.addf %dot_general3A_40, %add3A_44 : vector<2048x64xf32>
    %swap3A = arith.constant 0 : index
    %swap3A_46 = arith.constant 0 : index
    %swap3A_47 = vector.load %arg10[%swap3A, %swap3A_46] : memref<2048x64xf32, #tpu.memory_space<vmem>>, vector<2048x64xf32>
    tpu.vector_store %arg10[%swap3A, %swap3A_46], %add3A_45 {strides = array<i32>} : memref<2048x64xf32, #tpu.memory_space<vmem>>, vector<2048x64xf32>,
    return
  }
  func.func @transform_0(%arg0: i32) -> (i32, i32) {
    %c0_i32 = arith.constant 0 : i32
    %c0_i32_0 = arith.constant 0 : i32
    return %arg0, %c0_i32 : i32, i32
  }
  func.func @transform_1(%arg0: i32) -> (i32, i32) {
    %c0_i32 = arith.constant 0 : i32
    %c0_i32_0 = arith.constant 0 : i32
    return %arg0, %c0_i32 : i32, i32
  }
  func.func @transform_2(%arg0: i32) -> i32 {
    %c0_i32 = arith.constant 0 : i32
    return %arg0 : i32
  }
  func.func @transform_3(%arg0: i32) -> (i32, i32) {
    %c0_i32 = arith.constant 0 : i32
    %c0_i32_0 = arith.constant 0 : i32
    return %arg0, %c0_i32 : i32, i32
  }
  func.func @transform_4(%arg0: i32) -> (i32, i32) {
    %c0_i32 = arith.constant 0 : i32
    %c0_i32_0 = arith.constant 0 : i32
    %c0_i32_1 = arith.constant 0 : i32
    return %c0_i32, %c0_i32_0 : i32, i32
  }
  func.func @transform_5(%arg0: i32) -> i32 {
    %c0_i32 = arith.constant 0 : i32
    %c0_i32_0 = arith.constant 0 : i32
    return %c0_i32 : i32
  }
  func.func @transform_6(%arg0: i32) -> (i32, i32) {
    %c0_i32 = arith.constant 0 : i32
    %c0_i32_0 = arith.constant 0 : i32
    %c0_i32_1 = arith.constant 0 : i32
    return %c0_i32, %c0_i32_0 : i32, i32
  }
  func.func @transform_7(%arg0: i32) -> (i32, i32) {
    %c0_i32 = arith.constant 0 : i32
    %c0_i32_0 = arith.constant 0 : i32
    %c0_i32_1 = arith.constant 0 : i32
    return %c0_i32, %c0_i32_0 : i32, i32
  }
  func.func @transform_8(%arg0: i32) -> i32 {
    %c0_i32 = arith.constant 0 : i32
    %c0_i32_0 = arith.constant 0 : i32
    return %c0_i32 : i32
  }
  func.func @transform_9(%arg0: i32) -> (i32, i32) {
    %c0_i32 = arith.constant 0 : i32
    %c0_i32_0 = arith.constant 0 : i32
    return %arg0, %c0_i32 : i32, i32
  }
}

</mosaic_0001>

<sc_bundles>
// kernel: kernel.11.cloned.1.call-start
scs
__scs_entry_jumppad:
0x0: {  	(pc) =	sbr.rel $0x88, $3  }
0x1: {  	(tag) =	ssettag $0x0;
	lr =	simm.s32 $0x1  }
0x2: {  	[smem:$0x3F92] =	sst lr;
	_ =	strace $0xD0000000  }
0x3: {  	_ = 	snop  }
0x4: {  	_ = 	snop  }
0x5: {  	_ = 	snop  }
0x6: {  	_ = 	snop  }
0x7: {  	_ = 	snop  }
__scs_overlays_trampoline_lowered:
0x8: {  	[smem:$0x3FA1] =	sst s0  }
0x9: {  	[smem:$0x3FA2] =	sst s1  }
0xa: {  	[smem:$0x3FA3] =	sst s2  }
0xb: {  	[smem:$0x3FA4] =	sst s3  }
0xc: {  	[smem:$0x3FA5] =	sst s4  }
0xd: {  	[smem:$0x3FA6] =	sst s5  }
0xe: {  	[smem:$0x3FA7] =	sst s6  }
0xf: {  	[smem:$0x3FA8] =	sst s7  }
0x10: {  	[smem:$0x3FA9] =	sst s8  }
0x11: {  	[smem:$0x3FAA] =	sst s9;
	s0 =	simm.s32 @!p0 $0x0  }
0x12: {  	s1 =	sld [smem:$0x3F90];
	s0 =	simm.s32 @p0 $0x1  }
0x13: {  	[smem:$0x3FAB] =	sst s0;
	s0 =	simm.s32 @!p1 $0x0  }
0x14: {  	s2 =	sld [smem:$0x3F8F];
	s0 =	simm.s32 @p1 $0x1  }
0x15: {  	[smem:$0x3FAC] =	sst s0;
	s0 =	simm.s32 @!p2 $0x0  }
0x16: {  	s3 =	sld [smem:$0x3FDB];
	s0 =	simm.s32 @p2 $0x1  }
0x17: {  	s4 =	simm.s32 $0x1BF5;
	[smem:$0x3FAE] =	sst s0  }
0x18: {  	s0 =	sld [smem:$0x3F91];
	_ =	swait.ge [sflag:s4], $0x0  }
0x19: {  	s7 =	sld [smem:$0x3F92]  }
0x1a: {  	s8 =	sadd.s32 $0xFFFFE003, lr  }
0x1b: {  	s9 =	sadd.s32 $0xFFFFFEF7, lr;
	s5 =	simm.s32 $0xFFFFFFFF;
	p2 =	slt.u32 s8, $0xFFFFF086  }
0x1c: {  	p1 =	slt.u32 s9, $0xF7A;
	s5 =	simm.s32 @!p2 $0x0  }
0x1d: {  	s5 =	simm.s32 @p1 $0x1;
	p0 =	seq.s32 s7, s2  }
0x1e: {  	s7 =	smul.u32 @!p0 $0xF7A, s2;
	p2 =	seq.s32 @!p0 s5, $0x0  }
0x1f: {  	s9 =	smul.u32 $0xF7A, s1;
	s8 =	simm.s32 @!p0 $0x1BF5;
	p2 =	por !p2, p0  }
0x20: {  	[sflag:s8] =	ssyncset.s32 @!p0 $0xFFFFF086;
	s6 =	sadd.s32 @!p0 s3, s7;
	s7 =	simm.s32 @!p0 $0x108  }
0x21: {  	s3 =	sadd.s32 s3, s9;
	s6 =	sadd.s32 @!p0 $0x88, s6;
	s7 =	simm.s32 @p2 $0x1082  }
0x22: {  	[simem:s7], [sflag:s8] =	dma.local @!p0 [hbm:s6], $0xF7A  }
0x23: {  	s9 =	sor.u32 $0xD0000000, s2;
	s6 =	simm.s32 $0x108;
	_ =	swait.ge @!p0 [sflag:s8], $0x0  }
0x24: {  	s3 =	sadd.s32 $0x88, s3;
	s6 =	simm.s32 @!p1 $0x1082;
	[sflag:s4] =	ssyncset.s32 $0xFFFFF086  }
0x25: {  	[simem:s6], [sflag:s4] =	dma.local [hbm:s3], $0xF7A  }
0x26: {  	[smem:$0x3F92] =	sst s1;
	(tag) =	ssettag s2;
	_ =	strace s9  }
0x27: {  	s1 =	sld [smem:$0x3FA2]  }
0x28: {  	s2 =	sld [smem:$0x3FA3]  }
0x29: {  	s4 =	sld [smem:$0x3FA5]  }
0x2a: {  	p0 =	seq.s32 s5, $0x0;
	s5 =	sld [smem:$0x3FA6]  }
0x2b: {  	s6 =	sld [smem:$0x3FA7]  }
0x2c: {  	s7 =	sld [smem:$0x3FA8]  }
0x2d: {  	s3 =	simm.s32 $0x108;
	s8 =	sld [smem:$0x3FA9]  }
0x2e: {  	s3 =	simm.s32 @!p0 $0x1082;
	s9 =	sld [smem:$0x3FAA]  }
0x2f: {  	lr =	sadd.s32 s0, s3;
	s0 =	sld [smem:$0x3FA1]  }
0x30: {  	s3 =	sld [smem:$0x3FA4]  }
0x31: {  	[smem:$0x3FAD] =	sst s10  }
0x32: {  	s10 =	sld [smem:$0x3FAB];
	_ =	sdelay $0x3  }
0x33: {  	p0 =	seq.s32 s10, $0x1;
	s10 =	sld [smem:$0x3FAD];
	_ =	sdelay $0x3  }
0x34: {  	[smem:$0x3FAD] =	sst s10  }
0x35: {  	s10 =	sld [smem:$0x3FAC];
	_ =	sdelay $0x3  }
0x36: {  	p1 =	seq.s32 s10, $0x1;
	s10 =	sld [smem:$0x3FAD];
	_ =	sdelay $0x3  }
0x37: {  	[smem:$0x3FAD] =	sst s10  }
0x38: {  	s10 =	sld [smem:$0x3FAE]  }
0x39: {  	_ = 	snop;
	(pc) =	sbr.ind lr, $3  }
0x3a: {  	_ = 	snop  }
0x3b: {  	_ = 	snop  }
0x3c: {  	p2 =	seq.s32 s10, $0x1;
	s10 =	sld [smem:$0x3FAD]  }
0x3d: {  	_ =	shalt  }
0x3e: {  	_ =	shalt  }
0x3f: {  	_ =	shalt  }
0x40: {  	_ =	shalt  }
0x41: {  	_ =	shalt  }
0x42: {  	_ =	shalt  }
0x43: {  	_ =	shalt  }
0x44: {  	_ =	shalt  }
0x45: {  	_ =	shalt  }
0x46: {  	_ =	shalt  }
0x47: {  	_ =	shalt  }
0x48: {  	_ =	shalt  }
0x49: {  	_ =	shalt  }
0x4a: {  	_ =	shalt  }
0x4b: {  	_ =	shalt  }
0x4c: {  	_ =	shalt  }
0x4d: {  	_ =	shalt  }
0x4e: {  	_ =	shalt  }
0x4f: {  	_ =	shalt  }
0x50: {  	_ =	shalt  }
0x51: {  	_ =	shalt  }
0x52: {  	_ =	shalt  }
0x53: {  	_ =	shalt  }
0x54: {  	_ =	shalt  }
0x55: {  	_ =	shalt  }
0x56: {  	_ =	shalt  }
0x57: {  	_ =	shalt  }
0x58: {  	_ =	shalt  }
0x59: {  	_ =	shalt  }
0x5a: {  	_ =	shalt  }
0x5b: {  	_ =	shalt  }
0x5c: {  	_ =	shalt  }
0x5d: {  	_ =	shalt  }
0x5e: {  	_ =	shalt  }
0x5f: {  	_ =	shalt  }
0x60: {  	_ =	shalt  }
0x61: {  	_ =	shalt  }
0x62: {  	_ =	shalt  }
0x63: {  	_ =	shalt  }
0x64: {  	_ =	shalt  }
0x65: {  	_ =	shalt  }
0x66: {  	_ =	shalt  }
0x67: {  	_ =	shalt  }
0x68: {  	_ =	shalt  }
0x69: {  	_ =	shalt  }
0x6a: {  	_ =	shalt  }
0x6b: {  	_ =	shalt  }
0x6c: {  	_ =	shalt  }
0x6d: {  	_ =	shalt  }
0x6e: {  	_ =	shalt  }
0x6f: {  	_ =	shalt  }
0x70: {  	_ =	shalt  }
0x71: {  	_ =	shalt  }
0x72: {  	_ =	shalt  }
0x73: {  	_ =	shalt  }
0x74: {  	_ =	shalt  }
0x75: {  	_ =	shalt  }
0x76: {  	_ =	shalt  }
0x77: {  	_ =	shalt  }
0x78: {  	_ =	shalt  }
0x79: {  	_ =	shalt  }
0x7a: {  	_ =	shalt  }
0x7b: {  	_ =	shalt  }
0x7c: {  	_ =	shalt  }
0x7d: {  	_ =	shalt  }
0x7e: {  	_ =	shalt  }
0x7f: {  	_ =	shalt  }
0x80: {  	_ =	shalt  }
0x81: {  	_ =	shalt  }
0x82: {  	_ =	shalt  }
0x83: {  	_ =	shalt  }
0x84: {  	_ =	shalt  }
0x85: {  	_ =	shalt  }
0x86: {  	_ =	shalt  }
0x87: {  	_ =	shalt  }
.Lfunc_end0:
.L_simem_size_0:
called_computation.1_lowered:
.L_overlay_start_0:
0x88: {  	s2 =	sld [smem:$0x3FD9]  }
0x89: {  	s3 =	sld [smem:$0x3FFE];
	_ =	sdelay $0x1  }
0x8a: {  	s1 =	srdreg.scid  }
0x8b: {  	s0 =	sand.u32 $0x1, s1  }
0x8c: {  	s17 =	sshll.u32 s0, $0xA;
	s2 =	sadd.s32 s3, s2  }
0x8d: {  	s2 =	sadd.s32 s2, s17  }
0x8e: {  	[smem:$0x3FB9] =	sst s2  }
0x8f: {  	_ = 	snop  }
0x90: {  	(tm) =	ssettm $0x1  }
0x91: {  	s18 =	sld [smem:$0x3FFB];
	_ =	sdelay $0x3  }
0x92: {  	_ =	strace s18  }
0x93: {  	s2 =	sld [smem:$0x3FFC];
	_ =	sdelay $0x3  }
0x94: {  	_ =	strace s2  }
0x95: {  	s2 =	sld [smem:$0x3FFD];
	_ =	sdelay $0x3  }
0x96: {  	_ =	strace s2  }
0x97: {  	_ =	strace $0x8FFFFFFF  }
0x98: {  	s19 =	sld [smem:$0x3FDB];
	_ =	sdelay $0x1  }
0x99: {  	s20 =	simm.s32 $_scs_section_size  }
0x9a: {  	s4 =	simm.s32 $_size__tile_overlayer_lowered;
	s5 =	simm.s32 $_tile_overlayer_lowered  }
0x9b: {  	s6 =	simm.s32 $0x1BFF;
	s21 =	sshll.u32 s5, $0x1;
	s3 =	sadd.s32 s20, s19  }
0x9c: {  	s22 =	simm.s32 $0x0;
	s4 =	sshll.u32 s4, $0x1;
	s5 =	sadd.s32 s21, s3  }
0x9d: {  	[timem:s22], [sflag:s6] =	dma.local [hbm:s5], s4  }
0x9e: {  	_ =	swait.ge [sflag:s6], s4  }
0x9f: {  	s4 =	ssub.s32 $0x0, s4;
	[sflag:s6] =	ssyncset.done $0x0  }
0xa0: {  	[sflag:s6] =	ssyncadd.s32 s4;
	_ =	sdelay $0x1  }
0xa1: {  	s23 =	simm.s32 $0x1B8B  }
0xa2: {  	_ =	swait.ge [sflag:s23], $0x1  }
0xa3: {  	[sflag:s23] =	ssyncset.done $0x0  }
0xa4: {  	[sflag:s23] =	ssyncadd.s32 $0xFFFFFFFF  }
0xa5: {  	s4 =	sld [smem:$0x0]  }
0xa6: {  	s5 =	sand.u32 $0xFFFFFFFE, s1  }
0xa7: {  	p0 =	sne.s32 s1, s5  }
0xa8: {  	s5 =	sshll.u32 @p0 s5, $0xE  }
0xa9: {  	s5 =	sadd.s32 @p0 $0x11B8D, s5;
	s6 =	sshll.u32 @p0 s4, $0x11  }
0xaa: {  	s5 =	sor.u32 @p0 s6, s5  }
0xab: {  	[sflag:s5] =	ssyncadd.remote.s32 @p0 $0x1;
	_ =	sdelay $0x1  }
0xac: {  	s5 =	simm.s32 @p0 $0x1B8D  }
0xad: {  	_ =	swait.eq @p0 [sflag:s5], $0x1  }
0xae: {  	[sflag:s5] =	ssyncadd.s32 @p0 $0xFFFFFFFF  }
0xaf: {  	s6 =	sshll.u32 @!p0 s1, $0xE  }
0xb0: {  	s6 =	sor.u32 @!p0 $0x4000, s6;
	s5 =	simm.s32 @!p0 $0x1B8D  }
0xb1: {  	s4 =	sshll.u32 @!p0 s4, $0x11;
	s6 =	sadd.s32 @!p0 $0x11B8D, s6;
	_ =	swait.eq @!p0 [sflag:s5], $0x1  }
0xb2: {  	s4 =	sor.u32 @!p0 s4, s6;
	[sflag:s5] =	ssyncadd.s32 @!p0 $0xFFFFFFFF  }
0xb3: {  	s25 =	simm.s32 $0x1B8E;
	s24 =	sld [smem:$0x3FFE];
	[sflag:s4] =	ssyncadd.remote.s32 @!p0 $0x1  }
0xb4: {  	s26 =	simm.s32 $execute0_lowered;
	[smem:$0x3FD2] =	sst s25  }
0xb5: {  	s5 =	sshll.u32 s26, $0x1;
	_ =	strace $0x80000049;
	[dreg:$0x1] =	wrdreg $0xFFFFFFFF  }
0xb6: {  	s28 =	simm.s32 $_size_execute0_lowered;
	s3 =	sadd.s32 s3, s5;
	[dreg:$0x0] =	wrdreg $0x0  }
0xb7: {  	s5 =	sshll.u32 s28, $0x1;
	[dreg:$0x2] =	wrdreg s3  }
0xb8: {  	[dreg:$0x3] =	wrdreg s5  }
0xb9: {  	[dreg:$0x4] =	wrdreg $0xC0  }
0xba: {  	_ =	task [dreg:s22], $0x5FFFF  }
0xbb: {  	[dreg:$0x1] =	wrdreg $0xFFFFFFFF  }
0xbc: {  	[dreg:$0x0] =	wrdreg $0x60  }
0xbd: {  	[dreg:$0x2] =	wrdreg s24  }
0xbe: {  	[dreg:$0x3] =	wrdreg $0xE0000  }
0xbf: {  	[dreg:$0x4] =	wrdreg $0x180000  }
0xc0: {  	[dreg:$0x5] =	wrdreg $0x9  }
0xc1: {  	_ =	task.clear_ibuf [dreg:s22], $0x6FFFF;
	_ =	strace $0x90000049  }
0xc2: {  	s29 =	simm.s32 $0x9;
	_ =	strace $0x8000004B  }
0xc3: {  	_ =	swait.ge [sflag:s29], $0x1  }
0xc4: {  	[sflag:s29] =	ssyncadd.s32 $0xFFFFFFFF  }
0xc5: {  	_ =	strace $0x9000004B  }
0xc6: {  	_ =	sfence  }
0xc7: {  	s30 =	sld [smem:$0x0];
	_ =	sdelay $0x2  }
0xc8: {  	s31 =	sshll.u32 s1, $0xD;
	s1 =	sshrl.u32 s1, $0x2  }
0xc9: {  	s4 =	sand.u32 $0x4000, s31;
	s1 =	sadd.s32 s1, s30  }
0xca: {  	s0 =	sor.u32 s4, s0;
	s1 =	sshll.u32 s1, $0x11  }
0xcb: {  	s0 =	sor.u32 s1, s0  }
0xcc: {  	s0 =	sadd.s32 $0x8F2B, s0  }
0xcd: {  	[sflag:s0] =	ssyncadd.remote.s32 $0x1  }
0xce: {  	_ =	sfence.sel $0xFFFF  }
0xcf: {  	[dreg:$0x0] =	wrdreg $0xFFFFFFFF;
	(pc) =	sbr.abs _section_cstart, $3  }
0xd0: {  	[dreg:$0x1] =	wrdreg $0xFFFFFFFF  }
0xd1: {  	_ =	task.clear_ibuf [dreg:s22], $0x2FFFF;
	_ =	strace $0x9FFFFFFF  }
0xd2: {  	(tm) =	ssettm $0x7FFFFFFF  }
0xd3: {  	_ =	shalt  }
tec
execute0_lowered:
.L_overlay_start_1:
0x0: {  	(tag) =	ssettag $0x1  }
0x1: {  	s0 =	rddreg [dreg:$0x0]  }
0x2: {  	s2 =	rddreg [dreg:$0x1]  }
0x3: {  	s3 =	rddreg [dreg:$0x2]  }
0x4: {  	s4 =	simm.s32 $0x0;
	s1 =	stileid.u32;
	s9 =	srdreg.scid  }
0x5: {  	s19 =	simm.s32 $0x9D00;
	s20 =	simm.s32 $0x3;
	s28 =	simm.s32 $0x2  }
0x6: {  	s29 =	simm.s32 $0x9B80;
	s30 =	simm.s32 $0x4E00;
	s7 =	smul.u32 $0x9D0, s1  }
0x7: {  	s31 =	simm.s32 $0x9C00;
	s21 =	simm.s32 $0x0;
	s8 =	smul.u32 $0xA000, s1  }
0x8: {  	[smem:$0x7FF] =	sst s4;
	s5 =	sadd.s32 $0x7B200, s0;
	s14 =	smul.u32 $0x280, s1  }
0x9: {  	s6 =	sadd.s32 $0x67800, s0;
	s16 =	sand.u32 $0x1, s9;
	s22 =	smul.u32 $0x28000, s1  }
0xa: {  	_ =	strace $0x8000004A;
	s23 =	ssub.s32 $0x2, s16;
	p0 =	sne.s32 s16, $0x0  }
0xb: {  	s10 =	sshrl.u32 s8, $0x3;
	s13 =	sadd.s32 s7, s0;
	s24 =	sshrl.u32 s14, $0x3  }
0xc: {  	s11 =	sshrl.u32 s23, $0x1;
	s9 =	sshrl.u32 s22, $0x2;
	s7 =	sadd.s32 s8, s2  }
0xd: {  	s17 =	sadd.s32 s10, s0;
	s0 =	sadd.s32 s24, s0;
	s18 =	ssub.s32 s23, s11  }
0xe: {  	s25 =	sadd.s32 s9, s2;
	s12 =	sadd.s32 $0x5DA00, s13;
	s13 =	sadd.s32 $0x53C00, s13  }
0xf: {  	s23 =	simm.s32 $0x80;
	s24 =	simm.s32 $0xBD00;
	s8 =	sadd.s32 $0x2000, s25  }
.Ltmp0:
0x10: {  	s9 =	sadd.s32 $0x4000, s25;
	s10 =	sadd.s32 $0x6000, s25;
	(pc) =	sbr.rel .LBB2_1-.Ltmp0, $4  }
0x11: {  	s11 =	sadd.s32 $0x8000, s25;
	s15 =	sadd.s32 $0x8EC00, s17;
	s26 =	sadd.s32 $0xA2C00, s17  }
0x12: {  	s0 =	sadd.s32 $0xB6C00, s0;
	s18 =	smax.u32 s18, $0x1;
	[dreg:$0x4] =	wrdreg s15  }
0x13: {  	s25 =	simm.s32 $0x1;
	s15 =	sadd.s32 s14, s3;
	[dreg:$0x5] =	wrdreg s26  }
0x14: {  	v0 =	vimm.f32 $0.0e+00;
	v1 =	vimm.f32 $1.000000000e+00;
	[dreg:$0x6] =	wrdreg s0;
	s26 =	simm.s32 $0xDD00;
	s0 =	simm.s32 $0x9C80  }
.LBB2_9:
0x15: {  	[tilespmem:s24], [sflag:$0x2] =	stream.indirect.gather [hbm4b:s6+s23], $0x40, s14, s23, $0xb8;
	[tilespmem:$0x18280] =	vst v63  }
0x16: {  	_ =	swait.ge [sflag:s25], $0x2000  }
0x17: {  	[sflag:s25] =	ssyncset.done $0x0  }
0x18: {  	[sflag:s25] =	ssyncadd.s32 $0xFFFFE000  }
0x19: {  	[spmem:s2] =	stream.indirect.scatter.add.f32 [tilespmem:s19], [sflag:$0x3], $0x40, s29, s23, $0xb8;
	[tilespmem:$0x18280] =	vst v63  }
0x1a: {  	_ =	swait.ge [sflag:s20], $0x2000  }
0x1b: {  	[sflag:s20] =	ssyncset.done $0x0  }
0x1c: {  	[sflag:s20] =	ssyncadd.s32 $0xFFFFE000  }
0x1d: {  	[tilespmem:s19], [sflag:$0x1] =	stream.indirect.gather [hbm4b:s6+s23], $0x40, s30, s23, $0xb8;
	[tilespmem:$0x18280] =	vst v63  }
0x1e: {  	_ =	swait.ge [sflag:s28], $0x2000  }
0x1f: {  	[sflag:s28] =	ssyncset.done $0x0  }
0x20: {  	[sflag:s28] =	ssyncadd.s32 $0xFFFFE000  }
0x21: {  	[spmem:s2] =	stream.indirect.scatter.add.f32 [tilespmem:s24], [sflag:$0x3], $0x40, s31, s23, $0xb8;
	[tilespmem:$0x18280] =	vst v63  }
0x22: {  	_ =	swait.ge [sflag:s20], $0x2000  }
0x23: {  	[sflag:s20] =	ssyncset.done $0x0  }
0x24: {  	[sflag:s20] =	ssyncadd.s32 $0xFFFFE000  }
0x25: {  	_ =	swait.ge [sflag:s25], $0x2000  }
0x26: {  	[sflag:s25] =	ssyncset.done $0x0  }
0x27: {  	[sflag:s25] =	ssyncadd.s32 $0xFFFFE000  }
0x28: {  	[spmem:s2] =	stream.indirect.scatter.add.f32 [tilespmem:s19], [sflag:$0x3], $0x40, s0, s23, $0xb8;
	[tilespmem:$0x18280] =	vst v63  }
0x29: {  	_ =	swait.ge [sflag:s20], $0x2000  }
0x2a: {  	[sflag:s20] =	ssyncset.done $0x0  }
0x2b: {  	[sflag:s20] =	ssyncadd.s32 $0xFFFFE000  }
0x2c: {  	s22 =	sshll.u32 s1, $0x6;
	[bflag:$0x0] =	sbarrier.arrive $0xFFFF  }
0x2d: {  	s16 =	sshrl.u32 s7, $0x3;
	s14 =	sor.u32 $0x1C03, s22;
	s17 =	rddreg [dreg:$0x4]  }
0x2e: {  	[hbm:s17], [sflag:s14] =	dma.local [spmem:s16], $0x1400  }
0x2f: {  	_ =	swait.ge [sflag:s20], $0x1400  }
0x30: {  	[sflag:s20] =	ssyncset.done $0x0  }
0x31: {  	[sflag:s20] =	ssyncadd.s32 $0xFFFFEC00  }
.LBB2_10:
0x32: {  	s21 =	sadd.s32 $0x1, s21  }
0x33: {  	p1 =	sne.s32 s21, s18  }
.Ltmp1:
0x34: {  	_ = 	snop;
	(pc) =	sbr.rel @!p1 .LBB2_11-.Ltmp1, $1  }
0x35: {  	_ =	sdelay $0x3  }
.LBB2_1:
0x36: {  	s14 =	sand.u32 $0x7F00, s4  }
0x37: {  	s16 =	sand.u32 $0x30, s4;
	s14 =	sshrl.u32 s14, $0x2  }
0x38: {  	s22 =	simm.s32 $0x40;
	s16 =	sor.u32 s16, s14;
	s14 =	simm.s32 $0x0  }
.LBB2_2:
0x39: {  	p1 =	sne.s32 s22, $0x7FC0  }
0x3a: {  	[tilespmem:s16+$0x9D00] =	vst v0;
	s14 =	sadd.s32 $0x10, s14;
	s16 =	smov.u32 s22;
	s22 =	sadd.s32 $0x40, s22  }
.Ltmp2:
0x3b: {  	(pc) =	sbr.rel @p1 .LBB2_2-.Ltmp2, $4  }
0x3c: {  	_ = 	snop  }
0x3d: {  	s16 =	sand.u32 $0x7F00, s16  }
0x3e: {  	s17 =	sand.u32 $0x30, s14;
	s16 =	sshrl.u32 s16, $0x2  }
0x3f: {  	s16 =	sor.u32 s17, s16  }
0x40: {  	[tilespmem:s16+$0x9D00] =	vst v0  }
0x41: {  	[tilespmem:$0xDD00] =	vst v1  }
0x42: {  	[tilespmem:$0xDD10] =	vst v1  }
0x43: {  	[tilespmem:$0xDD20] =	vst v1  }
0x44: {  	[tilespmem:$0xDD30] =	vst v1  }
0x45: {  	[tilespmem:$0xDD40] =	vst v1  }
0x46: {  	[tilespmem:$0xDD50] =	vst v1  }
0x47: {  	[tilespmem:$0xDD60] =	vst v1  }
0x48: {  	[tilespmem:$0xDD70] =	vst v1  }
0x49: {  	[tilespmem:$0xDD80] =	vst v0  }
0x4a: {  	[tilespmem:$0xDD90] =	vst v0  }
0x4b: {  	[tilespmem:$0xDDA0] =	vst v0  }
0x4c: {  	[tilespmem:$0xDDB0] =	vst v0  }
0x4d: {  	[tilespmem:$0xDDC0] =	vst v0  }
0x4e: {  	[tilespmem:$0xDDD0] =	vst v0  }
0x4f: {  	[tilespmem:$0xDDE0] =	vst v0  }
0x50: {  	[tilespmem:$0xDDF0] =	vst v0  }
0x51: {  	[tilespmem:$0xDE00] =	vst v0  }
0x52: {  	[tilespmem:$0xDE10] =	vst v0  }
0x53: {  	[tilespmem:$0xDE20] =	vst v0  }
0x54: {  	[tilespmem:$0xDE30] =	vst v0  }
0x55: {  	[tilespmem:$0xDE40] =	vst v0  }
0x56: {  	[tilespmem:$0xDE50] =	vst v0  }
0x57: {  	[tilespmem:$0xDE60] =	vst v0  }
0x58: {  	[tilespmem:$0xDE70] =	vst v0  }
0x59: {  	[tilespmem:$0xDE80] =	vst v0  }
0x5a: {  	[tilespmem:$0xDE90] =	vst v0  }
0x5b: {  	[tilespmem:$0xDEA0] =	vst v0  }
0x5c: {  	[tilespmem:$0xDEB0] =	vst v0  }
0x5d: {  	[tilespmem:$0xDEC0] =	vst v0  }
0x5e: {  	[tilespmem:$0xDED0] =	vst v0  }
0x5f: {  	[tilespmem:$0xDEE0] =	vst v0  }
0x60: {  	[tilespmem:$0xDEF0] =	vst v0  }
0x61: {  	[tilespmem:$0xDF00] =	vst v0  }
0x62: {  	[tilespmem:$0xDF10] =	vst v0  }
0x63: {  	[tilespmem:$0xDF20] =	vst v0  }
0x64: {  	[tilespmem:$0xDF30] =	vst v0  }
0x65: {  	[tilespmem:$0xDF40] =	vst v0  }
0x66: {  	[tilespmem:$0xDF50] =	vst v0  }
0x67: {  	[tilespmem:$0xDF60] =	vst v0  }
0x68: {  	[tilespmem:$0xDF70] =	vst v0  }
0x69: {  	[tilespmem:$0xDF80] =	vst v0  }
0x6a: {  	[tilespmem:$0xDF90] =	vst v0  }
0x6b: {  	[tilespmem:$0xDFA0] =	vst v0  }
0x6c: {  	[tilespmem:$0xDFB0] =	vst v0  }
0x6d: {  	[tilespmem:$0xDFC0] =	vst v0  }
0x6e: {  	[tilespmem:$0xDFD0] =	vst v0  }
0x6f: {  	[tilespmem:$0xDFE0] =	vst v0  }
0x70: {  	[tilespmem:$0xDFF0] =	vst v0  }
0x71: {  	[spmem:s7] =	stream.linear.scatter [tilespmem:s19], [sflag:$0x3], $0x2000, $0x38;
	[tilespmem:$0x18280] =	vst v63  }
0x72: {  	_ =	swait.ge [sflag:s20], $0x2000  }
0x73: {  	[sflag:s20] =	ssyncset.done $0x0  }
0x74: {  	[sflag:s20] =	ssyncadd.s32 $0xFFFFE000  }
0x75: {  	[spmem:s8] =	stream.linear.scatter [tilespmem:s19], [sflag:$0x3], $0x2000, $0x38;
	[tilespmem:$0x18280] =	vst v63  }
0x76: {  	_ =	swait.ge [sflag:s20], $0x2000  }
0x77: {  	[sflag:s20] =	ssyncset.done $0x0  }
0x78: {  	[sflag:s20] =	ssyncadd.s32 $0xFFFFE000  }
0x79: {  	[spmem:s9] =	stream.linear.scatter [tilespmem:s19], [sflag:$0x3], $0x2000, $0x38;
	[tilespmem:$0x18280] =	vst v63  }
0x7a: {  	_ =	swait.ge [sflag:s20], $0x2000  }
0x7b: {  	[sflag:s20] =	ssyncset.done $0x0  }
0x7c: {  	[sflag:s20] =	ssyncadd.s32 $0xFFFFE000  }
0x7d: {  	[spmem:s10] =	stream.linear.scatter [tilespmem:s19], [sflag:$0x3], $0x2000, $0x38;
	[tilespmem:$0x18280] =	vst v63  }
0x7e: {  	_ =	swait.ge [sflag:s20], $0x2000  }
0x7f: {  	[sflag:s20] =	ssyncset.done $0x0  }
.Ltmp3:
0x80: {  	[sflag:s20] =	ssyncadd.s32 $0xFFFFE000;
	(pc) =	sbr.rel @p0 .LBB2_7-.Ltmp3, $4  }
0x81: {  	[spmem:s11] =	stream.linear.scatter [tilespmem:s19], [sflag:$0x3], $0x2000, $0x38;
	[tilespmem:$0x18280] =	vst v63  }
0x82: {  	_ =	swait.ge [sflag:s20], $0x2000  }
0x83: {  	[sflag:s20] =	ssyncset.done $0x0  }
0x84: {  	[sflag:s20] =	ssyncadd.s32 $0xFFFFE000  }
0x85: {  	s14 =	simm.s32 $0xDD80  }
0x86: {  	[spmem:s15] =	stream.linear.scatter [tilespmem:s14], [sflag:$0x3], $0x280, $0x38;
	[tilespmem:$0x18280] =	vst v63  }
0x87: {  	_ =	swait.ge [sflag:s20], $0x280  }
0x88: {  	[sflag:s20] =	ssyncset.done $0x0  }
0x89: {  	[sflag:s20] =	ssyncadd.s32 $0xFFFFFD80  }
0x8a: {  	s22 =	simm.s32 $0x0;
	[bflag:$0x0] =	sbarrier.arrive $0xFFFF  }
0x8b: {  	[tilespmem:s22], [sflag:$0x3] =	stream.linear.gather [hbm4b:s12+s22], $0x4E80, $0x38;
	[tilespmem:$0x18280] =	vst v63  }
0x8c: {  	_ =	swait.ge [sflag:s20], $0x4E80  }
0x8d: {  	[sflag:s20] =	ssyncset.done $0x0  }
0x8e: {  	s16 =	simm.s32 $0x4E80;
	[sflag:s20] =	ssyncadd.s32 $0xFFFFB180  }
0x8f: {  	[tilespmem:s16], [sflag:$0x3] =	stream.linear.gather [hbm4b:s13+s22], $0x4E80, $0x38;
	[tilespmem:$0x18280] =	vst v63  }
0x90: {  	_ =	swait.ge [sflag:s20], $0x4E80  }
0x91: {  	[sflag:s20] =	ssyncset.done $0x0  }
0x92: {  	[sflag:s20] =	ssyncadd.s32 $0xFFFFB180  }
0x93: {  	[tilespmem:s19], [sflag:$0x1] =	stream.indirect.gather [hbm4b:s5+s23], $0x40, s22, s23, $0xb8;
	[tilespmem:$0x18280] =	vst v63  }
0x94: {  	_ = 	snop  }
0x95: {  	[tilespmem:s24], [sflag:$0x2] =	stream.indirect.gather [hbm4b:s5+s23], $0x40, s23, s23, $0xb8;
	[tilespmem:$0x18280] =	vst v63  }
0x96: {  	_ =	swait.ge [sflag:s25], $0x2000  }
0x97: {  	[sflag:s25] =	ssyncset.done $0x0  }
0x98: {  	s16 =	simm.s32 $0x4E80;
	[sflag:s25] =	ssyncadd.s32 $0xFFFFE000  }
0x99: {  	[spmem:s2] =	stream.indirect.scatter.add.f32 [tilespmem:s19], [sflag:$0x3], $0x40, s16, s23, $0xb8;
	[tilespmem:$0x18280] =	vst v63  }
0x9a: {  	_ =	swait.ge [sflag:s20], $0x2000  }
0x9b: {  	[sflag:s20] =	ssyncset.done $0x0  }
0x9c: {  	[sflag:s20] =	ssyncadd.s32 $0xFFFFE000  }
0x9d: {  	[spmem:s3] =	stream.indirect.scatter.add.f32 [tilespmem:s26], [sflag:$0x3], $0x1, s16, s23, $0xb8;
	[tilespmem:$0x18280] =	vst v63  }
0x9e: {  	_ =	swait.ge [sflag:s20], $0x80  }
0x9f: {  	[sflag:s20] =	ssyncset.done $0x0  }
0xa0: {  	s17 =	simm.s32 $0x100;
	[sflag:s20] =	ssyncadd.s32 $0xFFFFFF80  }
0xa1: {  	[tilespmem:s19], [sflag:$0x1] =	stream.indirect.gather [hbm4b:s5+s23], $0x40, s17, s23, $0xb8;
	[tilespmem:$0x18280] =	vst v63  }
0xa2: {  	_ =	swait.ge [sflag:s28], $0x2000  }
0xa3: {  	[sflag:s28] =	ssyncset.done $0x0  }
0xa4: {  	s22 =	simm.s32 $0x4F00;
	[sflag:s28] =	ssyncadd.s32 $0xFFFFE000  }
0xa5: {  	[spmem:s2] =	stream.indirect.scatter.add.f32 [tilespmem:s24], [sflag:$0x3], $0x40, s22, s23, $0xb8;
	[tilespmem:$0x18280] =	vst v63  }
0xa6: {  	_ =	swait.ge [sflag:s20], $0x2000  }
0xa7: {  	[sflag:s20] =	ssyncset.done $0x0  }
0xa8: {  	[sflag:s20] =	ssyncadd.s32 $0xFFFFE000  }
0xa9: {  	[spmem:s3] =	stream.indirect.scatter.add.f32 [tilespmem:s26], [sflag:$0x3], $0x1, s22, s23, $0xb8;
	[tilespmem:$0x18280] =	vst v63  }
0xaa: {  	_ =	swait.ge [sflag:s20], $0x80  }
0xab: {  	[sflag:s20] =	ssyncset.done $0x0  }
0xac: {  	s14 =	simm.s32 $0x180;
	s22 =	simm.s32 $0x400;
	[sflag:s20] =	ssyncadd.s32 $0xFFFFFF80  }
.LBB2_5:
0xad: {  	[tilespmem:s24], [sflag:$0x2] =	stream.indirect.gather [hbm4b:s5+s23], $0x40, s14, s23, $0xb8;
	[tilespmem:$0x18280] =	vst v63  }
0xae: {  	s14 =	smov.u32 s22  }
0xaf: {  	p1 =	seq.s32 s22, $0x13000;
	s22 =	sadd.s32 $0x400, s22;
	_ =	swait.ge [sflag:s25], $0x2000  }
0xb0: {  	s14 =	sshra.s32 s14, $0x2;
	[sflag:s25] =	ssyncset.done $0x0  }
0xb1: {  	s16 =	sadd.s32 $0x4E80, s14;
	[sflag:s25] =	ssyncadd.s32 $0xFFFFE000  }
0xb2: {  	[spmem:s2] =	stream.indirect.scatter.add.f32 [tilespmem:s19], [sflag:$0x3], $0x40, s16, s23, $0xb8;
	[tilespmem:$0x18280] =	vst v63  }
0xb3: {  	_ =	swait.ge [sflag:s20], $0x2000  }
0xb4: {  	[sflag:s20] =	ssyncset.done $0x0  }
0xb5: {  	[sflag:s20] =	ssyncadd.s32 $0xFFFFE000  }
0xb6: {  	[spmem:s3] =	stream.indirect.scatter.add.f32 [tilespmem:s26], [sflag:$0x3], $0x1, s16, s23, $0xb8;
	[tilespmem:$0x18280] =	vst v63  }
0xb7: {  	_ =	swait.ge [sflag:s20], $0x80  }
0xb8: {  	[sflag:s20] =	ssyncset.done $0x0  }
0xb9: {  	s16 =	sadd.s32 $0x100, s14;
	[sflag:s20] =	ssyncadd.s32 $0xFFFFFF80  }
0xba: {  	[tilespmem:s19], [sflag:$0x1] =	stream.indirect.gather [hbm4b:s5+s23], $0x40, s16, s23, $0xb8;
	[tilespmem:$0x18280] =	vst v63  }
0xbb: {  	_ =	swait.ge [sflag:s28], $0x2000  }
0xbc: {  	[sflag:s28] =	ssyncset.done $0x0  }
0xbd: {  	s16 =	sadd.s32 $0x4F00, s14;
	[sflag:s28] =	ssyncadd.s32 $0xFFFFE000  }
0xbe: {  	[spmem:s2] =	stream.indirect.scatter.add.f32 [tilespmem:s24], [sflag:$0x3], $0x40, s16, s23, $0xb8;
	[tilespmem:$0x18280] =	vst v63  }
0xbf: {  	_ =	swait.ge [sflag:s20], $0x2000  }
0xc0: {  	[sflag:s20] =	ssyncset.done $0x0  }
.Ltmp4:
0xc1: {  	[sflag:s20] =	ssyncadd.s32 $0xFFFFE000;
	(pc) =	sbr.rel @!p1 .LBB2_5-.Ltmp4, $4  }
0xc2: {  	[spmem:s3] =	stream.indirect.scatter.add.f32 [tilespmem:s26], [sflag:$0x3], $0x1, s16, s23, $0xb8;
	[tilespmem:$0x18280] =	vst v63  }
0xc3: {  	_ =	swait.ge [sflag:s20], $0x80  }
0xc4: {  	[sflag:s20] =	ssyncset.done $0x0  }
0xc5: {  	s14 =	sadd.s32 $0x180, s14;
	[sflag:s20] =	ssyncadd.s32 $0xFFFFFF80  }
0xc6: {  	[tilespmem:s24], [sflag:$0x2] =	stream.indirect.gather [hbm4b:s5+s23], $0x40, s14, s23, $0xb8;
	[tilespmem:$0x18280] =	vst v63  }
0xc7: {  	_ =	swait.ge [sflag:s25], $0x2000  }
0xc8: {  	[sflag:s25] =	ssyncset.done $0x0  }
0xc9: {  	[sflag:s25] =	ssyncadd.s32 $0xFFFFE000  }
0xca: {  	[spmem:s2] =	stream.indirect.scatter.add.f32 [tilespmem:s19], [sflag:$0x3], $0x40, s29, s23, $0xb8;
	[tilespmem:$0x18280] =	vst v63  }
0xcb: {  	_ =	swait.ge [sflag:s20], $0x2000  }
0xcc: {  	[sflag:s20] =	ssyncset.done $0x0  }
0xcd: {  	[sflag:s20] =	ssyncadd.s32 $0xFFFFE000  }
0xce: {  	[spmem:s3] =	stream.indirect.scatter.add.f32 [tilespmem:s26], [sflag:$0x3], $0x1, s29, s23, $0xb8;
	[tilespmem:$0x18280] =	vst v63  }
0xcf: {  	_ =	swait.ge [sflag:s20], $0x80  }
0xd0: {  	[sflag:s20] =	ssyncset.done $0x0  }
0xd1: {  	[sflag:s20] =	ssyncadd.s32 $0xFFFFFF80  }
0xd2: {  	[tilespmem:s19], [sflag:$0x1] =	stream.indirect.gather [hbm4b:s5+s23], $0x40, s30, s23, $0xb8;
	[tilespmem:$0x18280] =	vst v63  }
0xd3: {  	_ =	swait.ge [sflag:s28], $0x2000  }
0xd4: {  	[sflag:s28] =	ssyncset.done $0x0  }
0xd5: {  	[sflag:s28] =	ssyncadd.s32 $0xFFFFE000  }
0xd6: {  	[spmem:s2] =	stream.indirect.scatter.add.f32 [tilespmem:s24], [sflag:$0x3], $0x40, s31, s23, $0xb8;
	[tilespmem:$0x18280] =	vst v63  }
0xd7: {  	_ =	swait.ge [sflag:s20], $0x2000  }
0xd8: {  	[sflag:s20] =	ssyncset.done $0x0  }
0xd9: {  	[sflag:s20] =	ssyncadd.s32 $0xFFFFE000  }
0xda: {  	[spmem:s3] =	stream.indirect.scatter.add.f32 [tilespmem:s26], [sflag:$0x3], $0x1, s31, s23, $0xb8;
	[tilespmem:$0x18280] =	vst v63  }
0xdb: {  	_ =	swait.ge [sflag:s20], $0x80  }
0xdc: {  	[sflag:s20] =	ssyncset.done $0x0  }
0xdd: {  	[sflag:s20] =	ssyncadd.s32 $0xFFFFFF80  }
0xde: {  	_ =	swait.ge [sflag:s25], $0x2000  }
0xdf: {  	[sflag:s25] =	ssyncset.done $0x0  }
0xe0: {  	[sflag:s25] =	ssyncadd.s32 $0xFFFFE000  }
0xe1: {  	[spmem:s2] =	stream.indirect.scatter.add.f32 [tilespmem:s19], [sflag:$0x3], $0x40, s0, s23, $0xb8;
	[tilespmem:$0x18280] =	vst v63  }
0xe2: {  	_ =	swait.ge [sflag:s20], $0x2000  }
0xe3: {  	[sflag:s20] =	ssyncset.done $0x0  }
0xe4: {  	[sflag:s20] =	ssyncadd.s32 $0xFFFFE000  }
0xe5: {  	[spmem:s3] =	stream.indirect.scatter.add.f32 [tilespmem:s26], [sflag:$0x3], $0x1, s0, s23, $0xb8;
	[tilespmem:$0x18280] =	vst v63  }
0xe6: {  	_ =	swait.ge [sflag:s20], $0x80  }
0xe7: {  	[sflag:s20] =	ssyncset.done $0x0  }
0xe8: {  	[sflag:s20] =	ssyncadd.s32 $0xFFFFFF80  }
0xe9: {  	s16 =	sshll.u32 s1, $0x6;
	[bflag:$0x0] =	sbarrier.arrive $0xFFFF  }
0xea: {  	s14 =	sor.u32 $0x1C03, s16;
	s16 =	sshrl.u32 s7, $0x3;
	s17 =	rddreg [dreg:$0x5]  }
0xeb: {  	[hbm:s17], [sflag:s14] =	dma.local [spmem:s16], $0x1400  }
0xec: {  	_ =	swait.ge [sflag:s20], $0x1400  }
0xed: {  	s17 =	sshrl.u32 s15, $0x3;
	[sflag:s20] =	ssyncset.done $0x0  }
.Ltmp5:
0xee: {  	s22 =	rddreg [dreg:$0x6];
	[sflag:s20] =	ssyncadd.s32 $0xFFFFEC00;
	(pc) =	sbr.rel .LBB2_10-.Ltmp5, $4  }
0xef: {  	[hbm:s22], [sflag:s14] =	dma.local [spmem:s17], $0x50  }
0xf0: {  	_ =	swait.ge [sflag:s20], $0x50  }
0xf1: {  	[sflag:s20] =	ssyncset.done $0x0  }
0xf2: {  	[sflag:s20] =	ssyncadd.s32 $0xFFFFFFB0  }
.LBB2_7:
0xf3: {  	[bflag:$0x0] =	sbarrier.arrive $0xFFFF;
	s14 =	simm.s32 $0x0  }
0xf4: {  	[tilespmem:s14], [sflag:$0x3] =	stream.linear.gather [hbm4b:s12+s14], $0x4E80, $0x38;
	[tilespmem:$0x18280] =	vst v63  }
0xf5: {  	_ =	swait.ge [sflag:s20], $0x4E80  }
0xf6: {  	[sflag:s20] =	ssyncset.done $0x0  }
0xf7: {  	s16 =	simm.s32 $0x4E80;
	[sflag:s20] =	ssyncadd.s32 $0xFFFFB180  }
0xf8: {  	[tilespmem:s16], [sflag:$0x3] =	stream.linear.gather [hbm4b:s13+s14], $0x4E80, $0x38;
	[tilespmem:$0x18280] =	vst v63  }
0xf9: {  	_ =	swait.ge [sflag:s20], $0x4E80  }
0xfa: {  	[sflag:s20] =	ssyncset.done $0x0  }
0xfb: {  	[sflag:s20] =	ssyncadd.s32 $0xFFFFB180  }
0xfc: {  	[tilespmem:s19], [sflag:$0x1] =	stream.indirect.gather [hbm4b:s6+s23], $0x40, s14, s23, $0xb8;
	[tilespmem:$0x18280] =	vst v63  }
0xfd: {  	_ = 	snop  }
0xfe: {  	[tilespmem:s24], [sflag:$0x2] =	stream.indirect.gather [hbm4b:s6+s23], $0x40, s23, s23, $0xb8;
	[tilespmem:$0x18280] =	vst v63  }
0xff: {  	_ =	swait.ge [sflag:s25], $0x2000  }
0x100: {  	[sflag:s25] =	ssyncset.done $0x0  }
0x101: {  	s16 =	simm.s32 $0x4E80;
	[sflag:s25] =	ssyncadd.s32 $0xFFFFE000  }
0x102: {  	[spmem:s2] =	stream.indirect.scatter.add.f32 [tilespmem:s19], [sflag:$0x3], $0x40, s16, s23, $0xb8;
	[tilespmem:$0x18280] =	vst v63  }
0x103: {  	_ =	swait.ge [sflag:s20], $0x2000  }
0x104: {  	[sflag:s20] =	ssyncset.done $0x0  }
0x105: {  	s17 =	simm.s32 $0x100;
	[sflag:s20] =	ssyncadd.s32 $0xFFFFE000  }
0x106: {  	[tilespmem:s19], [sflag:$0x1] =	stream.indirect.gather [hbm4b:s6+s23], $0x40, s17, s23, $0xb8;
	[tilespmem:$0x18280] =	vst v63  }
0x107: {  	_ =	swait.ge [sflag:s28], $0x2000  }
0x108: {  	[sflag:s28] =	ssyncset.done $0x0  }
0x109: {  	s22 =	simm.s32 $0x4F00;
	[sflag:s28] =	ssyncadd.s32 $0xFFFFE000  }
0x10a: {  	[spmem:s2] =	stream.indirect.scatter.add.f32 [tilespmem:s24], [sflag:$0x3], $0x40, s22, s23, $0xb8;
	[tilespmem:$0x18280] =	vst v63  }
0x10b: {  	_ =	swait.ge [sflag:s20], $0x2000  }
0x10c: {  	[sflag:s20] =	ssyncset.done $0x0  }
0x10d: {  	s14 =	simm.s32 $0x180;
	s22 =	simm.s32 $0x400;
	[sflag:s20] =	ssyncadd.s32 $0xFFFFE000  }
.LBB2_8:
0x10e: {  	[tilespmem:s24], [sflag:$0x2] =	stream.indirect.gather [hbm4b:s6+s23], $0x40, s14, s23, $0xb8;
	[tilespmem:$0x18280] =	vst v63  }
0x10f: {  	s14 =	smov.u32 s22  }
0x110: {  	p1 =	sne.s32 s22, $0x13000;
	s22 =	sadd.s32 $0x400, s22;
	_ =	swait.ge [sflag:s25], $0x2000  }
0x111: {  	s14 =	sshra.s32 s14, $0x2;
	[sflag:s25] =	ssyncset.done $0x0  }
0x112: {  	s16 =	sadd.s32 $0x4E80, s14;
	[sflag:s25] =	ssyncadd.s32 $0xFFFFE000  }
0x113: {  	[spmem:s2] =	stream.indirect.scatter.add.f32 [tilespmem:s19], [sflag:$0x3], $0x40, s16, s23, $0xb8;
	[tilespmem:$0x18280] =	vst v63  }
0x114: {  	_ =	swait.ge [sflag:s20], $0x2000  }
0x115: {  	[sflag:s20] =	ssyncset.done $0x0  }
0x116: {  	s16 =	sadd.s32 $0x100, s14;
	[sflag:s20] =	ssyncadd.s32 $0xFFFFE000  }
0x117: {  	[tilespmem:s19], [sflag:$0x1] =	stream.indirect.gather [hbm4b:s6+s23], $0x40, s16, s23, $0xb8;
	[tilespmem:$0x18280] =	vst v63  }
0x118: {  	_ =	swait.ge [sflag:s28], $0x2000  }
0x119: {  	[sflag:s28] =	ssyncset.done $0x0  }
.Ltmp6:
0x11a: {  	s16 =	sadd.s32 $0x4F00, s14;
	[sflag:s28] =	ssyncadd.s32 $0xFFFFE000;
	(pc) =	sbr.rel @p1 .LBB2_8-.Ltmp6, $4  }
0x11b: {  	[spmem:s2] =	stream.indirect.scatter.add.f32 [tilespmem:s24], [sflag:$0x3], $0x40, s16, s23, $0xb8;
	[tilespmem:$0x18280] =	vst v63  }
0x11c: {  	_ =	swait.ge [sflag:s20], $0x2000  }
0x11d: {  	[sflag:s20] =	ssyncset.done $0x0  }
0x11e: {  	s14 =	sadd.s32 $0x180, s14;
	[sflag:s20] =	ssyncadd.s32 $0xFFFFE000  }
.Ltmp7:
0x11f: {  	_ = 	snop;
	(pc) =	sbr.rel .LBB2_9-.Ltmp7, $1  }
0x120: {  	_ =	sdelay $0x3  }
.LBB2_11:
0x121: {  	_ =	sfence.sel $0x180000  }
0x122: {  	[bflag:$0x0] =	sbarrier.arrive $0xFFFF  }
0x123: {  	_ =	strace $0x9000004A  }
0x124: {  	[bflag:$0x2] =	sbarrier.arrive $0xFFFF  }
0x125: {  	p0 =	sne.s32 s1, $0x0;
	s0 =	rddreg [dreg:$0x3]  }
0x126: {  	s0 =	sadd.s32 @!p0 $0x100000, s0  }
0x127: {  	[sflag:s0] =	ssyncadd.tile.s32 @!p0 $0x1;
	_ =	shalt  }
.Lfunc_end2:
_tile_overlayer_lowered:
.L_overlay_start_2:
0x128: {  	(tag) =	ssettag $0x2  }
0x129: {  	s0 =	rddreg [dreg:$0x0];
	s2 =	stileid.u32  }
0x12a: {  	s1 =	rddreg [dreg:$0x1];
	p0 =	sne.s32 s2, $0x0  }
0x12b: {  	s3 =	rddreg [dreg:$0x2];
	[bflag:$0x3] =	sbarrier.arrive $0xFFFF;
	s2 =	simm.s32 @!p0 $0x1C03  }
0x12c: {  	[timem:s3], [sflag:s2] =	dma.local @!p0 [hbm:s0], s1  }
0x12d: {  	s0 =	simm.s32 @!p0 $0x3  }
0x12e: {  	_ =	swait.ge @!p0 [sflag:s0], s1  }
0x12f: {  	s1 =	ssub.s32 @!p0 $0x0, s1;
	[sflag:s0] =	ssyncset.done @!p0 $0x0  }
0x130: {  	[sflag:s0] =	ssyncadd.s32 @!p0 s1  }
0x131: {  	[bflag:$0x3] =	sbarrier.arrive $0xFFFF  }
0x132: {  	_ =	shalt  }

// kernel: kernel.14.cloned.1.call-start
scs
__scs_entry_jumppad:
0x0: {  	(pc) =	sbr.rel $0x88, $3  }
0x1: {  	(tag) =	ssettag $0x0;
	lr =	simm.s32 $0x1  }
0x2: {  	[smem:$0x3F92] =	sst lr;
	_ =	strace $0xD0000000  }
0x3: {  	_ = 	snop  }
0x4: {  	_ = 	snop  }
0x5: {  	_ = 	snop  }
0x6: {  	_ = 	snop  }
0x7: {  	_ = 	snop  }
__scs_overlays_trampoline_lowered:
0x8: {  	[smem:$0x3FA1] =	sst s0  }
0x9: {  	[smem:$0x3FA2] =	sst s1  }
0xa: {  	[smem:$0x3FA3] =	sst s2  }
0xb: {  	[smem:$0x3FA4] =	sst s3  }
0xc: {  	[smem:$0x3FA5] =	sst s4  }
0xd: {  	[smem:$0x3FA6] =	sst s5  }
0xe: {  	[smem:$0x3FA7] =	sst s6  }
0xf: {  	[smem:$0x3FA8] =	sst s7  }
0x10: {  	[smem:$0x3FA9] =	sst s8  }
0x11: {  	[smem:$0x3FAA] =	sst s9;
	s0 =	simm.s32 @!p0 $0x0  }
0x12: {  	s1 =	sld [smem:$0x3F90];
	s0 =	simm.s32 @p0 $0x1  }
0x13: {  	[smem:$0x3FAB] =	sst s0;
	s0 =	simm.s32 @!p1 $0x0  }
0x14: {  	s2 =	sld [smem:$0x3F8F];
	s0 =	simm.s32 @p1 $0x1  }
0x15: {  	[smem:$0x3FAC] =	sst s0;
	s0 =	simm.s32 @!p2 $0x0  }
0x16: {  	s3 =	sld [smem:$0x3FDB];
	s0 =	simm.s32 @p2 $0x1  }
0x17: {  	s4 =	simm.s32 $0x1BF5;
	[smem:$0x3FAE] =	sst s0  }
0x18: {  	s0 =	sld [smem:$0x3F91];
	_ =	swait.ge [sflag:s4], $0x0  }
0x19: {  	s7 =	sld [smem:$0x3F92]  }
0x1a: {  	s8 =	sadd.s32 $0xFFFFE003, lr  }
0x1b: {  	s9 =	sadd.s32 $0xFFFFFEF7, lr;
	s5 =	simm.s32 $0xFFFFFFFF;
	p2 =	slt.u32 s8, $0xFFFFF086  }
0x1c: {  	p1 =	slt.u32 s9, $0xF7A;
	s5 =	simm.s32 @!p2 $0x0  }
0x1d: {  	s5 =	simm.s32 @p1 $0x1;
	p0 =	seq.s32 s7, s2  }
0x1e: {  	s7 =	smul.u32 @!p0 $0xF7A, s2;
	p2 =	seq.s32 @!p0 s5, $0x0  }
0x1f: {  	s9 =	smul.u32 $0xF7A, s1;
	s8 =	simm.s32 @!p0 $0x1BF5;
	p2 =	por !p2, p0  }
0x20: {  	[sflag:s8] =	ssyncset.s32 @!p0 $0xFFFFF086;
	s6 =	sadd.s32 @!p0 s3, s7;
	s7 =	simm.s32 @!p0 $0x108  }
0x21: {  	s3 =	sadd.s32 s3, s9;
	s6 =	sadd.s32 @!p0 $0x88, s6;
	s7 =	simm.s32 @p2 $0x1082  }
0x22: {  	[simem:s7], [sflag:s8] =	dma.local @!p0 [hbm:s6], $0xF7A  }
0x23: {  	s9 =	sor.u32 $0xD0000000, s2;
	s6 =	simm.s32 $0x108;
	_ =	swait.ge @!p0 [sflag:s8], $0x0  }
0x24: {  	s3 =	sadd.s32 $0x88, s3;
	s6 =	simm.s32 @!p1 $0x1082;
	[sflag:s4] =	ssyncset.s32 $0xFFFFF086  }
0x25: {  	[simem:s6], [sflag:s4] =	dma.local [hbm:s3], $0xF7A  }
0x26: {  	[smem:$0x3F92] =	sst s1;
	(tag) =	ssettag s2;
	_ =	strace s9  }
0x27: {  	s1 =	sld [smem:$0x3FA2]  }
0x28: {  	s2 =	sld [smem:$0x3FA3]  }
0x29: {  	s4 =	sld [smem:$0x3FA5]  }
0x2a: {  	p0 =	seq.s32 s5, $0x0;
	s5 =	sld [smem:$0x3FA6]  }
0x2b: {  	s6 =	sld [smem:$0x3FA7]  }
0x2c: {  	s7 =	sld [smem:$0x3FA8]  }
0x2d: {  	s3 =	simm.s32 $0x108;
	s8 =	sld [smem:$0x3FA9]  }
0x2e: {  	s3 =	simm.s32 @!p0 $0x1082;
	s9 =	sld [smem:$0x3FAA]  }
0x2f: {  	lr =	sadd.s32 s0, s3;
	s0 =	sld [smem:$0x3FA1]  }
0x30: {  	s3 =	sld [smem:$0x3FA4]  }
0x31: {  	[smem:$0x3FAD] =	sst s10  }
0x32: {  	s10 =	sld [smem:$0x3FAB];
	_ =	sdelay $0x3  }
0x33: {  	p0 =	seq.s32 s10, $0x1;
	s10 =	sld [smem:$0x3FAD];
	_ =	sdelay $0x3  }
0x34: {  	[smem:$0x3FAD] =	sst s10  }
0x35: {  	s10 =	sld [smem:$0x3FAC];
	_ =	sdelay $0x3  }
0x36: {  	p1 =	seq.s32 s10, $0x1;
	s10 =	sld [smem:$0x3FAD];
	_ =	sdelay $0x3  }
0x37: {  	[smem:$0x3FAD] =	sst s10  }
0x38: {  	s10 =	sld [smem:$0x3FAE]  }
0x39: {  	_ = 	snop;
	(pc) =	sbr.ind lr, $3  }
0x3a: {  	_ = 	snop  }
0x3b: {  	_ = 	snop  }
0x3c: {  	p2 =	seq.s32 s10, $0x1;
	s10 =	sld [smem:$0x3FAD]  }
0x3d: {  	_ =	shalt  }
0x3e: {  	_ =	shalt  }
0x3f: {  	_ =	shalt  }
0x40: {  	_ =	shalt  }
0x41: {  	_ =	shalt  }
0x42: {  	_ =	shalt  }
0x43: {  	_ =	shalt  }
0x44: {  	_ =	shalt  }
0x45: {  	_ =	shalt  }
0x46: {  	_ =	shalt  }
0x47: {  	_ =	shalt  }
0x48: {  	_ =	shalt  }
0x49: {  	_ =	shalt  }
0x4a: {  	_ =	shalt  }
0x4b: {  	_ =	shalt  }
0x4c: {  	_ =	shalt  }
0x4d: {  	_ =	shalt  }
0x4e: {  	_ =	shalt  }
0x4f: {  	_ =	shalt  }
0x50: {  	_ =	shalt  }
0x51: {  	_ =	shalt  }
0x52: {  	_ =	shalt  }
0x53: {  	_ =	shalt  }
0x54: {  	_ =	shalt  }
0x55: {  	_ =	shalt  }
0x56: {  	_ =	shalt  }
0x57: {  	_ =	shalt  }
0x58: {  	_ =	shalt  }
0x59: {  	_ =	shalt  }
0x5a: {  	_ =	shalt  }
0x5b: {  	_ =	shalt  }
0x5c: {  	_ =	shalt  }
0x5d: {  	_ =	shalt  }
0x5e: {  	_ =	shalt  }
0x5f: {  	_ =	shalt  }
0x60: {  	_ =	shalt  }
0x61: {  	_ =	shalt  }
0x62: {  	_ =	shalt  }
0x63: {  	_ =	shalt  }
0x64: {  	_ =	shalt  }
0x65: {  	_ =	shalt  }
0x66: {  	_ =	shalt  }
0x67: {  	_ =	shalt  }
0x68: {  	_ =	shalt  }
0x69: {  	_ =	shalt  }
0x6a: {  	_ =	shalt  }
0x6b: {  	_ =	shalt  }
0x6c: {  	_ =	shalt  }
0x6d: {  	_ =	shalt  }
0x6e: {  	_ =	shalt  }
0x6f: {  	_ =	shalt  }
0x70: {  	_ =	shalt  }
0x71: {  	_ =	shalt  }
0x72: {  	_ =	shalt  }
0x73: {  	_ =	shalt  }
0x74: {  	_ =	shalt  }
0x75: {  	_ =	shalt  }
0x76: {  	_ =	shalt  }
0x77: {  	_ =	shalt  }
0x78: {  	_ =	shalt  }
0x79: {  	_ =	shalt  }
0x7a: {  	_ =	shalt  }
0x7b: {  	_ =	shalt  }
0x7c: {  	_ =	shalt  }
0x7d: {  	_ =	shalt  }
0x7e: {  	_ =	shalt  }
0x7f: {  	_ =	shalt  }
0x80: {  	_ =	shalt  }
0x81: {  	_ =	shalt  }
0x82: {  	_ =	shalt  }
0x83: {  	_ =	shalt  }
0x84: {  	_ =	shalt  }
0x85: {  	_ =	shalt  }
0x86: {  	_ =	shalt  }
0x87: {  	_ =	shalt  }
.Lfunc_end0:
.L_simem_size_0:
called_computation.2_lowered:
.L_overlay_start_0:
0x88: {  	s2 =	sld [smem:$0x3FD9]  }
0x89: {  	s3 =	sld [smem:$0x3FFE];
	_ =	sdelay $0x1  }
0x8a: {  	s1 =	srdreg.scid  }
0x8b: {  	s0 =	sand.u32 $0x1, s1  }
0x8c: {  	s17 =	sshll.u32 s0, $0xA;
	s2 =	sadd.s32 s3, s2  }
0x8d: {  	s2 =	sadd.s32 s2, s17  }
0x8e: {  	[smem:$0x3FB9] =	sst s2  }
0x8f: {  	_ = 	snop  }
0x90: {  	(tm) =	ssettm $0x1  }
0x91: {  	s18 =	sld [smem:$0x3FFB];
	_ =	sdelay $0x3  }
0x92: {  	_ =	strace s18  }
0x93: {  	s2 =	sld [smem:$0x3FFC];
	_ =	sdelay $0x3  }
0x94: {  	_ =	strace s2  }
0x95: {  	s2 =	sld [smem:$0x3FFD];
	_ =	sdelay $0x3  }
0x96: {  	_ =	strace s2  }
0x97: {  	_ =	strace $0x8FFFFFFF  }
0x98: {  	s19 =	sld [smem:$0x3FDB];
	_ =	sdelay $0x1  }
0x99: {  	s20 =	simm.s32 $_scs_section_size  }
0x9a: {  	s4 =	simm.s32 $_size__tile_overlayer_lowered;
	s5 =	simm.s32 $_tile_overlayer_lowered  }
0x9b: {  	s6 =	simm.s32 $0x1BFF;
	s21 =	sshll.u32 s5, $0x1;
	s3 =	sadd.s32 s20, s19  }
0x9c: {  	s22 =	simm.s32 $0x0;
	s4 =	sshll.u32 s4, $0x1;
	s5 =	sadd.s32 s21, s3  }
0x9d: {  	[timem:s22], [sflag:s6] =	dma.local [hbm:s5], s4  }
0x9e: {  	_ =	swait.ge [sflag:s6], s4  }
0x9f: {  	s4 =	ssub.s32 $0x0, s4;
	[sflag:s6] =	ssyncset.done $0x0  }
0xa0: {  	[sflag:s6] =	ssyncadd.s32 s4;
	_ =	sdelay $0x1  }
0xa1: {  	s23 =	simm.s32 $0x1B8B  }
0xa2: {  	_ =	swait.ge [sflag:s23], $0x1  }
0xa3: {  	[sflag:s23] =	ssyncset.done $0x0  }
0xa4: {  	[sflag:s23] =	ssyncadd.s32 $0xFFFFFFFF  }
0xa5: {  	s4 =	sld [smem:$0x0]  }
0xa6: {  	s5 =	sand.u32 $0xFFFFFFFE, s1  }
0xa7: {  	p0 =	sne.s32 s1, s5  }
0xa8: {  	s5 =	sshll.u32 @p0 s5, $0xE  }
0xa9: {  	s5 =	sadd.s32 @p0 $0x11B8D, s5;
	s6 =	sshll.u32 @p0 s4, $0x11  }
0xaa: {  	s5 =	sor.u32 @p0 s6, s5  }
0xab: {  	[sflag:s5] =	ssyncadd.remote.s32 @p0 $0x1;
	_ =	sdelay $0x1  }
0xac: {  	s5 =	simm.s32 @p0 $0x1B8D  }
0xad: {  	_ =	swait.eq @p0 [sflag:s5], $0x1  }
0xae: {  	[sflag:s5] =	ssyncadd.s32 @p0 $0xFFFFFFFF  }
0xaf: {  	s6 =	sshll.u32 @!p0 s1, $0xE  }
0xb0: {  	s6 =	sor.u32 @!p0 $0x4000, s6;
	s5 =	simm.s32 @!p0 $0x1B8D  }
0xb1: {  	s4 =	sshll.u32 @!p0 s4, $0x11;
	s6 =	sadd.s32 @!p0 $0x11B8D, s6;
	_ =	swait.eq @!p0 [sflag:s5], $0x1  }
0xb2: {  	s4 =	sor.u32 @!p0 s4, s6;
	[sflag:s5] =	ssyncadd.s32 @!p0 $0xFFFFFFFF  }
0xb3: {  	s25 =	simm.s32 $0x1B8E;
	s24 =	sld [smem:$0x3FFE];
	[sflag:s4] =	ssyncadd.remote.s32 @!p0 $0x1  }
0xb4: {  	s26 =	simm.s32 $execute0_lowered;
	[smem:$0x3FD2] =	sst s25  }
0xb5: {  	s5 =	sshll.u32 s26, $0x1;
	_ =	strace $0x8000004C;
	[dreg:$0x1] =	wrdreg $0xFFFFFFFF  }
0xb6: {  	s28 =	simm.s32 $_size_execute0_lowered;
	s3 =	sadd.s32 s3, s5;
	[dreg:$0x0] =	wrdreg $0x0  }
0xb7: {  	s5 =	sshll.u32 s28, $0x1;
	[dreg:$0x2] =	wrdreg s3  }
0xb8: {  	[dreg:$0x3] =	wrdreg s5  }
0xb9: {  	[dreg:$0x4] =	wrdreg $0xC0  }
0xba: {  	_ =	task [dreg:s22], $0x5FFFF  }
0xbb: {  	[dreg:$0x1] =	wrdreg $0xFFFFFFFF  }
0xbc: {  	[dreg:$0x0] =	wrdreg $0x60  }
0xbd: {  	[dreg:$0x2] =	wrdreg s24  }
0xbe: {  	[dreg:$0x3] =	wrdreg $0xDD000  }
0xbf: {  	[dreg:$0x4] =	wrdreg $0xA  }
0xc0: {  	_ =	task.clear_ibuf [dreg:s22], $0x5FFFF;
	_ =	strace $0x9000004C  }
0xc1: {  	s29 =	simm.s32 $0xA;
	_ =	strace $0x8000004E  }
0xc2: {  	_ =	swait.ge [sflag:s29], $0x1  }
0xc3: {  	[sflag:s29] =	ssyncadd.s32 $0xFFFFFFFF  }
0xc4: {  	_ =	strace $0x9000004E  }
0xc5: {  	_ =	sfence  }
0xc6: {  	s30 =	sld [smem:$0x0];
	_ =	sdelay $0x2  }
0xc7: {  	s31 =	sshll.u32 s1, $0xD;
	s1 =	sshrl.u32 s1, $0x2  }
0xc8: {  	s4 =	sand.u32 $0x4000, s31;
	s1 =	sadd.s32 s1, s30  }
0xc9: {  	s0 =	sor.u32 s4, s0;
	s1 =	sshll.u32 s1, $0x11  }
0xca: {  	s0 =	sor.u32 s1, s0  }
0xcb: {  	s0 =	sadd.s32 $0x8F2B, s0  }
0xcc: {  	[sflag:s0] =	ssyncadd.remote.s32 $0x1  }
0xcd: {  	_ =	sfence.sel $0xFFFF  }
0xce: {  	[dreg:$0x0] =	wrdreg $0xFFFFFFFF;
	(pc) =	sbr.abs _section_cstart, $3  }
0xcf: {  	[dreg:$0x1] =	wrdreg $0xFFFFFFFF  }
0xd0: {  	_ =	task.clear_ibuf [dreg:s22], $0x2FFFF;
	_ =	strace $0x9FFFFFFF  }
0xd1: {  	(tm) =	ssettm $0x7FFFFFFF  }
tec
execute0_lowered:
.L_overlay_start_1:
0x0: {  	(tag) =	ssettag $0x1  }
0x1: {  	s0 =	rddreg [dreg:$0x0]  }
0x2: {  	s2 =	rddreg [dreg:$0x1];
	s3 =	simm.s32 $0x0  }
0x3: {  	s1 =	stileid.u32;
	s7 =	srdreg.scid;
	s18 =	simm.s32 $0x3  }
0x4: {  	s19 =	simm.s32 $0x4E80;
	s20 =	simm.s32 $0x80;
	s21 =	simm.s32 $0xBD00  }
0x5: {  	s22 =	simm.s32 $0x1;
	s23 =	simm.s32 $0x2;
	s24 =	simm.s32 $0x9B80  }
0x6: {  	s25 =	simm.s32 $0x4E00;
	s26 =	simm.s32 $0x9C00;
	s28 =	simm.s32 $0x9C80  }
0x7: {  	s29 =	simm.s32 $0x0;
	[smem:$0x7FF] =	sst s3;
	s6 =	smul.u32 $0x9D0, s1  }
0x8: {  	s4 =	sadd.s32 $0x18000, s0;
	s5 =	sadd.s32 $0x4000, s0;
	s8 =	smul.u32 $0x28000, s1  }
0x9: {  	s17 =	sand.u32 $0x1, s7;
	s30 =	sadd.s32 $0xB7200, s0;
	s15 =	smul.u32 $0xA000, s1  }
0xa: {  	s7 =	sadd.s32 $0x2C000, s0;
	_ =	strace $0x8000004D;
	[dreg:$0x3] =	wrdreg s30  }
0xb: {  	s9 =	ssub.s32 $0x2, s17;
	p0 =	sne.s32 s17, $0x0;
	s17 =	simm.s32 $0x9D00  }
.Ltmp0:
0xc: {  	s14 =	sadd.s32 s6, s0;
	s31 =	sshrl.u32 s9, $0x1;
	(pc) =	sbr.rel .LBB2_1-.Ltmp0, $4  }
0xd: {  	s10 =	sshrl.u32 s8, $0x2;
	s8 =	sadd.s32 s15, s2;
	s15 =	sshrl.u32 s15, $0x3  }
0xe: {  	s0 =	ssub.s32 s9, s31;
	s12 =	sadd.s32 s10, s2;
	s13 =	sadd.s32 $0x5DA00, s14  }
0xf: {  	s14 =	sadd.s32 $0x53C00, s14;
	s9 =	sadd.s32 $0x2000, s12;
	s10 =	sadd.s32 $0x4000, s12  }
0x10: {  	v0 =	vimm.f32 $0.0e+00;
	s11 =	sadd.s32 $0x6000, s12;
	s12 =	sadd.s32 $0x8000, s12;
	s16 =	smax.u32 s0, $0x1  }
.LBB2_9:
0x11: {  	[tilespmem:s21], [sflag:$0x2] =	stream.indirect.gather [hbm4b:s5+s20], $0x40, s0, s20, $0xb8;
	[tilespmem:$0x17D00] =	vst v63  }
0x12: {  	_ =	swait.ge [sflag:s22], $0x2000  }
0x13: {  	[sflag:s22] =	ssyncset.done $0x0  }
0x14: {  	[sflag:s22] =	ssyncadd.s32 $0xFFFFE000  }
0x15: {  	[spmem:s2] =	stream.indirect.scatter.add.f32 [tilespmem:s17], [sflag:$0x3], $0x40, s24, s20, $0xb8;
	[tilespmem:$0x17D00] =	vst v63  }
0x16: {  	_ =	swait.ge [sflag:s18], $0x2000  }
0x17: {  	[sflag:s18] =	ssyncset.done $0x0  }
0x18: {  	[sflag:s18] =	ssyncadd.s32 $0xFFFFE000  }
0x19: {  	[tilespmem:s17], [sflag:$0x1] =	stream.indirect.gather [hbm4b:s5+s20], $0x40, s25, s20, $0xb8;
	[tilespmem:$0x17D00] =	vst v63  }
0x1a: {  	_ =	swait.ge [sflag:s23], $0x2000  }
0x1b: {  	[sflag:s23] =	ssyncset.done $0x0  }
0x1c: {  	[sflag:s23] =	ssyncadd.s32 $0xFFFFE000  }
0x1d: {  	[spmem:s2] =	stream.indirect.scatter.add.f32 [tilespmem:s21], [sflag:$0x3], $0x40, s26, s20, $0xb8;
	[tilespmem:$0x17D00] =	vst v63  }
0x1e: {  	_ =	swait.ge [sflag:s18], $0x2000  }
0x1f: {  	[sflag:s18] =	ssyncset.done $0x0  }
0x20: {  	s30 =	smov.u32 s7;
	[sflag:s18] =	ssyncadd.s32 $0xFFFFE000  }
.LBB2_10:
0x21: {  	_ =	swait.ge [sflag:s22], $0x2000  }
0x22: {  	[sflag:s22] =	ssyncset.done $0x0  }
0x23: {  	[sflag:s22] =	ssyncadd.s32 $0xFFFFE000  }
0x24: {  	[spmem:s2] =	stream.indirect.scatter.add.f32 [tilespmem:s17], [sflag:$0x3], $0x40, s28, s20, $0xb8;
	[tilespmem:$0x17D00] =	vst v63  }
0x25: {  	s0 =	sadd.s32 s30, s15;
	_ =	swait.ge [sflag:s18], $0x2000  }
0x26: {  	s6 =	sshll.u32 s1, $0x6;
	s29 =	sadd.s32 $0x1, s29;
	[sflag:s18] =	ssyncset.done $0x0  }
0x27: {  	s31 =	sshrl.u32 s8, $0x3;
	p1 =	sne.s32 s29, s16;
	[sflag:s18] =	ssyncadd.s32 $0xFFFFE000  }
.Ltmp1:
0x28: {  	s6 =	sor.u32 $0x1C03, s6;
	[bflag:$0x0] =	sbarrier.arrive $0xFFFF;
	(pc) =	sbr.rel @!p1 .LBB2_11-.Ltmp1, $4  }
0x29: {  	[hbm:s0], [sflag:s6] =	dma.local [spmem:s31], $0x1400  }
0x2a: {  	_ =	swait.ge [sflag:s18], $0x1400  }
0x2b: {  	[sflag:s18] =	ssyncset.done $0x0  }
0x2c: {  	[sflag:s18] =	ssyncadd.s32 $0xFFFFEC00  }
.LBB2_1:
0x2d: {  	s0 =	sand.u32 $0x7F00, s3  }
0x2e: {  	s31 =	sand.u32 $0x30, s3;
	s0 =	sshrl.u32 s0, $0x2  }
0x2f: {  	s30 =	simm.s32 $0x40;
	s0 =	sor.u32 s31, s0;
	s31 =	simm.s32 $0x0  }
.LBB2_2:
0x30: {  	p1 =	sne.s32 s30, $0x7FC0  }
0x31: {  	[tilespmem:s0+$0x9D00] =	vst v0;
	s31 =	sadd.s32 $0x10, s31;
	s0 =	smov.u32 s30;
	s30 =	sadd.s32 $0x40, s30  }
.Ltmp2:
0x32: {  	(pc) =	sbr.rel @p1 .LBB2_2-.Ltmp2, $4  }
0x33: {  	_ = 	snop  }
0x34: {  	s0 =	sand.u32 $0x7F00, s0  }
0x35: {  	s6 =	sand.u32 $0x30, s31;
	s0 =	sshrl.u32 s0, $0x2  }
0x36: {  	s0 =	sor.u32 s6, s0  }
0x37: {  	[tilespmem:s0+$0x9D00] =	vst v0  }
0x38: {  	[spmem:s8] =	stream.linear.scatter [tilespmem:s17], [sflag:$0x3], $0x2000, $0x38;
	[tilespmem:$0x17D00] =	vst v63  }
0x39: {  	_ =	swait.ge [sflag:s18], $0x2000  }
0x3a: {  	[sflag:s18] =	ssyncset.done $0x0  }
0x3b: {  	[sflag:s18] =	ssyncadd.s32 $0xFFFFE000  }
0x3c: {  	[spmem:s9] =	stream.linear.scatter [tilespmem:s17], [sflag:$0x3], $0x2000, $0x38;
	[tilespmem:$0x17D00] =	vst v63  }
0x3d: {  	_ =	swait.ge [sflag:s18], $0x2000  }
0x3e: {  	[sflag:s18] =	ssyncset.done $0x0  }
0x3f: {  	[sflag:s18] =	ssyncadd.s32 $0xFFFFE000  }
0x40: {  	[spmem:s10] =	stream.linear.scatter [tilespmem:s17], [sflag:$0x3], $0x2000, $0x38;
	[tilespmem:$0x17D00] =	vst v63  }
0x41: {  	_ =	swait.ge [sflag:s18], $0x2000  }
0x42: {  	[sflag:s18] =	ssyncset.done $0x0  }
0x43: {  	[sflag:s18] =	ssyncadd.s32 $0xFFFFE000  }
0x44: {  	[spmem:s11] =	stream.linear.scatter [tilespmem:s17], [sflag:$0x3], $0x2000, $0x38;
	[tilespmem:$0x17D00] =	vst v63  }
0x45: {  	_ =	swait.ge [sflag:s18], $0x2000  }
0x46: {  	[sflag:s18] =	ssyncset.done $0x0  }
0x47: {  	[sflag:s18] =	ssyncadd.s32 $0xFFFFE000  }
0x48: {  	[spmem:s12] =	stream.linear.scatter [tilespmem:s17], [sflag:$0x3], $0x2000, $0x38;
	[tilespmem:$0x17D00] =	vst v63  }
0x49: {  	_ =	swait.ge [sflag:s18], $0x2000  }
0x4a: {  	[sflag:s18] =	ssyncset.done $0x0  }
0x4b: {  	[sflag:s18] =	ssyncadd.s32 $0xFFFFE000  }
0x4c: {  	[bflag:$0x0] =	sbarrier.arrive $0xFFFF  }
0x4d: {  	[tilespmem:s3], [sflag:$0x3] =	stream.linear.gather [hbm4b:s13+s3], $0x4E80, $0x38;
	[tilespmem:$0x17D00] =	vst v63  }
0x4e: {  	_ =	swait.ge [sflag:s18], $0x4E80  }
0x4f: {  	[sflag:s18] =	ssyncset.done $0x0  }
.Ltmp3:
0x50: {  	[sflag:s18] =	ssyncadd.s32 $0xFFFFB180;
	(pc) =	sbr.rel @p0 .LBB2_7-.Ltmp3, $4  }
0x51: {  	[tilespmem:s19], [sflag:$0x3] =	stream.linear.gather [hbm4b:s14+s3], $0x4E80, $0x38;
	[tilespmem:$0x17D00] =	vst v63  }
0x52: {  	_ =	swait.ge [sflag:s18], $0x4E80  }
0x53: {  	[sflag:s18] =	ssyncset.done $0x0  }
0x54: {  	s0 =	simm.s32 $0x0;
	[sflag:s18] =	ssyncadd.s32 $0xFFFFB180  }
0x55: {  	[tilespmem:s17], [sflag:$0x1] =	stream.indirect.gather [hbm4b:s4+s20], $0x40, s0, s20, $0xb8;
	[tilespmem:$0x17D00] =	vst v63  }
0x56: {  	_ = 	snop  }
0x57: {  	[tilespmem:s21], [sflag:$0x2] =	stream.indirect.gather [hbm4b:s4+s20], $0x40, s20, s20, $0xb8;
	[tilespmem:$0x17D00] =	vst v63  }
0x58: {  	_ =	swait.ge [sflag:s22], $0x2000  }
0x59: {  	[sflag:s22] =	ssyncset.done $0x0  }
0x5a: {  	s31 =	simm.s32 $0x4E80;
	[sflag:s22] =	ssyncadd.s32 $0xFFFFE000  }
0x5b: {  	[spmem:s2] =	stream.indirect.scatter.add.f32 [tilespmem:s17], [sflag:$0x3], $0x40, s31, s20, $0xb8;
	[tilespmem:$0x17D00] =	vst v63  }
0x5c: {  	_ =	swait.ge [sflag:s18], $0x2000  }
0x5d: {  	[sflag:s18] =	ssyncset.done $0x0  }
0x5e: {  	s6 =	simm.s32 $0x100;
	[sflag:s18] =	ssyncadd.s32 $0xFFFFE000  }
0x5f: {  	[tilespmem:s17], [sflag:$0x1] =	stream.indirect.gather [hbm4b:s4+s20], $0x40, s6, s20, $0xb8;
	[tilespmem:$0x17D00] =	vst v63  }
0x60: {  	_ =	swait.ge [sflag:s23], $0x2000  }
0x61: {  	[sflag:s23] =	ssyncset.done $0x0  }
0x62: {  	s31 =	simm.s32 $0x4F00;
	[sflag:s23] =	ssyncadd.s32 $0xFFFFE000  }
0x63: {  	[spmem:s2] =	stream.indirect.scatter.add.f32 [tilespmem:s21], [sflag:$0x3], $0x40, s31, s20, $0xb8;
	[tilespmem:$0x17D00] =	vst v63  }
0x64: {  	_ =	swait.ge [sflag:s18], $0x2000  }
0x65: {  	[sflag:s18] =	ssyncset.done $0x0  }
0x66: {  	s30 =	simm.s32 $0x400;
	s0 =	simm.s32 $0x180;
	[sflag:s18] =	ssyncadd.s32 $0xFFFFE000  }
.LBB2_5:
0x67: {  	[tilespmem:s21], [sflag:$0x2] =	stream.indirect.gather [hbm4b:s4+s20], $0x40, s0, s20, $0xb8;
	[tilespmem:$0x17D00] =	vst v63  }
0x68: {  	s0 =	smov.u32 s30  }
0x69: {  	p1 =	seq.s32 s30, $0x13000;
	s30 =	sadd.s32 $0x400, s30;
	_ =	swait.ge [sflag:s22], $0x2000  }
0x6a: {  	s0 =	sshra.s32 s0, $0x2;
	[sflag:s22] =	ssyncset.done $0x0  }
0x6b: {  	s6 =	sadd.s32 $0x4E80, s0;
	[sflag:s22] =	ssyncadd.s32 $0xFFFFE000  }
0x6c: {  	[spmem:s2] =	stream.indirect.scatter.add.f32 [tilespmem:s17], [sflag:$0x3], $0x40, s6, s20, $0xb8;
	[tilespmem:$0x17D00] =	vst v63  }
0x6d: {  	_ =	swait.ge [sflag:s18], $0x2000  }
0x6e: {  	[sflag:s18] =	ssyncset.done $0x0  }
0x6f: {  	s6 =	sadd.s32 $0x100, s0;
	[sflag:s18] =	ssyncadd.s32 $0xFFFFE000  }
0x70: {  	[tilespmem:s17], [sflag:$0x1] =	stream.indirect.gather [hbm4b:s4+s20], $0x40, s6, s20, $0xb8;
	[tilespmem:$0x17D00] =	vst v63  }
0x71: {  	_ =	swait.ge [sflag:s23], $0x2000  }
0x72: {  	[sflag:s23] =	ssyncset.done $0x0  }
.Ltmp4:
0x73: {  	s6 =	sadd.s32 $0x4F00, s0;
	[sflag:s23] =	ssyncadd.s32 $0xFFFFE000;
	(pc) =	sbr.rel @!p1 .LBB2_5-.Ltmp4, $4  }
0x74: {  	[spmem:s2] =	stream.indirect.scatter.add.f32 [tilespmem:s21], [sflag:$0x3], $0x40, s6, s20, $0xb8;
	[tilespmem:$0x17D00] =	vst v63  }
0x75: {  	_ =	swait.ge [sflag:s18], $0x2000  }
0x76: {  	[sflag:s18] =	ssyncset.done $0x0  }
0x77: {  	s0 =	sadd.s32 $0x180, s0;
	[sflag:s18] =	ssyncadd.s32 $0xFFFFE000  }
0x78: {  	[tilespmem:s21], [sflag:$0x2] =	stream.indirect.gather [hbm4b:s4+s20], $0x40, s0, s20, $0xb8;
	[tilespmem:$0x17D00] =	vst v63  }
0x79: {  	_ =	swait.ge [sflag:s22], $0x2000  }
0x7a: {  	[sflag:s22] =	ssyncset.done $0x0  }
0x7b: {  	[sflag:s22] =	ssyncadd.s32 $0xFFFFE000  }
0x7c: {  	[spmem:s2] =	stream.indirect.scatter.add.f32 [tilespmem:s17], [sflag:$0x3], $0x40, s24, s20, $0xb8;
	[tilespmem:$0x17D00] =	vst v63  }
0x7d: {  	_ =	swait.ge [sflag:s18], $0x2000  }
0x7e: {  	[sflag:s18] =	ssyncset.done $0x0  }
0x7f: {  	[sflag:s18] =	ssyncadd.s32 $0xFFFFE000  }
0x80: {  	[tilespmem:s17], [sflag:$0x1] =	stream.indirect.gather [hbm4b:s4+s20], $0x40, s25, s20, $0xb8;
	[tilespmem:$0x17D00] =	vst v63  }
0x81: {  	_ =	swait.ge [sflag:s23], $0x2000  }
0x82: {  	[sflag:s23] =	ssyncset.done $0x0  }
.Ltmp5:
0x83: {  	[sflag:s23] =	ssyncadd.s32 $0xFFFFE000;
	(pc) =	sbr.rel .LBB2_10-.Ltmp5, $4  }
0x84: {  	[spmem:s2] =	stream.indirect.scatter.add.f32 [tilespmem:s21], [sflag:$0x3], $0x40, s26, s20, $0xb8;
	[tilespmem:$0x17D00] =	vst v63  }
0x85: {  	_ =	swait.ge [sflag:s18], $0x2000  }
0x86: {  	[sflag:s18] =	ssyncset.done $0x0  }
0x87: {  	s30 =	rddreg [dreg:$0x3];
	[sflag:s18] =	ssyncadd.s32 $0xFFFFE000  }
.LBB2_7:
0x88: {  	[tilespmem:s17], [sflag:$0x1] =	stream.indirect.gather [hbm4b:s5+s20], $0x40, s0, s20, $0xb8;
	[tilespmem:$0x17D00] =	vst v63  }
0x89: {  	_ = 	snop  }
0x8a: {  	[tilespmem:s21], [sflag:$0x2] =	stream.indirect.gather [hbm4b:s5+s20], $0x40, s20, s20, $0xb8;
	[tilespmem:$0x17D00] =	vst v63  }
0x8b: {  	_ =	swait.ge [sflag:s22], $0x2000  }
0x8c: {  	[sflag:s22] =	ssyncset.done $0x0  }
0x8d: {  	s31 =	simm.s32 $0x4E80;
	[sflag:s22] =	ssyncadd.s32 $0xFFFFE000  }
0x8e: {  	[spmem:s2] =	stream.indirect.scatter.add.f32 [tilespmem:s17], [sflag:$0x3], $0x40, s31, s20, $0xb8;
	[tilespmem:$0x17D00] =	vst v63  }
0x8f: {  	_ =	swait.ge [sflag:s18], $0x2000  }
0x90: {  	[sflag:s18] =	ssyncset.done $0x0  }
0x91: {  	s6 =	simm.s32 $0x100;
	[sflag:s18] =	ssyncadd.s32 $0xFFFFE000  }
0x92: {  	[tilespmem:s17], [sflag:$0x1] =	stream.indirect.gather [hbm4b:s5+s20], $0x40, s6, s20, $0xb8;
	[tilespmem:$0x17D00] =	vst v63  }
0x93: {  	_ =	swait.ge [sflag:s23], $0x2000  }
0x94: {  	[sflag:s23] =	ssyncset.done $0x0  }
0x95: {  	s31 =	simm.s32 $0x4F00;
	[sflag:s23] =	ssyncadd.s32 $0xFFFFE000  }
0x96: {  	[spmem:s2] =	stream.indirect.scatter.add.f32 [tilespmem:s21], [sflag:$0x3], $0x40, s31, s20, $0xb8;
	[tilespmem:$0x17D00] =	vst v63  }
0x97: {  	_ =	swait.ge [sflag:s18], $0x2000  }
0x98: {  	[sflag:s18] =	ssyncset.done $0x0  }
0x99: {  	s30 =	simm.s32 $0x400;
	s0 =	simm.s32 $0x180;
	[sflag:s18] =	ssyncadd.s32 $0xFFFFE000  }
.LBB2_8:
0x9a: {  	[tilespmem:s21], [sflag:$0x2] =	stream.indirect.gather [hbm4b:s5+s20], $0x40, s0, s20, $0xb8;
	[tilespmem:$0x17D00] =	vst v63  }
0x9b: {  	s0 =	smov.u32 s30  }
0x9c: {  	p1 =	seq.s32 s30, $0x13000;
	s30 =	sadd.s32 $0x400, s30;
	_ =	swait.ge [sflag:s22], $0x2000  }
0x9d: {  	s0 =	sshra.s32 s0, $0x2;
	[sflag:s22] =	ssyncset.done $0x0  }
0x9e: {  	s6 =	sadd.s32 $0x4E80, s0;
	[sflag:s22] =	ssyncadd.s32 $0xFFFFE000  }
0x9f: {  	[spmem:s2] =	stream.indirect.scatter.add.f32 [tilespmem:s17], [sflag:$0x3], $0x40, s6, s20, $0xb8;
	[tilespmem:$0x17D00] =	vst v63  }
0xa0: {  	_ =	swait.ge [sflag:s18], $0x2000  }
0xa1: {  	[sflag:s18] =	ssyncset.done $0x0  }
0xa2: {  	s6 =	sadd.s32 $0x100, s0;
	[sflag:s18] =	ssyncadd.s32 $0xFFFFE000  }
0xa3: {  	[tilespmem:s17], [sflag:$0x1] =	stream.indirect.gather [hbm4b:s5+s20], $0x40, s6, s20, $0xb8;
	[tilespmem:$0x17D00] =	vst v63  }
0xa4: {  	_ =	swait.ge [sflag:s23], $0x2000  }
0xa5: {  	[sflag:s23] =	ssyncset.done $0x0  }
.Ltmp6:
0xa6: {  	s6 =	sadd.s32 $0x4F00, s0;
	[sflag:s23] =	ssyncadd.s32 $0xFFFFE000;
	(pc) =	sbr.rel @!p1 .LBB2_8-.Ltmp6, $4  }
0xa7: {  	[spmem:s2] =	stream.indirect.scatter.add.f32 [tilespmem:s21], [sflag:$0x3], $0x40, s6, s20, $0xb8;
	[tilespmem:$0x17D00] =	vst v63  }
0xa8: {  	_ =	swait.ge [sflag:s18], $0x2000  }
0xa9: {  	[sflag:s18] =	ssyncset.done $0x0  }
0xaa: {  	s0 =	sadd.s32 $0x180, s0;
	[sflag:s18] =	ssyncadd.s32 $0xFFFFE000  }
.Ltmp7:
0xab: {  	_ = 	snop;
	(pc) =	sbr.rel .LBB2_9-.Ltmp7, $1  }
0xac: {  	_ =	sdelay $0x3  }
.LBB2_11:
0xad: {  	_ =	sfence.sel $0x180000  }
0xae: {  	[bflag:$0x0] =	sbarrier.arrive $0xFFFF  }
0xaf: {  	_ =	strace $0x9000004D  }
0xb0: {  	[bflag:$0x2] =	sbarrier.arrive $0xFFFF  }
0xb1: {  	p0 =	sne.s32 s1, $0x0;
	s0 =	rddreg [dreg:$0x2]  }
0xb2: {  	s0 =	sadd.s32 @!p0 $0x100000, s0  }
0xb3: {  	[sflag:s0] =	ssyncadd.tile.s32 @!p0 $0x1;
	_ =	shalt  }
.Lfunc_end2:
_tile_overlayer_lowered:
.L_overlay_start_2:
0xb4: {  	(tag) =	ssettag $0x2  }
0xb5: {  	s0 =	rddreg [dreg:$0x0];
	s2 =	stileid.u32  }
0xb6: {  	s1 =	rddreg [dreg:$0x1];
	p0 =	sne.s32 s2, $0x0  }
0xb7: {  	s3 =	rddreg [dreg:$0x2];
	[bflag:$0x3] =	sbarrier.arrive $0xFFFF;
	s2 =	simm.s32 @!p0 $0x1C03  }
0xb8: {  	[timem:s3], [sflag:s2] =	dma.local @!p0 [hbm:s0], s1  }
0xb9: {  	s0 =	simm.s32 @!p0 $0x3  }
0xba: {  	_ =	swait.ge @!p0 [sflag:s0], s1  }
0xbb: {  	s1 =	ssub.s32 @!p0 $0x0, s1;
	[sflag:s0] =	ssyncset.done @!p0 $0x0  }
0xbc: {  	[sflag:s0] =	ssyncadd.s32 @!p0 s1  }
0xbd: {  	[bflag:$0x3] =	sbarrier.arrive $0xFFFF  }
0xbe: {  	_ =	shalt  }

// kernel: kernel.8.cloned.1.call-start
scs
__scs_entry_jumppad:
0x0: {  	(pc) =	sbr.rel $0x88, $3  }
0x1: {  	(tag) =	ssettag $0x0;
	lr =	simm.s32 $0x1  }
0x2: {  	[smem:$0x3F92] =	sst lr;
	_ =	strace $0xD0000000  }
0x3: {  	_ = 	snop  }
0x4: {  	_ = 	snop  }
0x5: {  	_ = 	snop  }
0x6: {  	_ = 	snop  }
0x7: {  	_ = 	snop  }
__scs_overlays_trampoline_lowered:
0x8: {  	[smem:$0x3FA1] =	sst s0  }
0x9: {  	[smem:$0x3FA2] =	sst s1  }
0xa: {  	[smem:$0x3FA3] =	sst s2  }
0xb: {  	[smem:$0x3FA4] =	sst s3  }
0xc: {  	[smem:$0x3FA5] =	sst s4  }
0xd: {  	[smem:$0x3FA6] =	sst s5  }
0xe: {  	[smem:$0x3FA7] =	sst s6  }
0xf: {  	[smem:$0x3FA8] =	sst s7  }
0x10: {  	[smem:$0x3FA9] =	sst s8  }
0x11: {  	[smem:$0x3FAA] =	sst s9;
	s0 =	simm.s32 @!p0 $0x0  }
0x12: {  	s1 =	sld [smem:$0x3F90];
	s0 =	simm.s32 @p0 $0x1  }
0x13: {  	[smem:$0x3FAB] =	sst s0;
	s0 =	simm.s32 @!p1 $0x0  }
0x14: {  	s2 =	sld [smem:$0x3F8F];
	s0 =	simm.s32 @p1 $0x1  }
0x15: {  	[smem:$0x3FAC] =	sst s0;
	s0 =	simm.s32 @!p2 $0x0  }
0x16: {  	s3 =	sld [smem:$0x3FDB];
	s0 =	simm.s32 @p2 $0x1  }
0x17: {  	s4 =	simm.s32 $0x1BF5;
	[smem:$0x3FAE] =	sst s0  }
0x18: {  	s0 =	sld [smem:$0x3F91];
	_ =	swait.ge [sflag:s4], $0x0  }
0x19: {  	s7 =	sld [smem:$0x3F92]  }
0x1a: {  	s8 =	sadd.s32 $0xFFFFE003, lr  }
0x1b: {  	s9 =	sadd.s32 $0xFFFFFEF7, lr;
	s5 =	simm.s32 $0xFFFFFFFF;
	p2 =	slt.u32 s8, $0xFFFFF086  }
0x1c: {  	p1 =	slt.u32 s9, $0xF7A;
	s5 =	simm.s32 @!p2 $0x0  }
0x1d: {  	s5 =	simm.s32 @p1 $0x1;
	p0 =	seq.s32 s7, s2  }
0x1e: {  	s7 =	smul.u32 @!p0 $0xF7A, s2;
	p2 =	seq.s32 @!p0 s5, $0x0  }
0x1f: {  	s9 =	smul.u32 $0xF7A, s1;
	s8 =	simm.s32 @!p0 $0x1BF5;
	p2 =	por !p2, p0  }
0x20: {  	[sflag:s8] =	ssyncset.s32 @!p0 $0xFFFFF086;
	s6 =	sadd.s32 @!p0 s3, s7;
	s7 =	simm.s32 @!p0 $0x108  }
0x21: {  	s3 =	sadd.s32 s3, s9;
	s6 =	sadd.s32 @!p0 $0x88, s6;
	s7 =	simm.s32 @p2 $0x1082  }
0x22: {  	[simem:s7], [sflag:s8] =	dma.local @!p0 [hbm:s6], $0xF7A  }
0x23: {  	s9 =	sor.u32 $0xD0000000, s2;
	s6 =	simm.s32 $0x108;
	_ =	swait.ge @!p0 [sflag:s8], $0x0  }
0x24: {  	s3 =	sadd.s32 $0x88, s3;
	s6 =	simm.s32 @!p1 $0x1082;
	[sflag:s4] =	ssyncset.s32 $0xFFFFF086  }
0x25: {  	[simem:s6], [sflag:s4] =	dma.local [hbm:s3], $0xF7A  }
0x26: {  	[smem:$0x3F92] =	sst s1;
	(tag) =	ssettag s2;
	_ =	strace s9  }
0x27: {  	s1 =	sld [smem:$0x3FA2]  }
0x28: {  	s2 =	sld [smem:$0x3FA3]  }
0x29: {  	s4 =	sld [smem:$0x3FA5]  }
0x2a: {  	p0 =	seq.s32 s5, $0x0;
	s5 =	sld [smem:$0x3FA6]  }
0x2b: {  	s6 =	sld [smem:$0x3FA7]  }
0x2c: {  	s7 =	sld [smem:$0x3FA8]  }
0x2d: {  	s3 =	simm.s32 $0x108;
	s8 =	sld [smem:$0x3FA9]  }
0x2e: {  	s3 =	simm.s32 @!p0 $0x1082;
	s9 =	sld [smem:$0x3FAA]  }
0x2f: {  	lr =	sadd.s32 s0, s3;
	s0 =	sld [smem:$0x3FA1]  }
0x30: {  	s3 =	sld [smem:$0x3FA4]  }
0x31: {  	[smem:$0x3FAD] =	sst s10  }
0x32: {  	s10 =	sld [smem:$0x3FAB];
	_ =	sdelay $0x3  }
0x33: {  	p0 =	seq.s32 s10, $0x1;
	s10 =	sld [smem:$0x3FAD];
	_ =	sdelay $0x3  }
0x34: {  	[smem:$0x3FAD] =	sst s10  }
0x35: {  	s10 =	sld [smem:$0x3FAC];
	_ =	sdelay $0x3  }
0x36: {  	p1 =	seq.s32 s10, $0x1;
	s10 =	sld [smem:$0x3FAD];
	_ =	sdelay $0x3  }
0x37: {  	[smem:$0x3FAD] =	sst s10  }
0x38: {  	s10 =	sld [smem:$0x3FAE]  }
0x39: {  	_ = 	snop;
	(pc) =	sbr.ind lr, $3  }
0x3a: {  	_ = 	snop  }
0x3b: {  	_ = 	snop  }
0x3c: {  	p2 =	seq.s32 s10, $0x1;
	s10 =	sld [smem:$0x3FAD]  }
0x3d: {  	_ =	shalt  }
0x3e: {  	_ =	shalt  }
0x3f: {  	_ =	shalt  }
0x40: {  	_ =	shalt  }
0x41: {  	_ =	shalt  }
0x42: {  	_ =	shalt  }
0x43: {  	_ =	shalt  }
0x44: {  	_ =	shalt  }
0x45: {  	_ =	shalt  }
0x46: {  	_ =	shalt  }
0x47: {  	_ =	shalt  }
0x48: {  	_ =	shalt  }
0x49: {  	_ =	shalt  }
0x4a: {  	_ =	shalt  }
0x4b: {  	_ =	shalt  }
0x4c: {  	_ =	shalt  }
0x4d: {  	_ =	shalt  }
0x4e: {  	_ =	shalt  }
0x4f: {  	_ =	shalt  }
0x50: {  	_ =	shalt  }
0x51: {  	_ =	shalt  }
0x52: {  	_ =	shalt  }
0x53: {  	_ =	shalt  }
0x54: {  	_ =	shalt  }
0x55: {  	_ =	shalt  }
0x56: {  	_ =	shalt  }
0x57: {  	_ =	shalt  }
0x58: {  	_ =	shalt  }
0x59: {  	_ =	shalt  }
0x5a: {  	_ =	shalt  }
0x5b: {  	_ =	shalt  }
0x5c: {  	_ =	shalt  }
0x5d: {  	_ =	shalt  }
0x5e: {  	_ =	shalt  }
0x5f: {  	_ =	shalt  }
0x60: {  	_ =	shalt  }
0x61: {  	_ =	shalt  }
0x62: {  	_ =	shalt  }
0x63: {  	_ =	shalt  }
0x64: {  	_ =	shalt  }
0x65: {  	_ =	shalt  }
0x66: {  	_ =	shalt  }
0x67: {  	_ =	shalt  }
0x68: {  	_ =	shalt  }
0x69: {  	_ =	shalt  }
0x6a: {  	_ =	shalt  }
0x6b: {  	_ =	shalt  }
0x6c: {  	_ =	shalt  }
0x6d: {  	_ =	shalt  }
0x6e: {  	_ =	shalt  }
0x6f: {  	_ =	shalt  }
0x70: {  	_ =	shalt  }
0x71: {  	_ =	shalt  }
0x72: {  	_ =	shalt  }
0x73: {  	_ =	shalt  }
0x74: {  	_ =	shalt  }
0x75: {  	_ =	shalt  }
0x76: {  	_ =	shalt  }
0x77: {  	_ =	shalt  }
0x78: {  	_ =	shalt  }
0x79: {  	_ =	shalt  }
0x7a: {  	_ =	shalt  }
0x7b: {  	_ =	shalt  }
0x7c: {  	_ =	shalt  }
0x7d: {  	_ =	shalt  }
0x7e: {  	_ =	shalt  }
0x7f: {  	_ =	shalt  }
0x80: {  	_ =	shalt  }
0x81: {  	_ =	shalt  }
0x82: {  	_ =	shalt  }
0x83: {  	_ =	shalt  }
0x84: {  	_ =	shalt  }
0x85: {  	_ =	shalt  }
0x86: {  	_ =	shalt  }
0x87: {  	_ =	shalt  }
.Lfunc_end0:
.L_simem_size_0:
called_computation_lowered:
.L_overlay_start_0:
0x88: {  	s2 =	sld [smem:$0x3FD9]  }
0x89: {  	s3 =	sld [smem:$0x3FFE];
	_ =	sdelay $0x1  }
0x8a: {  	s1 =	srdreg.scid  }
0x8b: {  	s0 =	sand.u32 $0x1, s1  }
0x8c: {  	s17 =	sshll.u32 s0, $0xA;
	s2 =	sadd.s32 s3, s2  }
0x8d: {  	s2 =	sadd.s32 s2, s17  }
0x8e: {  	[smem:$0x3FB9] =	sst s2  }
0x8f: {  	_ = 	snop  }
0x90: {  	s2 =	sld [smem:$0x3FD0];
	(tm) =	ssettm $0x1  }
0x91: {  	s18 =	sld [smem:$0x3FFB];
	_ =	sdelay $0x3  }
0x92: {  	_ =	strace s18  }
0x93: {  	s3 =	sld [smem:$0x3FFC];
	_ =	sdelay $0x3  }
0x94: {  	_ =	strace s3  }
0x95: {  	s3 =	sld [smem:$0x3FFD];
	_ =	sdelay $0x3  }
0x96: {  	_ =	strace s3  }
0x97: {  	_ =	strace $0x8FFFFFFF  }
0x98: {  	s19 =	sld [smem:$0x3FDB];
	_ =	sdelay $0x1  }
0x99: {  	s4 =	simm.s32 $_scs_section_size  }
0x9a: {  	s5 =	simm.s32 $_size__tile_overlayer_lowered;
	s6 =	simm.s32 $_tile_overlayer_lowered  }
0x9b: {  	s22 =	simm.s32 $0x1BFF;
	s21 =	sshll.u32 s6, $0x1;
	s3 =	sadd.s32 s4, s19  }
0x9c: {  	s7 =	simm.s32 $0x0;
	s20 =	sshll.u32 s5, $0x1;
	s5 =	sadd.s32 s21, s3  }
0x9d: {  	[timem:s7], [sflag:s22] =	dma.local [hbm:s5], s20  }
0x9e: {  	_ =	swait.ge [sflag:s22], s20  }
0x9f: {  	s4 =	ssub.s32 $0x0, s20;
	[sflag:s22] =	ssyncset.done $0x0  }
0xa0: {  	[sflag:s22] =	ssyncadd.s32 s4;
	_ =	sdelay $0x1  }
0xa1: {  	s23 =	simm.s32 $0x1B8B  }
0xa2: {  	_ =	swait.ge [sflag:s23], $0x1  }
0xa3: {  	[sflag:s23] =	ssyncset.done $0x0  }
0xa4: {  	s25 =	simm.s32 $0x1B8E;
	s24 =	sld [smem:$0x3FFE];
	[sflag:s23] =	ssyncadd.s32 $0xFFFFFFFF  }
0xa5: {  	s26 =	simm.s32 $execute0_lowered;
	[smem:$0x3FD2] =	sst s25  }
0xa6: {  	s5 =	sshll.u32 s26, $0x1;
	_ =	strace $0x80000046;
	[dreg:$0x1] =	wrdreg $0xFFFFFFFF  }
0xa7: {  	s28 =	simm.s32 $_size_execute0_lowered;
	s3 =	sadd.s32 s3, s5;
	[dreg:$0x0] =	wrdreg $0x0  }
0xa8: {  	s5 =	sshll.u32 s28, $0x1;
	[dreg:$0x2] =	wrdreg s3  }
0xa9: {  	[dreg:$0x3] =	wrdreg s5  }
0xaa: {  	[dreg:$0x4] =	wrdreg $0xC0  }
0xab: {  	_ =	task [dreg:s7], $0x5FFFF  }
0xac: {  	[dreg:$0x1] =	wrdreg $0xFFFFFFFF  }
0xad: {  	[dreg:$0x0] =	wrdreg $0x60  }
0xae: {  	[dreg:$0x2] =	wrdreg s2  }
0xaf: {  	[dreg:$0x3] =	wrdreg s24  }
0xb0: {  	[dreg:$0x4] =	wrdreg $0xE0000  }
0xb1: {  	[dreg:$0x5] =	wrdreg $0x180000  }
0xb2: {  	[dreg:$0x6] =	wrdreg $0xA  }
0xb3: {  	_ =	task.clear_ibuf [dreg:s7], $0x7FFFF;
	_ =	strace $0x90000046  }
0xb4: {  	s29 =	simm.s32 $0xA;
	_ =	strace $0x80000048  }
0xb5: {  	_ =	swait.ge [sflag:s29], $0x1  }
0xb6: {  	[sflag:s29] =	ssyncadd.s32 $0xFFFFFFFF  }
0xb7: {  	_ =	strace $0x90000048  }
0xb8: {  	_ =	sfence  }
0xb9: {  	s30 =	sld [smem:$0x0];
	_ =	sdelay $0x2  }
0xba: {  	s31 =	sshll.u32 s1, $0xD;
	s1 =	sshrl.u32 s1, $0x2  }
0xbb: {  	s3 =	sand.u32 $0x4000, s31;
	s1 =	sadd.s32 s1, s30  }
0xbc: {  	s0 =	sor.u32 s3, s0;
	s1 =	sshll.u32 s1, $0x11  }
0xbd: {  	s0 =	sor.u32 s1, s0  }
0xbe: {  	s0 =	sadd.s32 $0x8F2B, s0  }
0xbf: {  	[sflag:s0] =	ssyncadd.remote.s32 $0x1  }
0xc0: {  	_ =	sfence.sel $0xFFFF  }
0xc1: {  	[dreg:$0x0] =	wrdreg $0xFFFFFFFF;
	(pc) =	sbr.abs _section_cstart, $3  }
0xc2: {  	[dreg:$0x1] =	wrdreg $0xFFFFFFFF  }
0xc3: {  	_ =	task.clear_ibuf [dreg:s7], $0x2FFFF;
	_ =	strace $0x9FFFFFFF  }
0xc4: {  	(tm) =	ssettm $0x7FFFFFFF  }
0xc5: {  	_ =	shalt  }
tec
execute0_lowered:
.L_overlay_start_1:
0x0: {  	(tag) =	ssettag $0x1  }
0x1: {  	s1 =	rddreg [dreg:$0x0]  }
0x2: {  	s0 =	rddreg [dreg:$0x1]  }
0x3: {  	s3 =	rddreg [dreg:$0x2]  }
0x4: {  	s4 =	rddreg [dreg:$0x3];
	s5 =	simm.s32 $0x0;
	s2 =	stileid.u32  }
0x5: {  	s9 =	srdreg.scid;
	s19 =	simm.s32 $0x9D00;
	s20 =	simm.s32 $0x3  }
0x6: {  	s28 =	simm.s32 $0x2;
	s29 =	simm.s32 $0x9B80;
	s7 =	smul.u32 $0x9D0, s2  }
0x7: {  	s30 =	simm.s32 $0x4E00;
	s31 =	simm.s32 $0x9C00;
	s8 =	smul.u32 $0xA000, s2  }
0x8: {  	s21 =	simm.s32 $0x0;
	[smem:$0x7FF] =	sst s5;
	s14 =	smul.u32 $0x280, s2  }
0x9: {  	s6 =	sadd.s32 $0x4000, s0;
	s16 =	sand.u32 $0x1, s9;
	s22 =	smul.u32 $0x28000, s2  }
0xa: {  	_ =	strace $0x80000047;
	s23 =	ssub.s32 $0x2, s16;
	p0 =	sne.s32 s16, $0x0  }
0xb: {  	s10 =	sshrl.u32 s8, $0x3;
	s13 =	sadd.s32 s7, s0;
	s24 =	sshrl.u32 s14, $0x3  }
0xc: {  	s11 =	sshrl.u32 s23, $0x1;
	s9 =	sshrl.u32 s22, $0x2;
	s7 =	sadd.s32 s8, s3  }
0xd: {  	s17 =	sadd.s32 s10, s0;
	s0 =	sadd.s32 s24, s0;
	s18 =	ssub.s32 s23, s11  }
0xe: {  	s25 =	sadd.s32 s9, s3;
	s12 =	sadd.s32 $0x21800, s13;
	s13 =	sadd.s32 $0x17A00, s13  }
0xf: {  	s23 =	simm.s32 $0x80;
	s24 =	simm.s32 $0xBD00;
	s8 =	sadd.s32 $0x2000, s25  }
.Ltmp0:
0x10: {  	s9 =	sadd.s32 $0x4000, s25;
	s10 =	sadd.s32 $0x6000, s25;
	(pc) =	sbr.rel .LBB2_1-.Ltmp0, $4  }
0x11: {  	s11 =	sadd.s32 $0x8000, s25;
	s15 =	sadd.s32 $0x2B600, s17;
	s26 =	sadd.s32 $0x3F600, s17  }
0x12: {  	s0 =	sadd.s32 $0x53600, s0;
	s18 =	smax.u32 s18, $0x1;
	[dreg:$0x5] =	wrdreg s15  }
0x13: {  	s25 =	simm.s32 $0x1;
	s15 =	sadd.s32 s14, s4;
	[dreg:$0x6] =	wrdreg s26  }
0x14: {  	v0 =	vimm.f32 $0.0e+00;
	v1 =	vimm.f32 $1.000000000e+00;
	[dreg:$0x7] =	wrdreg s0;
	s26 =	simm.s32 $0xDD00;
	s0 =	simm.s32 $0x9C80  }
.LBB2_9:
0x15: {  	[tilespmem:s24], [sflag:$0x2] =	stream.indirect.gather [hbm4b:s6+s23], $0x40, s14, s23, $0xb8;
	[tilespmem:$0x18280] =	vst v63  }
0x16: {  	_ =	swait.ge [sflag:s25], $0x2000  }
0x17: {  	[sflag:s25] =	ssyncset.done $0x0  }
0x18: {  	[sflag:s25] =	ssyncadd.s32 $0xFFFFE000  }
0x19: {  	[spmem:s3] =	stream.indirect.scatter.add.f32 [tilespmem:s19], [sflag:$0x3], $0x40, s29, s23, $0xb8;
	[tilespmem:$0x18280] =	vst v63  }
0x1a: {  	_ =	swait.ge [sflag:s20], $0x2000  }
0x1b: {  	[sflag:s20] =	ssyncset.done $0x0  }
0x1c: {  	[sflag:s20] =	ssyncadd.s32 $0xFFFFE000  }
0x1d: {  	[tilespmem:s19], [sflag:$0x1] =	stream.indirect.gather [hbm4b:s6+s23], $0x40, s30, s23, $0xb8;
	[tilespmem:$0x18280] =	vst v63  }
0x1e: {  	_ =	swait.ge [sflag:s28], $0x2000  }
0x1f: {  	[sflag:s28] =	ssyncset.done $0x0  }
0x20: {  	[sflag:s28] =	ssyncadd.s32 $0xFFFFE000  }
0x21: {  	[spmem:s3] =	stream.indirect.scatter.add.f32 [tilespmem:s24], [sflag:$0x3], $0x40, s31, s23, $0xb8;
	[tilespmem:$0x18280] =	vst v63  }
0x22: {  	_ =	swait.ge [sflag:s20], $0x2000  }
0x23: {  	[sflag:s20] =	ssyncset.done $0x0  }
0x24: {  	[sflag:s20] =	ssyncadd.s32 $0xFFFFE000  }
0x25: {  	_ =	swait.ge [sflag:s25], $0x2000  }
0x26: {  	[sflag:s25] =	ssyncset.done $0x0  }
0x27: {  	[sflag:s25] =	ssyncadd.s32 $0xFFFFE000  }
0x28: {  	[spmem:s3] =	stream.indirect.scatter.add.f32 [tilespmem:s19], [sflag:$0x3], $0x40, s0, s23, $0xb8;
	[tilespmem:$0x18280] =	vst v63  }
0x29: {  	_ =	swait.ge [sflag:s20], $0x2000  }
0x2a: {  	[sflag:s20] =	ssyncset.done $0x0  }
0x2b: {  	[sflag:s20] =	ssyncadd.s32 $0xFFFFE000  }
0x2c: {  	s22 =	sshll.u32 s2, $0x6;
	[bflag:$0x0] =	sbarrier.arrive $0xFFFF  }
0x2d: {  	s16 =	sshrl.u32 s7, $0x3;
	s14 =	sor.u32 $0x1C03, s22;
	s17 =	rddreg [dreg:$0x5]  }
0x2e: {  	[hbm:s17], [sflag:s14] =	dma.local [spmem:s16], $0x1400  }
0x2f: {  	_ =	swait.ge [sflag:s20], $0x1400  }
0x30: {  	[sflag:s20] =	ssyncset.done $0x0  }
0x31: {  	[sflag:s20] =	ssyncadd.s32 $0xFFFFEC00  }
.LBB2_10:
0x32: {  	s21 =	sadd.s32 $0x1, s21  }
0x33: {  	p1 =	sne.s32 s21, s18  }
.Ltmp1:
0x34: {  	_ = 	snop;
	(pc) =	sbr.rel @!p1 .LBB2_11-.Ltmp1, $1  }
0x35: {  	_ =	sdelay $0x3  }
.LBB2_1:
0x36: {  	s14 =	sand.u32 $0x7F00, s5  }
0x37: {  	s16 =	sand.u32 $0x30, s5;
	s14 =	sshrl.u32 s14, $0x2  }
0x38: {  	s22 =	simm.s32 $0x40;
	s16 =	sor.u32 s16, s14;
	s14 =	simm.s32 $0x0  }
.LBB2_2:
0x39: {  	p1 =	sne.s32 s22, $0x7FC0  }
0x3a: {  	[tilespmem:s16+$0x9D00] =	vst v0;
	s14 =	sadd.s32 $0x10, s14;
	s16 =	smov.u32 s22;
	s22 =	sadd.s32 $0x40, s22  }
.Ltmp2:
0x3b: {  	(pc) =	sbr.rel @p1 .LBB2_2-.Ltmp2, $4  }
0x3c: {  	_ = 	snop  }
0x3d: {  	s16 =	sand.u32 $0x7F00, s16  }
0x3e: {  	s17 =	sand.u32 $0x30, s14;
	s16 =	sshrl.u32 s16, $0x2  }
0x3f: {  	s16 =	sor.u32 s17, s16  }
0x40: {  	[tilespmem:s16+$0x9D00] =	vst v0  }
0x41: {  	[tilespmem:$0xDD00] =	vst v1  }
0x42: {  	[tilespmem:$0xDD10] =	vst v1  }
0x43: {  	[tilespmem:$0xDD20] =	vst v1  }
0x44: {  	[tilespmem:$0xDD30] =	vst v1  }
0x45: {  	[tilespmem:$0xDD40] =	vst v1  }
0x46: {  	[tilespmem:$0xDD50] =	vst v1  }
0x47: {  	[tilespmem:$0xDD60] =	vst v1  }
0x48: {  	[tilespmem:$0xDD70] =	vst v1  }
0x49: {  	[tilespmem:$0xDD80] =	vst v0  }
0x4a: {  	[tilespmem:$0xDD90] =	vst v0  }
0x4b: {  	[tilespmem:$0xDDA0] =	vst v0  }
0x4c: {  	[tilespmem:$0xDDB0] =	vst v0  }
0x4d: {  	[tilespmem:$0xDDC0] =	vst v0  }
0x4e: {  	[tilespmem:$0xDDD0] =	vst v0  }
0x4f: {  	[tilespmem:$0xDDE0] =	vst v0  }
0x50: {  	[tilespmem:$0xDDF0] =	vst v0  }
0x51: {  	[tilespmem:$0xDE00] =	vst v0  }
0x52: {  	[tilespmem:$0xDE10] =	vst v0  }
0x53: {  	[tilespmem:$0xDE20] =	vst v0  }
0x54: {  	[tilespmem:$0xDE30] =	vst v0  }
0x55: {  	[tilespmem:$0xDE40] =	vst v0  }
0x56: {  	[tilespmem:$0xDE50] =	vst v0  }
0x57: {  	[tilespmem:$0xDE60] =	vst v0  }
0x58: {  	[tilespmem:$0xDE70] =	vst v0  }
0x59: {  	[tilespmem:$0xDE80] =	vst v0  }
0x5a: {  	[tilespmem:$0xDE90] =	vst v0  }
0x5b: {  	[tilespmem:$0xDEA0] =	vst v0  }
0x5c: {  	[tilespmem:$0xDEB0] =	vst v0  }
0x5d: {  	[tilespmem:$0xDEC0] =	vst v0  }
0x5e: {  	[tilespmem:$0xDED0] =	vst v0  }
0x5f: {  	[tilespmem:$0xDEE0] =	vst v0  }
0x60: {  	[tilespmem:$0xDEF0] =	vst v0  }
0x61: {  	[tilespmem:$0xDF00] =	vst v0  }
0x62: {  	[tilespmem:$0xDF10] =	vst v0  }
0x63: {  	[tilespmem:$0xDF20] =	vst v0  }
0x64: {  	[tilespmem:$0xDF30] =	vst v0  }
0x65: {  	[tilespmem:$0xDF40] =	vst v0  }
0x66: {  	[tilespmem:$0xDF50] =	vst v0  }
0x67: {  	[tilespmem:$0xDF60] =	vst v0  }
0x68: {  	[tilespmem:$0xDF70] =	vst v0  }
0x69: {  	[tilespmem:$0xDF80] =	vst v0  }
0x6a: {  	[tilespmem:$0xDF90] =	vst v0  }
0x6b: {  	[tilespmem:$0xDFA0] =	vst v0  }
0x6c: {  	[tilespmem:$0xDFB0] =	vst v0  }
0x6d: {  	[tilespmem:$0xDFC0] =	vst v0  }
0x6e: {  	[tilespmem:$0xDFD0] =	vst v0  }
0x6f: {  	[tilespmem:$0xDFE0] =	vst v0  }
0x70: {  	[tilespmem:$0xDFF0] =	vst v0  }
0x71: {  	[spmem:s7] =	stream.linear.scatter [tilespmem:s19], [sflag:$0x3], $0x2000, $0x38;
	[tilespmem:$0x18280] =	vst v63  }
0x72: {  	_ =	swait.ge [sflag:s20], $0x2000  }
0x73: {  	[sflag:s20] =	ssyncset.done $0x0  }
0x74: {  	[sflag:s20] =	ssyncadd.s32 $0xFFFFE000  }
0x75: {  	[spmem:s8] =	stream.linear.scatter [tilespmem:s19], [sflag:$0x3], $0x2000, $0x38;
	[tilespmem:$0x18280] =	vst v63  }
0x76: {  	_ =	swait.ge [sflag:s20], $0x2000  }
0x77: {  	[sflag:s20] =	ssyncset.done $0x0  }
0x78: {  	[sflag:s20] =	ssyncadd.s32 $0xFFFFE000  }
0x79: {  	[spmem:s9] =	stream.linear.scatter [tilespmem:s19], [sflag:$0x3], $0x2000, $0x38;
	[tilespmem:$0x18280] =	vst v63  }
0x7a: {  	_ =	swait.ge [sflag:s20], $0x2000  }
0x7b: {  	[sflag:s20] =	ssyncset.done $0x0  }
0x7c: {  	[sflag:s20] =	ssyncadd.s32 $0xFFFFE000  }
0x7d: {  	[spmem:s10] =	stream.linear.scatter [tilespmem:s19], [sflag:$0x3], $0x2000, $0x38;
	[tilespmem:$0x18280] =	vst v63  }
0x7e: {  	_ =	swait.ge [sflag:s20], $0x2000  }
0x7f: {  	[sflag:s20] =	ssyncset.done $0x0  }
.Ltmp3:
0x80: {  	[sflag:s20] =	ssyncadd.s32 $0xFFFFE000;
	(pc) =	sbr.rel @p0 .LBB2_7-.Ltmp3, $4  }
0x81: {  	[spmem:s11] =	stream.linear.scatter [tilespmem:s19], [sflag:$0x3], $0x2000, $0x38;
	[tilespmem:$0x18280] =	vst v63  }
0x82: {  	_ =	swait.ge [sflag:s20], $0x2000  }
0x83: {  	[sflag:s20] =	ssyncset.done $0x0  }
0x84: {  	[sflag:s20] =	ssyncadd.s32 $0xFFFFE000  }
0x85: {  	s14 =	simm.s32 $0xDD80  }
0x86: {  	[spmem:s15] =	stream.linear.scatter [tilespmem:s14], [sflag:$0x3], $0x280, $0x38;
	[tilespmem:$0x18280] =	vst v63  }
0x87: {  	_ =	swait.ge [sflag:s20], $0x280  }
0x88: {  	[sflag:s20] =	ssyncset.done $0x0  }
0x89: {  	[sflag:s20] =	ssyncadd.s32 $0xFFFFFD80  }
0x8a: {  	s22 =	simm.s32 $0x0;
	[bflag:$0x0] =	sbarrier.arrive $0xFFFF  }
0x8b: {  	[tilespmem:s22], [sflag:$0x3] =	stream.linear.gather [hbm4b:s12+s22], $0x4E80, $0x38;
	[tilespmem:$0x18280] =	vst v63  }
0x8c: {  	_ =	swait.ge [sflag:s20], $0x4E80  }
0x8d: {  	[sflag:s20] =	ssyncset.done $0x0  }
0x8e: {  	s16 =	simm.s32 $0x4E80;
	[sflag:s20] =	ssyncadd.s32 $0xFFFFB180  }
0x8f: {  	[tilespmem:s16], [sflag:$0x3] =	stream.linear.gather [hbm4b:s13+s22], $0x4E80, $0x38;
	[tilespmem:$0x18280] =	vst v63  }
0x90: {  	_ =	swait.ge [sflag:s20], $0x4E80  }
0x91: {  	[sflag:s20] =	ssyncset.done $0x0  }
0x92: {  	[sflag:s20] =	ssyncadd.s32 $0xFFFFB180  }
0x93: {  	[tilespmem:s19], [sflag:$0x1] =	stream.indirect.gather [hbm4b:s1+s23], $0x40, s22, s23, $0xb8;
	[tilespmem:$0x18280] =	vst v63  }
0x94: {  	_ = 	snop  }
0x95: {  	[tilespmem:s24], [sflag:$0x2] =	stream.indirect.gather [hbm4b:s1+s23], $0x40, s23, s23, $0xb8;
	[tilespmem:$0x18280] =	vst v63  }
0x96: {  	_ =	swait.ge [sflag:s25], $0x2000  }
0x97: {  	[sflag:s25] =	ssyncset.done $0x0  }
0x98: {  	s16 =	simm.s32 $0x4E80;
	[sflag:s25] =	ssyncadd.s32 $0xFFFFE000  }
0x99: {  	[spmem:s3] =	stream.indirect.scatter.add.f32 [tilespmem:s19], [sflag:$0x3], $0x40, s16, s23, $0xb8;
	[tilespmem:$0x18280] =	vst v63  }
0x9a: {  	_ =	swait.ge [sflag:s20], $0x2000  }
0x9b: {  	[sflag:s20] =	ssyncset.done $0x0  }
0x9c: {  	[sflag:s20] =	ssyncadd.s32 $0xFFFFE000  }
0x9d: {  	[spmem:s4] =	stream.indirect.scatter.add.f32 [tilespmem:s26], [sflag:$0x3], $0x1, s16, s23, $0xb8;
	[tilespmem:$0x18280] =	vst v63  }
0x9e: {  	_ =	swait.ge [sflag:s20], $0x80  }
0x9f: {  	[sflag:s20] =	ssyncset.done $0x0  }
0xa0: {  	s17 =	simm.s32 $0x100;
	[sflag:s20] =	ssyncadd.s32 $0xFFFFFF80  }
0xa1: {  	[tilespmem:s19], [sflag:$0x1] =	stream.indirect.gather [hbm4b:s1+s23], $0x40, s17, s23, $0xb8;
	[tilespmem:$0x18280] =	vst v63  }
0xa2: {  	_ =	swait.ge [sflag:s28], $0x2000  }
0xa3: {  	[sflag:s28] =	ssyncset.done $0x0  }
0xa4: {  	s22 =	simm.s32 $0x4F00;
	[sflag:s28] =	ssyncadd.s32 $0xFFFFE000  }
0xa5: {  	[spmem:s3] =	stream.indirect.scatter.add.f32 [tilespmem:s24], [sflag:$0x3], $0x40, s22, s23, $0xb8;
	[tilespmem:$0x18280] =	vst v63  }
0xa6: {  	_ =	swait.ge [sflag:s20], $0x2000  }
0xa7: {  	[sflag:s20] =	ssyncset.done $0x0  }
0xa8: {  	[sflag:s20] =	ssyncadd.s32 $0xFFFFE000  }
0xa9: {  	[spmem:s4] =	stream.indirect.scatter.add.f32 [tilespmem:s26], [sflag:$0x3], $0x1, s22, s23, $0xb8;
	[tilespmem:$0x18280] =	vst v63  }
0xaa: {  	_ =	swait.ge [sflag:s20], $0x80  }
0xab: {  	[sflag:s20] =	ssyncset.done $0x0  }
0xac: {  	s14 =	simm.s32 $0x180;
	s22 =	simm.s32 $0x400;
	[sflag:s20] =	ssyncadd.s32 $0xFFFFFF80  }
.LBB2_5:
0xad: {  	[tilespmem:s24], [sflag:$0x2] =	stream.indirect.gather [hbm4b:s1+s23], $0x40, s14, s23, $0xb8;
	[tilespmem:$0x18280] =	vst v63  }
0xae: {  	s14 =	smov.u32 s22  }
0xaf: {  	p1 =	seq.s32 s22, $0x13000;
	s22 =	sadd.s32 $0x400, s22;
	_ =	swait.ge [sflag:s25], $0x2000  }
0xb0: {  	s14 =	sshra.s32 s14, $0x2;
	[sflag:s25] =	ssyncset.done $0x0  }
0xb1: {  	s16 =	sadd.s32 $0x4E80, s14;
	[sflag:s25] =	ssyncadd.s32 $0xFFFFE000  }
0xb2: {  	[spmem:s3] =	stream.indirect.scatter.add.f32 [tilespmem:s19], [sflag:$0x3], $0x40, s16, s23, $0xb8;
	[tilespmem:$0x18280] =	vst v63  }
0xb3: {  	_ =	swait.ge [sflag:s20], $0x2000  }
0xb4: {  	[sflag:s20] =	ssyncset.done $0x0  }
0xb5: {  	[sflag:s20] =	ssyncadd.s32 $0xFFFFE000  }
0xb6: {  	[spmem:s4] =	stream.indirect.scatter.add.f32 [tilespmem:s26], [sflag:$0x3], $0x1, s16, s23, $0xb8;
	[tilespmem:$0x18280] =	vst v63  }
0xb7: {  	_ =	swait.ge [sflag:s20], $0x80  }
0xb8: {  	[sflag:s20] =	ssyncset.done $0x0  }
0xb9: {  	s16 =	sadd.s32 $0x100, s14;
	[sflag:s20] =	ssyncadd.s32 $0xFFFFFF80  }
0xba: {  	[tilespmem:s19], [sflag:$0x1] =	stream.indirect.gather [hbm4b:s1+s23], $0x40, s16, s23, $0xb8;
	[tilespmem:$0x18280] =	vst v63  }
0xbb: {  	_ =	swait.ge [sflag:s28], $0x2000  }
0xbc: {  	[sflag:s28] =	ssyncset.done $0x0  }
0xbd: {  	s16 =	sadd.s32 $0x4F00, s14;
	[sflag:s28] =	ssyncadd.s32 $0xFFFFE000  }
0xbe: {  	[spmem:s3] =	stream.indirect.scatter.add.f32 [tilespmem:s24], [sflag:$0x3], $0x40, s16, s23, $0xb8;
	[tilespmem:$0x18280] =	vst v63  }
0xbf: {  	_ =	swait.ge [sflag:s20], $0x2000  }
0xc0: {  	[sflag:s20] =	ssyncset.done $0x0  }
.Ltmp4:
0xc1: {  	[sflag:s20] =	ssyncadd.s32 $0xFFFFE000;
	(pc) =	sbr.rel @!p1 .LBB2_5-.Ltmp4, $4  }
0xc2: {  	[spmem:s4] =	stream.indirect.scatter.add.f32 [tilespmem:s26], [sflag:$0x3], $0x1, s16, s23, $0xb8;
	[tilespmem:$0x18280] =	vst v63  }
0xc3: {  	_ =	swait.ge [sflag:s20], $0x80  }
0xc4: {  	[sflag:s20] =	ssyncset.done $0x0  }
0xc5: {  	s14 =	sadd.s32 $0x180, s14;
	[sflag:s20] =	ssyncadd.s32 $0xFFFFFF80  }
0xc6: {  	[tilespmem:s24], [sflag:$0x2] =	stream.indirect.gather [hbm4b:s1+s23], $0x40, s14, s23, $0xb8;
	[tilespmem:$0x18280] =	vst v63  }
0xc7: {  	_ =	swait.ge [sflag:s25], $0x2000  }
0xc8: {  	[sflag:s25] =	ssyncset.done $0x0  }
0xc9: {  	[sflag:s25] =	ssyncadd.s32 $0xFFFFE000  }
0xca: {  	[spmem:s3] =	stream.indirect.scatter.add.f32 [tilespmem:s19], [sflag:$0x3], $0x40, s29, s23, $0xb8;
	[tilespmem:$0x18280] =	vst v63  }
0xcb: {  	_ =	swait.ge [sflag:s20], $0x2000  }
0xcc: {  	[sflag:s20] =	ssyncset.done $0x0  }
0xcd: {  	[sflag:s20] =	ssyncadd.s32 $0xFFFFE000  }
0xce: {  	[spmem:s4] =	stream.indirect.scatter.add.f32 [tilespmem:s26], [sflag:$0x3], $0x1, s29, s23, $0xb8;
	[tilespmem:$0x18280] =	vst v63  }
0xcf: {  	_ =	swait.ge [sflag:s20], $0x80  }
0xd0: {  	[sflag:s20] =	ssyncset.done $0x0  }
0xd1: {  	[sflag:s20] =	ssyncadd.s32 $0xFFFFFF80  }
0xd2: {  	[tilespmem:s19], [sflag:$0x1] =	stream.indirect.gather [hbm4b:s1+s23], $0x40, s30, s23, $0xb8;
	[tilespmem:$0x18280] =	vst v63  }
0xd3: {  	_ =	swait.ge [sflag:s28], $0x2000  }
0xd4: {  	[sflag:s28] =	ssyncset.done $0x0  }
0xd5: {  	[sflag:s28] =	ssyncadd.s32 $0xFFFFE000  }
0xd6: {  	[spmem:s3] =	stream.indirect.scatter.add.f32 [tilespmem:s24], [sflag:$0x3], $0x40, s31, s23, $0xb8;
	[tilespmem:$0x18280] =	vst v63  }
0xd7: {  	_ =	swait.ge [sflag:s20], $0x2000  }
0xd8: {  	[sflag:s20] =	ssyncset.done $0x0  }
0xd9: {  	[sflag:s20] =	ssyncadd.s32 $0xFFFFE000  }
0xda: {  	[spmem:s4] =	stream.indirect.scatter.add.f32 [tilespmem:s26], [sflag:$0x3], $0x1, s31, s23, $0xb8;
	[tilespmem:$0x18280] =	vst v63  }
0xdb: {  	_ =	swait.ge [sflag:s20], $0x80  }
0xdc: {  	[sflag:s20] =	ssyncset.done $0x0  }
0xdd: {  	[sflag:s20] =	ssyncadd.s32 $0xFFFFFF80  }
0xde: {  	_ =	swait.ge [sflag:s25], $0x2000  }
0xdf: {  	[sflag:s25] =	ssyncset.done $0x0  }
0xe0: {  	[sflag:s25] =	ssyncadd.s32 $0xFFFFE000  }
0xe1: {  	[spmem:s3] =	stream.indirect.scatter.add.f32 [tilespmem:s19], [sflag:$0x3], $0x40, s0, s23, $0xb8;
	[tilespmem:$0x18280] =	vst v63  }
0xe2: {  	_ =	swait.ge [sflag:s20], $0x2000  }
0xe3: {  	[sflag:s20] =	ssyncset.done $0x0  }
0xe4: {  	[sflag:s20] =	ssyncadd.s32 $0xFFFFE000  }
0xe5: {  	[spmem:s4] =	stream.indirect.scatter.add.f32 [tilespmem:s26], [sflag:$0x3], $0x1, s0, s23, $0xb8;
	[tilespmem:$0x18280] =	vst v63  }
0xe6: {  	_ =	swait.ge [sflag:s20], $0x80  }
0xe7: {  	[sflag:s20] =	ssyncset.done $0x0  }
0xe8: {  	[sflag:s20] =	ssyncadd.s32 $0xFFFFFF80  }
0xe9: {  	s16 =	sshll.u32 s2, $0x6;
	[bflag:$0x0] =	sbarrier.arrive $0xFFFF  }
0xea: {  	s14 =	sor.u32 $0x1C03, s16;
	s16 =	sshrl.u32 s7, $0x3;
	s17 =	rddreg [dreg:$0x6]  }
0xeb: {  	[hbm:s17], [sflag:s14] =	dma.local [spmem:s16], $0x1400  }
0xec: {  	_ =	swait.ge [sflag:s20], $0x1400  }
0xed: {  	s17 =	sshrl.u32 s15, $0x3;
	[sflag:s20] =	ssyncset.done $0x0  }
.Ltmp5:
0xee: {  	s22 =	rddreg [dreg:$0x7];
	[sflag:s20] =	ssyncadd.s32 $0xFFFFEC00;
	(pc) =	sbr.rel .LBB2_10-.Ltmp5, $4  }
0xef: {  	[hbm:s22], [sflag:s14] =	dma.local [spmem:s17], $0x50  }
0xf0: {  	_ =	swait.ge [sflag:s20], $0x50  }
0xf1: {  	[sflag:s20] =	ssyncset.done $0x0  }
0xf2: {  	[sflag:s20] =	ssyncadd.s32 $0xFFFFFFB0  }
.LBB2_7:
0xf3: {  	[bflag:$0x0] =	sbarrier.arrive $0xFFFF;
	s14 =	simm.s32 $0x0  }
0xf4: {  	[tilespmem:s14], [sflag:$0x3] =	stream.linear.gather [hbm4b:s12+s14], $0x4E80, $0x38;
	[tilespmem:$0x18280] =	vst v63  }
0xf5: {  	_ =	swait.ge [sflag:s20], $0x4E80  }
0xf6: {  	[sflag:s20] =	ssyncset.done $0x0  }
0xf7: {  	s16 =	simm.s32 $0x4E80;
	[sflag:s20] =	ssyncadd.s32 $0xFFFFB180  }
0xf8: {  	[tilespmem:s16], [sflag:$0x3] =	stream.linear.gather [hbm4b:s13+s14], $0x4E80, $0x38;
	[tilespmem:$0x18280] =	vst v63  }
0xf9: {  	_ =	swait.ge [sflag:s20], $0x4E80  }
0xfa: {  	[sflag:s20] =	ssyncset.done $0x0  }
0xfb: {  	[sflag:s20] =	ssyncadd.s32 $0xFFFFB180  }
0xfc: {  	[tilespmem:s19], [sflag:$0x1] =	stream.indirect.gather [hbm4b:s6+s23], $0x40, s14, s23, $0xb8;
	[tilespmem:$0x18280] =	vst v63  }
0xfd: {  	_ = 	snop  }
0xfe: {  	[tilespmem:s24], [sflag:$0x2] =	stream.indirect.gather [hbm4b:s6+s23], $0x40, s23, s23, $0xb8;
	[tilespmem:$0x18280] =	vst v63  }
0xff: {  	_ =	swait.ge [sflag:s25], $0x2000  }
0x100: {  	[sflag:s25] =	ssyncset.done $0x0  }
0x101: {  	s16 =	simm.s32 $0x4E80;
	[sflag:s25] =	ssyncadd.s32 $0xFFFFE000  }
0x102: {  	[spmem:s3] =	stream.indirect.scatter.add.f32 [tilespmem:s19], [sflag:$0x3], $0x40, s16, s23, $0xb8;
	[tilespmem:$0x18280] =	vst v63  }
0x103: {  	_ =	swait.ge [sflag:s20], $0x2000  }
0x104: {  	[sflag:s20] =	ssyncset.done $0x0  }
0x105: {  	s17 =	simm.s32 $0x100;
	[sflag:s20] =	ssyncadd.s32 $0xFFFFE000  }
0x106: {  	[tilespmem:s19], [sflag:$0x1] =	stream.indirect.gather [hbm4b:s6+s23], $0x40, s17, s23, $0xb8;
	[tilespmem:$0x18280] =	vst v63  }
0x107: {  	_ =	swait.ge [sflag:s28], $0x2000  }
0x108: {  	[sflag:s28] =	ssyncset.done $0x0  }
0x109: {  	s22 =	simm.s32 $0x4F00;
	[sflag:s28] =	ssyncadd.s32 $0xFFFFE000  }
0x10a: {  	[spmem:s3] =	stream.indirect.scatter.add.f32 [tilespmem:s24], [sflag:$0x3], $0x40, s22, s23, $0xb8;
	[tilespmem:$0x18280] =	vst v63  }
0x10b: {  	_ =	swait.ge [sflag:s20], $0x2000  }
0x10c: {  	[sflag:s20] =	ssyncset.done $0x0  }
0x10d: {  	s14 =	simm.s32 $0x180;
	s22 =	simm.s32 $0x400;
	[sflag:s20] =	ssyncadd.s32 $0xFFFFE000  }
.LBB2_8:
0x10e: {  	[tilespmem:s24], [sflag:$0x2] =	stream.indirect.gather [hbm4b:s6+s23], $0x40, s14, s23, $0xb8;
	[tilespmem:$0x18280] =	vst v63  }
0x10f: {  	s14 =	smov.u32 s22  }
0x110: {  	p1 =	sne.s32 s22, $0x13000;
	s22 =	sadd.s32 $0x400, s22;
	_ =	swait.ge [sflag:s25], $0x2000  }
0x111: {  	s14 =	sshra.s32 s14, $0x2;
	[sflag:s25] =	ssyncset.done $0x0  }
0x112: {  	s16 =	sadd.s32 $0x4E80, s14;
	[sflag:s25] =	ssyncadd.s32 $0xFFFFE000  }
0x113: {  	[spmem:s3] =	stream.indirect.scatter.add.f32 [tilespmem:s19], [sflag:$0x3], $0x40, s16, s23, $0xb8;
	[tilespmem:$0x18280] =	vst v63  }
0x114: {  	_ =	swait.ge [sflag:s20], $0x2000  }
0x115: {  	[sflag:s20] =	ssyncset.done $0x0  }
0x116: {  	s16 =	sadd.s32 $0x100, s14;
	[sflag:s20] =	ssyncadd.s32 $0xFFFFE000  }
0x117: {  	[tilespmem:s19], [sflag:$0x1] =	stream.indirect.gather [hbm4b:s6+s23], $0x40, s16, s23, $0xb8;
	[tilespmem:$0x18280] =	vst v63  }
0x118: {  	_ =	swait.ge [sflag:s28], $0x2000  }
0x119: {  	[sflag:s28] =	ssyncset.done $0x0  }
.Ltmp6:
0x11a: {  	s16 =	sadd.s32 $0x4F00, s14;
	[sflag:s28] =	ssyncadd.s32 $0xFFFFE000;
	(pc) =	sbr.rel @p1 .LBB2_8-.Ltmp6, $4  }
0x11b: {  	[spmem:s3] =	stream.indirect.scatter.add.f32 [tilespmem:s24], [sflag:$0x3], $0x40, s16, s23, $0xb8;
	[tilespmem:$0x18280] =	vst v63  }
0x11c: {  	_ =	swait.ge [sflag:s20], $0x2000  }
0x11d: {  	[sflag:s20] =	ssyncset.done $0x0  }
0x11e: {  	s14 =	sadd.s32 $0x180, s14;
	[sflag:s20] =	ssyncadd.s32 $0xFFFFE000  }
.Ltmp7:
0x11f: {  	_ = 	snop;
	(pc) =	sbr.rel .LBB2_9-.Ltmp7, $1  }
0x120: {  	_ =	sdelay $0x3  }
.LBB2_11:
0x121: {  	_ =	sfence.sel $0x180000  }
0x122: {  	[bflag:$0x0] =	sbarrier.arrive $0xFFFF  }
0x123: {  	_ =	strace $0x90000047  }
0x124: {  	[bflag:$0x2] =	sbarrier.arrive $0xFFFF  }
0x125: {  	p0 =	sne.s32 s2, $0x0;
	s0 =	rddreg [dreg:$0x4]  }
0x126: {  	s0 =	sadd.s32 @!p0 $0x100000, s0  }
0x127: {  	[sflag:s0] =	ssyncadd.tile.s32 @!p0 $0x1;
	_ =	shalt  }
.Lfunc_end2:
_tile_overlayer_lowered:
.L_overlay_start_2:
0x128: {  	(tag) =	ssettag $0x2  }
0x129: {  	s0 =	rddreg [dreg:$0x0];
	s2 =	stileid.u32  }
0x12a: {  	s1 =	rddreg [dreg:$0x1];
	p0 =	sne.s32 s2, $0x0  }
0x12b: {  	s3 =	rddreg [dreg:$0x2];
	[bflag:$0x3] =	sbarrier.arrive $0xFFFF;
	s2 =	simm.s32 @!p0 $0x1C03  }
0x12c: {  	[timem:s3], [sflag:s2] =	dma.local @!p0 [hbm:s0], s1  }
0x12d: {  	s0 =	simm.s32 @!p0 $0x3  }
0x12e: {  	_ =	swait.ge @!p0 [sflag:s0], s1  }
0x12f: {  	s1 =	ssub.s32 @!p0 $0x0, s1;
	[sflag:s0] =	ssyncset.done @!p0 $0x0  }
0x130: {  	[sflag:s0] =	ssyncadd.s32 @!p0 s1  }
0x131: {  	[bflag:$0x3] =	sbarrier.arrive $0xFFFF  }
0x132: {  	_ =	shalt  }

</sc_bundles>
